<compile_context>
chip_gen: v7x
topology: tpu7x:2x2x1
jax: 0.10.2.dev20260603
libtpu: 0.0.44.dev20260713+nightly
codegen_flags: <defaults>
</compile_context>

<pallas_src>
import functools

import jax
import jax.numpy as jnp
from jax import lax
from jax.experimental import pallas as pl
from jax.experimental.pallas import tpu as pltpu
from jax.experimental.pallas import tpu_sc as plsc

N_FIELDS = 26
VOCAB = 100000
BATCH = 16384

NW = 32
BCHUNK = BATCH // NW
HALF = N_FIELDS // 2

_mesh = plsc.VectorSubcoreMesh(core_axis_name="c", subcore_axis_name="s")


@functools.partial(
    pl.kernel,
    mesh=_mesh,
    out_type=jax.ShapeDtypeStruct((N_FIELDS, BATCH), jnp.float32),
    scratch_types=(
        [pltpu.VMEM((BCHUNK,), jnp.int32) for _ in range(N_FIELDS)]
        + [pltpu.VMEM((BCHUNK,), jnp.float32) for _ in range(N_FIELDS)]
        + [
            pltpu.SemaphoreType.DMA,
            pltpu.SemaphoreType.DMA,
            pltpu.SemaphoreType.DMA,
            pltpu.SemaphoreType.DMA,
        ]
    ),
)
def _fm_gather(idx_hbm, table_hbm, out_hbm, *refs):
    idx_v = refs[:N_FIELDS]
    vals_v = refs[N_FIELDS:2 * N_FIELDS]
    isem, gsem_a, gsem_b, osem = refs[2 * N_FIELDS:]
    wid = lax.axis_index("s") * 2 + lax.axis_index("c")
    col0 = wid * BCHUNK

    loads = [
        pltpu.async_copy(idx_hbm.at[f, pl.ds(col0, BCHUNK)], idx_v[f], isem)
        for f in range(N_FIELDS)
    ]
    for c in loads:
        c.wait()

    def gather(f, sem):
        return pltpu.async_copy(
            table_hbm.at[pl.ds(f * VOCAB, VOCAB)].at[idx_v[f]], vals_v[f], sem
        )

    def store(f):
        return pltpu.async_copy(vals_v[f], out_hbm.at[f, pl.ds(col0, BCHUNK)], osem)

    ga = [gather(f, gsem_a) for f in range(HALF)]
    gb = [gather(f, gsem_b) for f in range(HALF, N_FIELDS)]
    for g in ga:
        g.wait()
    sa = [store(f) for f in range(HALF)]
    for g in gb:
        g.wait()
    sb = [store(f) for f in range(HALF, N_FIELDS)]
    for c in sa + sb:
        c.wait()


def kernel(data_batch, tables):
    idx_t = data_batch.astype(jnp.int32).T
    table_flat = lax.optimization_barrier(tables[:, :, 0]).reshape(N_FIELDS * VOCAB)
    out_t = _fm_gather(idx_t, table_flat)
    return out_t.T

# --- scband reference (transcript-rebuilt; emitter-appended) ---
"""Pipeline reference for scband-torch-fm-6416681140362 (READ-ONLY COPY).

The authoritative reference and input builder live on the scoring server;
editing this copy changes nothing except your own understanding.
"""

import jax, jax.numpy as jnp
import numpy as np

N_FIELDS = 26
VOCAB = 100000
BATCH = 16384

def setup_inputs(seed: int = 0) -> dict:
    key = jax.random.key(seed)
    k1, k2 = jax.random.split(key)
    data_batch = jax.random.randint(k1, (BATCH, N_FIELDS), 0, VOCAB)
    # One embedding table per sparse field, each [VOCAB, 1], stacked -> [N_FIELDS, VOCAB, 1]
    tables = jax.random.normal(k2, (N_FIELDS, VOCAB, 1), dtype=jnp.float32)
    return {"data_batch": data_batch, "tables": tables}

def reference(data_batch, tables):
    # Per-field embedding lookup (nn.Embedding with dim=1), then concat along feature dim.
    # Faithful to the module's intended forward: x = [emb_i(data_batch[:, i])], cat(dim=1).
    outs = [jnp.take(tables[i], data_batch[:, i], axis=0) for i in range(N_FIELDS)]
    x = jnp.concatenate(outs, axis=1)  # [BATCH, N_FIELDS]
    return x

if __name__ == "__main__":
    import jax
    _d = setup_inputs()
    print(jax.jit(kernel)(*tuple(_d.values())))

</pallas_src>

<mosaic_0001>
#map = affine_map<(d0, d1) -> (0, 0)>
#map1 = affine_map<(d0, d1) -> (0)>
module attributes {stable_mosaic.version = 14 : i64} {
  func.func @_fm_gather(%arg0: i32, %arg1: i32, %arg2: memref<26x16384xi32, #tpu.memory_space<hbm>>, %arg3: memref<2600000xf32, #tpu.memory_space<hbm>>, %arg4: memref<26x16384xf32, #tpu.memory_space<hbm>>, %arg5: memref<512xi32, #tpu.memory_space<vmem>>, %arg6: memref<512xi32, #tpu.memory_space<vmem>>, %arg7: memref<512xi32, #tpu.memory_space<vmem>>, %arg8: memref<512xi32, #tpu.memory_space<vmem>>, %arg9: memref<512xi32, #tpu.memory_space<vmem>>, %arg10: memref<512xi32, #tpu.memory_space<vmem>>, %arg11: memref<512xi32, #tpu.memory_space<vmem>>, %arg12: memref<512xi32, #tpu.memory_space<vmem>>, %arg13: memref<512xi32, #tpu.memory_space<vmem>>, %arg14: memref<512xi32, #tpu.memory_space<vmem>>, %arg15: memref<512xi32, #tpu.memory_space<vmem>>, %arg16: memref<512xi32, #tpu.memory_space<vmem>>, %arg17: memref<512xi32, #tpu.memory_space<vmem>>, %arg18: memref<512xi32, #tpu.memory_space<vmem>>, %arg19: memref<512xi32, #tpu.memory_space<vmem>>, %arg20: memref<512xi32, #tpu.memory_space<vmem>>, %arg21: memref<512xi32, #tpu.memory_space<vmem>>, %arg22: memref<512xi32, #tpu.memory_space<vmem>>, %arg23: memref<512xi32, #tpu.memory_space<vmem>>, %arg24: memref<512xi32, #tpu.memory_space<vmem>>, %arg25: memref<512xi32, #tpu.memory_space<vmem>>, %arg26: memref<512xi32, #tpu.memory_space<vmem>>, %arg27: memref<512xi32, #tpu.memory_space<vmem>>, %arg28: memref<512xi32, #tpu.memory_space<vmem>>, %arg29: memref<512xi32, #tpu.memory_space<vmem>>, %arg30: memref<512xi32, #tpu.memory_space<vmem>>, %arg31: memref<512xf32, #tpu.memory_space<vmem>>, %arg32: memref<512xf32, #tpu.memory_space<vmem>>, %arg33: memref<512xf32, #tpu.memory_space<vmem>>, %arg34: memref<512xf32, #tpu.memory_space<vmem>>, %arg35: memref<512xf32, #tpu.memory_space<vmem>>, %arg36: memref<512xf32, #tpu.memory_space<vmem>>, %arg37: memref<512xf32, #tpu.memory_space<vmem>>, %arg38: memref<512xf32, #tpu.memory_space<vmem>>, %arg39: memref<512xf32, #tpu.memory_space<vmem>>, %arg40: memref<512xf32, #tpu.memory_space<vmem>>, %arg41: memref<512xf32, #tpu.memory_space<vmem>>, %arg42: memref<512xf32, #tpu.memory_space<vmem>>, %arg43: memref<512xf32, #tpu.memory_space<vmem>>, %arg44: memref<512xf32, #tpu.memory_space<vmem>>, %arg45: memref<512xf32, #tpu.memory_space<vmem>>, %arg46: memref<512xf32, #tpu.memory_space<vmem>>, %arg47: memref<512xf32, #tpu.memory_space<vmem>>, %arg48: memref<512xf32, #tpu.memory_space<vmem>>, %arg49: memref<512xf32, #tpu.memory_space<vmem>>, %arg50: memref<512xf32, #tpu.memory_space<vmem>>, %arg51: memref<512xf32, #tpu.memory_space<vmem>>, %arg52: memref<512xf32, #tpu.memory_space<vmem>>, %arg53: memref<512xf32, #tpu.memory_space<vmem>>, %arg54: memref<512xf32, #tpu.memory_space<vmem>>, %arg55: memref<512xf32, #tpu.memory_space<vmem>>, %arg56: memref<512xf32, #tpu.memory_space<vmem>>, %arg57: memref<!tpu.dma_semaphore, #tpu.memory_space<semaphore_mem>>, %arg58: memref<!tpu.dma_semaphore, #tpu.memory_space<semaphore_mem>>, %arg59: memref<!tpu.dma_semaphore, #tpu.memory_space<semaphore_mem>>, %arg60: memref<!tpu.dma_semaphore, #tpu.memory_space<semaphore_mem>>) attributes {dimension_semantics = [#tpu.dimension_semantics<core_parallel>, #tpu.dimension_semantics<subcore_parallel>], iteration_bounds = array<i64: 2, 16>, scalar_prefetch = 0 : i64, scratch_operands = 56 : i64, tpu.core_type = #tpu.core_type<sc_vector_subcore>, window_params = [{transform_indices = #map}, {transform_indices = #map1}, {transform_indices = #map}]} {
    %mul3A = arith.constant 2 : i32
    %mul3A_0 = arith.muli %arg1, %mul3A : i32
    %add3A = arith.addi %mul3A_0, %arg0 : i32
    %mul3A_1 = arith.constant 512 : i32
    %mul3A_2 = arith.muli %add3A, %mul3A_1 : i32
    %dma_start3A = arith.constant 0 : i32
    %dma_start3A_3 = tpu.memref_slice %arg2[%dma_start3A, %mul3A_2] : memref<26x16384xi32, #tpu.memory_space<hbm>> -> memref<1x512xi32, #tpu.memory_space<hbm>>
    %dma_start3A_4 = tpu.memref_squeeze %dma_start3A_3 : memref<1x512xi32, #tpu.memory_space<hbm>> -> memref<512xi32, #tpu.memory_space<hbm>>
    %dma_start3A_5 = tpu.memref_slice %arg2[%dma_start3A, %mul3A_2] : memref<26x16384xi32, #tpu.memory_space<hbm>> -> memref<1x512xi32, #tpu.memory_space<hbm>>
    %dma_start3A_6 = tpu.memref_squeeze %dma_start3A_5 : memref<1x512xi32, #tpu.memory_space<hbm>> -> memref<512xi32, #tpu.memory_space<hbm>>
    tpu.enqueue_dma source(%dma_start3A_6 : memref<512xi32, #tpu.memory_space<hbm>>) target(%arg5 : memref<512xi32, #tpu.memory_space<vmem>>) target_semaphore(%arg57 : memref<!tpu.dma_semaphore, #tpu.memory_space<semaphore_mem>>)
    %dma_start3A_7 = arith.constant 1 : i32
    %dma_start3A_8 = tpu.memref_slice %arg2[%dma_start3A_7, %mul3A_2] : memref<26x16384xi32, #tpu.memory_space<hbm>> -> memref<1x512xi32, #tpu.memory_space<hbm>>
    %dma_start3A_9 = tpu.memref_squeeze %dma_start3A_8 : memref<1x512xi32, #tpu.memory_space<hbm>> -> memref<512xi32, #tpu.memory_space<hbm>>
    %dma_start3A_10 = tpu.memref_slice %arg2[%dma_start3A_7, %mul3A_2] : memref<26x16384xi32, #tpu.memory_space<hbm>> -> memref<1x512xi32, #tpu.memory_space<hbm>>
    %dma_start3A_11 = tpu.memref_squeeze %dma_start3A_10 : memref<1x512xi32, #tpu.memory_space<hbm>> -> memref<512xi32, #tpu.memory_space<hbm>>
    tpu.enqueue_dma source(%dma_start3A_11 : memref<512xi32, #tpu.memory_space<hbm>>) target(%arg6 : memref<512xi32, #tpu.memory_space<vmem>>) target_semaphore(%arg57 : memref<!tpu.dma_semaphore, #tpu.memory_space<semaphore_mem>>)
    %dma_start3A_12 = arith.constant 2 : i32
    %dma_start3A_13 = tpu.memref_slice %arg2[%dma_start3A_12, %mul3A_2] : memref<26x16384xi32, #tpu.memory_space<hbm>> -> memref<1x512xi32, #tpu.memory_space<hbm>>
    %dma_start3A_14 = tpu.memref_squeeze %dma_start3A_13 : memref<1x512xi32, #tpu.memory_space<hbm>> -> memref<512xi32, #tpu.memory_space<hbm>>
    %dma_start3A_15 = tpu.memref_slice %arg2[%dma_start3A_12, %mul3A_2] : memref<26x16384xi32, #tpu.memory_space<hbm>> -> memref<1x512xi32, #tpu.memory_space<hbm>>
    %dma_start3A_16 = tpu.memref_squeeze %dma_start3A_15 : memref<1x512xi32, #tpu.memory_space<hbm>> -> memref<512xi32, #tpu.memory_space<hbm>>
    tpu.enqueue_dma source(%dma_start3A_16 : memref<512xi32, #tpu.memory_space<hbm>>) target(%arg7 : memref<512xi32, #tpu.memory_space<vmem>>) target_semaphore(%arg57 : memref<!tpu.dma_semaphore, #tpu.memory_space<semaphore_mem>>)
    %dma_start3A_17 = arith.constant 3 : i32
    %dma_start3A_18 = tpu.memref_slice %arg2[%dma_start3A_17, %mul3A_2] : memref<26x16384xi32, #tpu.memory_space<hbm>> -> memref<1x512xi32, #tpu.memory_space<hbm>>
    %dma_start3A_19 = tpu.memref_squeeze %dma_start3A_18 : memref<1x512xi32, #tpu.memory_space<hbm>> -> memref<512xi32, #tpu.memory_space<hbm>>
    %dma_start3A_20 = tpu.memref_slice %arg2[%dma_start3A_17, %mul3A_2] : memref<26x16384xi32, #tpu.memory_space<hbm>> -> memref<1x512xi32, #tpu.memory_space<hbm>>
    %dma_start3A_21 = tpu.memref_squeeze %dma_start3A_20 : memref<1x512xi32, #tpu.memory_space<hbm>> -> memref<512xi32, #tpu.memory_space<hbm>>
    tpu.enqueue_dma source(%dma_start3A_21 : memref<512xi32, #tpu.memory_space<hbm>>) target(%arg8 : memref<512xi32, #tpu.memory_space<vmem>>) target_semaphore(%arg57 : memref<!tpu.dma_semaphore, #tpu.memory_space<semaphore_mem>>)
    %dma_start3A_22 = arith.constant 4 : i32
    %dma_start3A_23 = tpu.memref_slice %arg2[%dma_start3A_22, %mul3A_2] : memref<26x16384xi32, #tpu.memory_space<hbm>> -> memref<1x512xi32, #tpu.memory_space<hbm>>
    %dma_start3A_24 = tpu.memref_squeeze %dma_start3A_23 : memref<1x512xi32, #tpu.memory_space<hbm>> -> memref<512xi32, #tpu.memory_space<hbm>>
    %dma_start3A_25 = tpu.memref_slice %arg2[%dma_start3A_22, %mul3A_2] : memref<26x16384xi32, #tpu.memory_space<hbm>> -> memref<1x512xi32, #tpu.memory_space<hbm>>
    %dma_start3A_26 = tpu.memref_squeeze %dma_start3A_25 : memref<1x512xi32, #tpu.memory_space<hbm>> -> memref<512xi32, #tpu.memory_space<hbm>>
    tpu.enqueue_dma source(%dma_start3A_26 : memref<512xi32, #tpu.memory_space<hbm>>) target(%arg9 : memref<512xi32, #tpu.memory_space<vmem>>) target_semaphore(%arg57 : memref<!tpu.dma_semaphore, #tpu.memory_space<semaphore_mem>>)
    %dma_start3A_27 = arith.constant 5 : i32
    %dma_start3A_28 = tpu.memref_slice %arg2[%dma_start3A_27, %mul3A_2] : memref<26x16384xi32, #tpu.memory_space<hbm>> -> memref<1x512xi32, #tpu.memory_space<hbm>>
    %dma_start3A_29 = tpu.memref_squeeze %dma_start3A_28 : memref<1x512xi32, #tpu.memory_space<hbm>> -> memref<512xi32, #tpu.memory_space<hbm>>
    %dma_start3A_30 = tpu.memref_slice %arg2[%dma_start3A_27, %mul3A_2] : memref<26x16384xi32, #tpu.memory_space<hbm>> -> memref<1x512xi32, #tpu.memory_space<hbm>>
    %dma_start3A_31 = tpu.memref_squeeze %dma_start3A_30 : memref<1x512xi32, #tpu.memory_space<hbm>> -> memref<512xi32, #tpu.memory_space<hbm>>
    tpu.enqueue_dma source(%dma_start3A_31 : memref<512xi32, #tpu.memory_space<hbm>>) target(%arg10 : memref<512xi32, #tpu.memory_space<vmem>>) target_semaphore(%arg57 : memref<!tpu.dma_semaphore, #tpu.memory_space<semaphore_mem>>)
    %dma_start3A_32 = arith.constant 6 : i32
    %dma_start3A_33 = tpu.memref_slice %arg2[%dma_start3A_32, %mul3A_2] : memref<26x16384xi32, #tpu.memory_space<hbm>> -> memref<1x512xi32, #tpu.memory_space<hbm>>
    %dma_start3A_34 = tpu.memref_squeeze %dma_start3A_33 : memref<1x512xi32, #tpu.memory_space<hbm>> -> memref<512xi32, #tpu.memory_space<hbm>>
    %dma_start3A_35 = tpu.memref_slice %arg2[%dma_start3A_32, %mul3A_2] : memref<26x16384xi32, #tpu.memory_space<hbm>> -> memref<1x512xi32, #tpu.memory_space<hbm>>
    %dma_start3A_36 = tpu.memref_squeeze %dma_start3A_35 : memref<1x512xi32, #tpu.memory_space<hbm>> -> memref<512xi32, #tpu.memory_space<hbm>>
    tpu.enqueue_dma source(%dma_start3A_36 : memref<512xi32, #tpu.memory_space<hbm>>) target(%arg11 : memref<512xi32, #tpu.memory_space<vmem>>) target_semaphore(%arg57 : memref<!tpu.dma_semaphore, #tpu.memory_space<semaphore_mem>>)
    %dma_start3A_37 = arith.constant 7 : i32
    %dma_start3A_38 = tpu.memref_slice %arg2[%dma_start3A_37, %mul3A_2] : memref<26x16384xi32, #tpu.memory_space<hbm>> -> memref<1x512xi32, #tpu.memory_space<hbm>>
    %dma_start3A_39 = tpu.memref_squeeze %dma_start3A_38 : memref<1x512xi32, #tpu.memory_space<hbm>> -> memref<512xi32, #tpu.memory_space<hbm>>
    %dma_start3A_40 = tpu.memref_slice %arg2[%dma_start3A_37, %mul3A_2] : memref<26x16384xi32, #tpu.memory_space<hbm>> -> memref<1x512xi32, #tpu.memory_space<hbm>>
    %dma_start3A_41 = tpu.memref_squeeze %dma_start3A_40 : memref<1x512xi32, #tpu.memory_space<hbm>> -> memref<512xi32, #tpu.memory_space<hbm>>
    tpu.enqueue_dma source(%dma_start3A_41 : memref<512xi32, #tpu.memory_space<hbm>>) target(%arg12 : memref<512xi32, #tpu.memory_space<vmem>>) target_semaphore(%arg57 : memref<!tpu.dma_semaphore, #tpu.memory_space<semaphore_mem>>)
    %dma_start3A_42 = arith.constant 8 : i32
    %dma_start3A_43 = tpu.memref_slice %arg2[%dma_start3A_42, %mul3A_2] : memref<26x16384xi32, #tpu.memory_space<hbm>> -> memref<1x512xi32, #tpu.memory_space<hbm>>
    %dma_start3A_44 = tpu.memref_squeeze %dma_start3A_43 : memref<1x512xi32, #tpu.memory_space<hbm>> -> memref<512xi32, #tpu.memory_space<hbm>>
    %dma_start3A_45 = tpu.memref_slice %arg2[%dma_start3A_42, %mul3A_2] : memref<26x16384xi32, #tpu.memory_space<hbm>> -> memref<1x512xi32, #tpu.memory_space<hbm>>
    %dma_start3A_46 = tpu.memref_squeeze %dma_start3A_45 : memref<1x512xi32, #tpu.memory_space<hbm>> -> memref<512xi32, #tpu.memory_space<hbm>>
    tpu.enqueue_dma source(%dma_start3A_46 : memref<512xi32, #tpu.memory_space<hbm>>) target(%arg13 : memref<512xi32, #tpu.memory_space<vmem>>) target_semaphore(%arg57 : memref<!tpu.dma_semaphore, #tpu.memory_space<semaphore_mem>>)
    %dma_start3A_47 = arith.constant 9 : i32
    %dma_start3A_48 = tpu.memref_slice %arg2[%dma_start3A_47, %mul3A_2] : memref<26x16384xi32, #tpu.memory_space<hbm>> -> memref<1x512xi32, #tpu.memory_space<hbm>>
    %dma_start3A_49 = tpu.memref_squeeze %dma_start3A_48 : memref<1x512xi32, #tpu.memory_space<hbm>> -> memref<512xi32, #tpu.memory_space<hbm>>
    %dma_start3A_50 = tpu.memref_slice %arg2[%dma_start3A_47, %mul3A_2] : memref<26x16384xi32, #tpu.memory_space<hbm>> -> memref<1x512xi32, #tpu.memory_space<hbm>>
    %dma_start3A_51 = tpu.memref_squeeze %dma_start3A_50 : memref<1x512xi32, #tpu.memory_space<hbm>> -> memref<512xi32, #tpu.memory_space<hbm>>
    tpu.enqueue_dma source(%dma_start3A_51 : memref<512xi32, #tpu.memory_space<hbm>>) target(%arg14 : memref<512xi32, #tpu.memory_space<vmem>>) target_semaphore(%arg57 : memref<!tpu.dma_semaphore, #tpu.memory_space<semaphore_mem>>)
    %dma_start3A_52 = arith.constant 10 : i32
    %dma_start3A_53 = tpu.memref_slice %arg2[%dma_start3A_52, %mul3A_2] : memref<26x16384xi32, #tpu.memory_space<hbm>> -> memref<1x512xi32, #tpu.memory_space<hbm>>
    %dma_start3A_54 = tpu.memref_squeeze %dma_start3A_53 : memref<1x512xi32, #tpu.memory_space<hbm>> -> memref<512xi32, #tpu.memory_space<hbm>>
    %dma_start3A_55 = tpu.memref_slice %arg2[%dma_start3A_52, %mul3A_2] : memref<26x16384xi32, #tpu.memory_space<hbm>> -> memref<1x512xi32, #tpu.memory_space<hbm>>
    %dma_start3A_56 = tpu.memref_squeeze %dma_start3A_55 : memref<1x512xi32, #tpu.memory_space<hbm>> -> memref<512xi32, #tpu.memory_space<hbm>>
    tpu.enqueue_dma source(%dma_start3A_56 : memref<512xi32, #tpu.memory_space<hbm>>) target(%arg15 : memref<512xi32, #tpu.memory_space<vmem>>) target_semaphore(%arg57 : memref<!tpu.dma_semaphore, #tpu.memory_space<semaphore_mem>>)
    %dma_start3A_57 = arith.constant 11 : i32
    %dma_start3A_58 = tpu.memref_slice %arg2[%dma_start3A_57, %mul3A_2] : memref<26x16384xi32, #tpu.memory_space<hbm>> -> memref<1x512xi32, #tpu.memory_space<hbm>>
    %dma_start3A_59 = tpu.memref_squeeze %dma_start3A_58 : memref<1x512xi32, #tpu.memory_space<hbm>> -> memref<512xi32, #tpu.memory_space<hbm>>
    %dma_start3A_60 = tpu.memref_slice %arg2[%dma_start3A_57, %mul3A_2] : memref<26x16384xi32, #tpu.memory_space<hbm>> -> memref<1x512xi32, #tpu.memory_space<hbm>>
    %dma_start3A_61 = tpu.memref_squeeze %dma_start3A_60 : memref<1x512xi32, #tpu.memory_space<hbm>> -> memref<512xi32, #tpu.memory_space<hbm>>
    tpu.enqueue_dma source(%dma_start3A_61 : memref<512xi32, #tpu.memory_space<hbm>>) target(%arg16 : memref<512xi32, #tpu.memory_space<vmem>>) target_semaphore(%arg57 : memref<!tpu.dma_semaphore, #tpu.memory_space<semaphore_mem>>)
    %dma_start3A_62 = arith.constant 12 : i32
    %dma_start3A_63 = tpu.memref_slice %arg2[%dma_start3A_62, %mul3A_2] : memref<26x16384xi32, #tpu.memory_space<hbm>> -> memref<1x512xi32, #tpu.memory_space<hbm>>
    %dma_start3A_64 = tpu.memref_squeeze %dma_start3A_63 : memref<1x512xi32, #tpu.memory_space<hbm>> -> memref<512xi32, #tpu.memory_space<hbm>>
    %dma_start3A_65 = tpu.memref_slice %arg2[%dma_start3A_62, %mul3A_2] : memref<26x16384xi32, #tpu.memory_space<hbm>> -> memref<1x512xi32, #tpu.memory_space<hbm>>
    %dma_start3A_66 = tpu.memref_squeeze %dma_start3A_65 : memref<1x512xi32, #tpu.memory_space<hbm>> -> memref<512xi32, #tpu.memory_space<hbm>>
    tpu.enqueue_dma source(%dma_start3A_66 : memref<512xi32, #tpu.memory_space<hbm>>) target(%arg17 : memref<512xi32, #tpu.memory_space<vmem>>) target_semaphore(%arg57 : memref<!tpu.dma_semaphore, #tpu.memory_space<semaphore_mem>>)
    %dma_start3A_67 = arith.constant 13 : i32
    %dma_start3A_68 = tpu.memref_slice %arg2[%dma_start3A_67, %mul3A_2] : memref<26x16384xi32, #tpu.memory_space<hbm>> -> memref<1x512xi32, #tpu.memory_space<hbm>>
    %dma_start3A_69 = tpu.memref_squeeze %dma_start3A_68 : memref<1x512xi32, #tpu.memory_space<hbm>> -> memref<512xi32, #tpu.memory_space<hbm>>
    %dma_start3A_70 = tpu.memref_slice %arg2[%dma_start3A_67, %mul3A_2] : memref<26x16384xi32, #tpu.memory_space<hbm>> -> memref<1x512xi32, #tpu.memory_space<hbm>>
    %dma_start3A_71 = tpu.memref_squeeze %dma_start3A_70 : memref<1x512xi32, #tpu.memory_space<hbm>> -> memref<512xi32, #tpu.memory_space<hbm>>
    tpu.enqueue_dma source(%dma_start3A_71 : memref<512xi32, #tpu.memory_space<hbm>>) target(%arg18 : memref<512xi32, #tpu.memory_space<vmem>>) target_semaphore(%arg57 : memref<!tpu.dma_semaphore, #tpu.memory_space<semaphore_mem>>)
    %dma_start3A_72 = arith.constant 14 : i32
    %dma_start3A_73 = tpu.memref_slice %arg2[%dma_start3A_72, %mul3A_2] : memref<26x16384xi32, #tpu.memory_space<hbm>> -> memref<1x512xi32, #tpu.memory_space<hbm>>
    %dma_start3A_74 = tpu.memref_squeeze %dma_start3A_73 : memref<1x512xi32, #tpu.memory_space<hbm>> -> memref<512xi32, #tpu.memory_space<hbm>>
    %dma_start3A_75 = tpu.memref_slice %arg2[%dma_start3A_72, %mul3A_2] : memref<26x16384xi32, #tpu.memory_space<hbm>> -> memref<1x512xi32, #tpu.memory_space<hbm>>
    %dma_start3A_76 = tpu.memref_squeeze %dma_start3A_75 : memref<1x512xi32, #tpu.memory_space<hbm>> -> memref<512xi32, #tpu.memory_space<hbm>>
    tpu.enqueue_dma source(%dma_start3A_76 : memref<512xi32, #tpu.memory_space<hbm>>) target(%arg19 : memref<512xi32, #tpu.memory_space<vmem>>) target_semaphore(%arg57 : memref<!tpu.dma_semaphore, #tpu.memory_space<semaphore_mem>>)
    %dma_start3A_77 = arith.constant 15 : i32
    %dma_start3A_78 = tpu.memref_slice %arg2[%dma_start3A_77, %mul3A_2] : memref<26x16384xi32, #tpu.memory_space<hbm>> -> memref<1x512xi32, #tpu.memory_space<hbm>>
    %dma_start3A_79 = tpu.memref_squeeze %dma_start3A_78 : memref<1x512xi32, #tpu.memory_space<hbm>> -> memref<512xi32, #tpu.memory_space<hbm>>
    %dma_start3A_80 = tpu.memref_slice %arg2[%dma_start3A_77, %mul3A_2] : memref<26x16384xi32, #tpu.memory_space<hbm>> -> memref<1x512xi32, #tpu.memory_space<hbm>>
    %dma_start3A_81 = tpu.memref_squeeze %dma_start3A_80 : memref<1x512xi32, #tpu.memory_space<hbm>> -> memref<512xi32, #tpu.memory_space<hbm>>
    tpu.enqueue_dma source(%dma_start3A_81 : memref<512xi32, #tpu.memory_space<hbm>>) target(%arg20 : memref<512xi32, #tpu.memory_space<vmem>>) target_semaphore(%arg57 : memref<!tpu.dma_semaphore, #tpu.memory_space<semaphore_mem>>)
    %dma_start3A_82 = arith.constant 16 : i32
    %dma_start3A_83 = tpu.memref_slice %arg2[%dma_start3A_82, %mul3A_2] : memref<26x16384xi32, #tpu.memory_space<hbm>> -> memref<1x512xi32, #tpu.memory_space<hbm>>
    %dma_start3A_84 = tpu.memref_squeeze %dma_start3A_83 : memref<1x512xi32, #tpu.memory_space<hbm>> -> memref<512xi32, #tpu.memory_space<hbm>>
    %dma_start3A_85 = tpu.memref_slice %arg2[%dma_start3A_82, %mul3A_2] : memref<26x16384xi32, #tpu.memory_space<hbm>> -> memref<1x512xi32, #tpu.memory_space<hbm>>
    %dma_start3A_86 = tpu.memref_squeeze %dma_start3A_85 : memref<1x512xi32, #tpu.memory_space<hbm>> -> memref<512xi32, #tpu.memory_space<hbm>>
    tpu.enqueue_dma source(%dma_start3A_86 : memref<512xi32, #tpu.memory_space<hbm>>) target(%arg21 : memref<512xi32, #tpu.memory_space<vmem>>) target_semaphore(%arg57 : memref<!tpu.dma_semaphore, #tpu.memory_space<semaphore_mem>>)
    %dma_start3A_87 = arith.constant 17 : i32
    %dma_start3A_88 = tpu.memref_slice %arg2[%dma_start3A_87, %mul3A_2] : memref<26x16384xi32, #tpu.memory_space<hbm>> -> memref<1x512xi32, #tpu.memory_space<hbm>>
    %dma_start3A_89 = tpu.memref_squeeze %dma_start3A_88 : memref<1x512xi32, #tpu.memory_space<hbm>> -> memref<512xi32, #tpu.memory_space<hbm>>
    %dma_start3A_90 = tpu.memref_slice %arg2[%dma_start3A_87, %mul3A_2] : memref<26x16384xi32, #tpu.memory_space<hbm>> -> memref<1x512xi32, #tpu.memory_space<hbm>>
    %dma_start3A_91 = tpu.memref_squeeze %dma_start3A_90 : memref<1x512xi32, #tpu.memory_space<hbm>> -> memref<512xi32, #tpu.memory_space<hbm>>
    tpu.enqueue_dma source(%dma_start3A_91 : memref<512xi32, #tpu.memory_space<hbm>>) target(%arg22 : memref<512xi32, #tpu.memory_space<vmem>>) target_semaphore(%arg57 : memref<!tpu.dma_semaphore, #tpu.memory_space<semaphore_mem>>)
    %dma_start3A_92 = arith.constant 18 : i32
    %dma_start3A_93 = tpu.memref_slice %arg2[%dma_start3A_92, %mul3A_2] : memref<26x16384xi32, #tpu.memory_space<hbm>> -> memref<1x512xi32, #tpu.memory_space<hbm>>
    %dma_start3A_94 = tpu.memref_squeeze %dma_start3A_93 : memref<1x512xi32, #tpu.memory_space<hbm>> -> memref<512xi32, #tpu.memory_space<hbm>>
    %dma_start3A_95 = tpu.memref_slice %arg2[%dma_start3A_92, %mul3A_2] : memref<26x16384xi32, #tpu.memory_space<hbm>> -> memref<1x512xi32, #tpu.memory_space<hbm>>
    %dma_start3A_96 = tpu.memref_squeeze %dma_start3A_95 : memref<1x512xi32, #tpu.memory_space<hbm>> -> memref<512xi32, #tpu.memory_space<hbm>>
    tpu.enqueue_dma source(%dma_start3A_96 : memref<512xi32, #tpu.memory_space<hbm>>) target(%arg23 : memref<512xi32, #tpu.memory_space<vmem>>) target_semaphore(%arg57 : memref<!tpu.dma_semaphore, #tpu.memory_space<semaphore_mem>>)
    %dma_start3A_97 = arith.constant 19 : i32
    %dma_start3A_98 = tpu.memref_slice %arg2[%dma_start3A_97, %mul3A_2] : memref<26x16384xi32, #tpu.memory_space<hbm>> -> memref<1x512xi32, #tpu.memory_space<hbm>>
    %dma_start3A_99 = tpu.memref_squeeze %dma_start3A_98 : memref<1x512xi32, #tpu.memory_space<hbm>> -> memref<512xi32, #tpu.memory_space<hbm>>
    %dma_start3A_100 = tpu.memref_slice %arg2[%dma_start3A_97, %mul3A_2] : memref<26x16384xi32, #tpu.memory_space<hbm>> -> memref<1x512xi32, #tpu.memory_space<hbm>>
    %dma_start3A_101 = tpu.memref_squeeze %dma_start3A_100 : memref<1x512xi32, #tpu.memory_space<hbm>> -> memref<512xi32, #tpu.memory_space<hbm>>
    tpu.enqueue_dma source(%dma_start3A_101 : memref<512xi32, #tpu.memory_space<hbm>>) target(%arg24 : memref<512xi32, #tpu.memory_space<vmem>>) target_semaphore(%arg57 : memref<!tpu.dma_semaphore, #tpu.memory_space<semaphore_mem>>)
    %dma_start3A_102 = arith.constant 20 : i32
    %dma_start3A_103 = tpu.memref_slice %arg2[%dma_start3A_102, %mul3A_2] : memref<26x16384xi32, #tpu.memory_space<hbm>> -> memref<1x512xi32, #tpu.memory_space<hbm>>
    %dma_start3A_104 = tpu.memref_squeeze %dma_start3A_103 : memref<1x512xi32, #tpu.memory_space<hbm>> -> memref<512xi32, #tpu.memory_space<hbm>>
    %dma_start3A_105 = tpu.memref_slice %arg2[%dma_start3A_102, %mul3A_2] : memref<26x16384xi32, #tpu.memory_space<hbm>> -> memref<1x512xi32, #tpu.memory_space<hbm>>
    %dma_start3A_106 = tpu.memref_squeeze %dma_start3A_105 : memref<1x512xi32, #tpu.memory_space<hbm>> -> memref<512xi32, #tpu.memory_space<hbm>>
    tpu.enqueue_dma source(%dma_start3A_106 : memref<512xi32, #tpu.memory_space<hbm>>) target(%arg25 : memref<512xi32, #tpu.memory_space<vmem>>) target_semaphore(%arg57 : memref<!tpu.dma_semaphore, #tpu.memory_space<semaphore_mem>>)
    %dma_start3A_107 = arith.constant 21 : i32
    %dma_start3A_108 = tpu.memref_slice %arg2[%dma_start3A_107, %mul3A_2] : memref<26x16384xi32, #tpu.memory_space<hbm>> -> memref<1x512xi32, #tpu.memory_space<hbm>>
    %dma_start3A_109 = tpu.memref_squeeze %dma_start3A_108 : memref<1x512xi32, #tpu.memory_space<hbm>> -> memref<512xi32, #tpu.memory_space<hbm>>
    %dma_start3A_110 = tpu.memref_slice %arg2[%dma_start3A_107, %mul3A_2] : memref<26x16384xi32, #tpu.memory_space<hbm>> -> memref<1x512xi32, #tpu.memory_space<hbm>>
    %dma_start3A_111 = tpu.memref_squeeze %dma_start3A_110 : memref<1x512xi32, #tpu.memory_space<hbm>> -> memref<512xi32, #tpu.memory_space<hbm>>
    tpu.enqueue_dma source(%dma_start3A_111 : memref<512xi32, #tpu.memory_space<hbm>>) target(%arg26 : memref<512xi32, #tpu.memory_space<vmem>>) target_semaphore(%arg57 : memref<!tpu.dma_semaphore, #tpu.memory_space<semaphore_mem>>)
    %dma_start3A_112 = arith.constant 22 : i32
    %dma_start3A_113 = tpu.memref_slice %arg2[%dma_start3A_112, %mul3A_2] : memref<26x16384xi32, #tpu.memory_space<hbm>> -> memref<1x512xi32, #tpu.memory_space<hbm>>
    %dma_start3A_114 = tpu.memref_squeeze %dma_start3A_113 : memref<1x512xi32, #tpu.memory_space<hbm>> -> memref<512xi32, #tpu.memory_space<hbm>>
    %dma_start3A_115 = tpu.memref_slice %arg2[%dma_start3A_112, %mul3A_2] : memref<26x16384xi32, #tpu.memory_space<hbm>> -> memref<1x512xi32, #tpu.memory_space<hbm>>
    %dma_start3A_116 = tpu.memref_squeeze %dma_start3A_115 : memref<1x512xi32, #tpu.memory_space<hbm>> -> memref<512xi32, #tpu.memory_space<hbm>>
    tpu.enqueue_dma source(%dma_start3A_116 : memref<512xi32, #tpu.memory_space<hbm>>) target(%arg27 : memref<512xi32, #tpu.memory_space<vmem>>) target_semaphore(%arg57 : memref<!tpu.dma_semaphore, #tpu.memory_space<semaphore_mem>>)
    %dma_start3A_117 = arith.constant 23 : i32
    %dma_start3A_118 = tpu.memref_slice %arg2[%dma_start3A_117, %mul3A_2] : memref<26x16384xi32, #tpu.memory_space<hbm>> -> memref<1x512xi32, #tpu.memory_space<hbm>>
    %dma_start3A_119 = tpu.memref_squeeze %dma_start3A_118 : memref<1x512xi32, #tpu.memory_space<hbm>> -> memref<512xi32, #tpu.memory_space<hbm>>
    %dma_start3A_120 = tpu.memref_slice %arg2[%dma_start3A_117, %mul3A_2] : memref<26x16384xi32, #tpu.memory_space<hbm>> -> memref<1x512xi32, #tpu.memory_space<hbm>>
    %dma_start3A_121 = tpu.memref_squeeze %dma_start3A_120 : memref<1x512xi32, #tpu.memory_space<hbm>> -> memref<512xi32, #tpu.memory_space<hbm>>
    tpu.enqueue_dma source(%dma_start3A_121 : memref<512xi32, #tpu.memory_space<hbm>>) target(%arg28 : memref<512xi32, #tpu.memory_space<vmem>>) target_semaphore(%arg57 : memref<!tpu.dma_semaphore, #tpu.memory_space<semaphore_mem>>)
    %dma_start3A_122 = arith.constant 24 : i32
    %dma_start3A_123 = tpu.memref_slice %arg2[%dma_start3A_122, %mul3A_2] : memref<26x16384xi32, #tpu.memory_space<hbm>> -> memref<1x512xi32, #tpu.memory_space<hbm>>
    %dma_start3A_124 = tpu.memref_squeeze %dma_start3A_123 : memref<1x512xi32, #tpu.memory_space<hbm>> -> memref<512xi32, #tpu.memory_space<hbm>>
    %dma_start3A_125 = tpu.memref_slice %arg2[%dma_start3A_122, %mul3A_2] : memref<26x16384xi32, #tpu.memory_space<hbm>> -> memref<1x512xi32, #tpu.memory_space<hbm>>
    %dma_start3A_126 = tpu.memref_squeeze %dma_start3A_125 : memref<1x512xi32, #tpu.memory_space<hbm>> -> memref<512xi32, #tpu.memory_space<hbm>>
    tpu.enqueue_dma source(%dma_start3A_126 : memref<512xi32, #tpu.memory_space<hbm>>) target(%arg29 : memref<512xi32, #tpu.memory_space<vmem>>) target_semaphore(%arg57 : memref<!tpu.dma_semaphore, #tpu.memory_space<semaphore_mem>>)
    %dma_start3A_127 = arith.constant 25 : i32
    %dma_start3A_128 = tpu.memref_slice %arg2[%dma_start3A_127, %mul3A_2] : memref<26x16384xi32, #tpu.memory_space<hbm>> -> memref<1x512xi32, #tpu.memory_space<hbm>>
    %dma_start3A_129 = tpu.memref_squeeze %dma_start3A_128 : memref<1x512xi32, #tpu.memory_space<hbm>> -> memref<512xi32, #tpu.memory_space<hbm>>
    %dma_start3A_130 = tpu.memref_slice %arg2[%dma_start3A_127, %mul3A_2] : memref<26x16384xi32, #tpu.memory_space<hbm>> -> memref<1x512xi32, #tpu.memory_space<hbm>>
    %dma_start3A_131 = tpu.memref_squeeze %dma_start3A_130 : memref<1x512xi32, #tpu.memory_space<hbm>> -> memref<512xi32, #tpu.memory_space<hbm>>
    tpu.enqueue_dma source(%dma_start3A_131 : memref<512xi32, #tpu.memory_space<hbm>>) target(%arg30 : memref<512xi32, #tpu.memory_space<vmem>>) target_semaphore(%arg57 : memref<!tpu.dma_semaphore, #tpu.memory_space<semaphore_mem>>)
    %dma_wait3A = arith.constant 0 : i32
    %dma_wait3A_132 = tpu.memref_slice %arg2[%dma_wait3A, %mul3A_2] : memref<26x16384xi32, #tpu.memory_space<hbm>> -> memref<1x512xi32, #tpu.memory_space<hbm>>
    %dma_wait3A_133 = tpu.memref_squeeze %dma_wait3A_132 : memref<1x512xi32, #tpu.memory_space<hbm>> -> memref<512xi32, #tpu.memory_space<hbm>>
    %dma_wait3A_134 = tpu.memref_slice %arg2[%dma_wait3A, %mul3A_2] : memref<26x16384xi32, #tpu.memory_space<hbm>> -> memref<1x512xi32, #tpu.memory_space<hbm>>
    %dma_wait3A_135 = tpu.memref_squeeze %dma_wait3A_134 : memref<1x512xi32, #tpu.memory_space<hbm>> -> memref<512xi32, #tpu.memory_space<hbm>>
    tpu.wait_dma2 semaphore(%arg57 : memref<!tpu.dma_semaphore, #tpu.memory_space<semaphore_mem>>) src(%dma_wait3A_135 : memref<512xi32, #tpu.memory_space<hbm>>) dst(%arg5 : memref<512xi32, #tpu.memory_space<vmem>>)
    %dma_wait3A_136 = arith.constant 1 : i32
    %dma_wait3A_137 = tpu.memref_slice %arg2[%dma_wait3A_136, %mul3A_2] : memref<26x16384xi32, #tpu.memory_space<hbm>> -> memref<1x512xi32, #tpu.memory_space<hbm>>
    %dma_wait3A_138 = tpu.memref_squeeze %dma_wait3A_137 : memref<1x512xi32, #tpu.memory_space<hbm>> -> memref<512xi32, #tpu.memory_space<hbm>>
    %dma_wait3A_139 = tpu.memref_slice %arg2[%dma_wait3A_136, %mul3A_2] : memref<26x16384xi32, #tpu.memory_space<hbm>> -> memref<1x512xi32, #tpu.memory_space<hbm>>
    %dma_wait3A_140 = tpu.memref_squeeze %dma_wait3A_139 : memref<1x512xi32, #tpu.memory_space<hbm>> -> memref<512xi32, #tpu.memory_space<hbm>>
    tpu.wait_dma2 semaphore(%arg57 : memref<!tpu.dma_semaphore, #tpu.memory_space<semaphore_mem>>) src(%dma_wait3A_140 : memref<512xi32, #tpu.memory_space<hbm>>) dst(%arg6 : memref<512xi32, #tpu.memory_space<vmem>>)
    %dma_wait3A_141 = arith.constant 2 : i32
    %dma_wait3A_142 = tpu.memref_slice %arg2[%dma_wait3A_141, %mul3A_2] : memref<26x16384xi32, #tpu.memory_space<hbm>> -> memref<1x512xi32, #tpu.memory_space<hbm>>
    %dma_wait3A_143 = tpu.memref_squeeze %dma_wait3A_142 : memref<1x512xi32, #tpu.memory_space<hbm>> -> memref<512xi32, #tpu.memory_space<hbm>>
    %dma_wait3A_144 = tpu.memref_slice %arg2[%dma_wait3A_141, %mul3A_2] : memref<26x16384xi32, #tpu.memory_space<hbm>> -> memref<1x512xi32, #tpu.memory_space<hbm>>
    %dma_wait3A_145 = tpu.memref_squeeze %dma_wait3A_144 : memref<1x512xi32, #tpu.memory_space<hbm>> -> memref<512xi32, #tpu.memory_space<hbm>>
    tpu.wait_dma2 semaphore(%arg57 : memref<!tpu.dma_semaphore, #tpu.memory_space<semaphore_mem>>) src(%dma_wait3A_145 : memref<512xi32, #tpu.memory_space<hbm>>) dst(%arg7 : memref<512xi32, #tpu.memory_space<vmem>>)
    %dma_wait3A_146 = arith.constant 3 : i32
    %dma_wait3A_147 = tpu.memref_slice %arg2[%dma_wait3A_146, %mul3A_2] : memref<26x16384xi32, #tpu.memory_space<hbm>> -> memref<1x512xi32, #tpu.memory_space<hbm>>
    %dma_wait3A_148 = tpu.memref_squeeze %dma_wait3A_147 : memref<1x512xi32, #tpu.memory_space<hbm>> -> memref<512xi32, #tpu.memory_space<hbm>>
    %dma_wait3A_149 = tpu.memref_slice %arg2[%dma_wait3A_146, %mul3A_2] : memref<26x16384xi32, #tpu.memory_space<hbm>> -> memref<1x512xi32, #tpu.memory_space<hbm>>
    %dma_wait3A_150 = tpu.memref_squeeze %dma_wait3A_149 : memref<1x512xi32, #tpu.memory_space<hbm>> -> memref<512xi32, #tpu.memory_space<hbm>>
    tpu.wait_dma2 semaphore(%arg57 : memref<!tpu.dma_semaphore, #tpu.memory_space<semaphore_mem>>) src(%dma_wait3A_150 : memref<512xi32, #tpu.memory_space<hbm>>) dst(%arg8 : memref<512xi32, #tpu.memory_space<vmem>>)
    %dma_wait3A_151 = arith.constant 4 : i32
    %dma_wait3A_152 = tpu.memref_slice %arg2[%dma_wait3A_151, %mul3A_2] : memref<26x16384xi32, #tpu.memory_space<hbm>> -> memref<1x512xi32, #tpu.memory_space<hbm>>
    %dma_wait3A_153 = tpu.memref_squeeze %dma_wait3A_152 : memref<1x512xi32, #tpu.memory_space<hbm>> -> memref<512xi32, #tpu.memory_space<hbm>>
    %dma_wait3A_154 = tpu.memref_slice %arg2[%dma_wait3A_151, %mul3A_2] : memref<26x16384xi32, #tpu.memory_space<hbm>> -> memref<1x512xi32, #tpu.memory_space<hbm>>
    %dma_wait3A_155 = tpu.memref_squeeze %dma_wait3A_154 : memref<1x512xi32, #tpu.memory_space<hbm>> -> memref<512xi32, #tpu.memory_space<hbm>>
    tpu.wait_dma2 semaphore(%arg57 : memref<!tpu.dma_semaphore, #tpu.memory_space<semaphore_mem>>) src(%dma_wait3A_155 : memref<512xi32, #tpu.memory_space<hbm>>) dst(%arg9 : memref<512xi32, #tpu.memory_space<vmem>>)
    %dma_wait3A_156 = arith.constant 5 : i32
    %dma_wait3A_157 = tpu.memref_slice %arg2[%dma_wait3A_156, %mul3A_2] : memref<26x16384xi32, #tpu.memory_space<hbm>> -> memref<1x512xi32, #tpu.memory_space<hbm>>
    %dma_wait3A_158 = tpu.memref_squeeze %dma_wait3A_157 : memref<1x512xi32, #tpu.memory_space<hbm>> -> memref<512xi32, #tpu.memory_space<hbm>>
    %dma_wait3A_159 = tpu.memref_slice %arg2[%dma_wait3A_156, %mul3A_2] : memref<26x16384xi32, #tpu.memory_space<hbm>> -> memref<1x512xi32, #tpu.memory_space<hbm>>
    %dma_wait3A_160 = tpu.memref_squeeze %dma_wait3A_159 : memref<1x512xi32, #tpu.memory_space<hbm>> -> memref<512xi32, #tpu.memory_space<hbm>>
    tpu.wait_dma2 semaphore(%arg57 : memref<!tpu.dma_semaphore, #tpu.memory_space<semaphore_mem>>) src(%dma_wait3A_160 : memref<512xi32, #tpu.memory_space<hbm>>) dst(%arg10 : memref<512xi32, #tpu.memory_space<vmem>>)
    %dma_wait3A_161 = arith.constant 6 : i32
    %dma_wait3A_162 = tpu.memref_slice %arg2[%dma_wait3A_161, %mul3A_2] : memref<26x16384xi32, #tpu.memory_space<hbm>> -> memref<1x512xi32, #tpu.memory_space<hbm>>
    %dma_wait3A_163 = tpu.memref_squeeze %dma_wait3A_162 : memref<1x512xi32, #tpu.memory_space<hbm>> -> memref<512xi32, #tpu.memory_space<hbm>>
    %dma_wait3A_164 = tpu.memref_slice %arg2[%dma_wait3A_161, %mul3A_2] : memref<26x16384xi32, #tpu.memory_space<hbm>> -> memref<1x512xi32, #tpu.memory_space<hbm>>
    %dma_wait3A_165 = tpu.memref_squeeze %dma_wait3A_164 : memref<1x512xi32, #tpu.memory_space<hbm>> -> memref<512xi32, #tpu.memory_space<hbm>>
    tpu.wait_dma2 semaphore(%arg57 : memref<!tpu.dma_semaphore, #tpu.memory_space<semaphore_mem>>) src(%dma_wait3A_165 : memref<512xi32, #tpu.memory_space<hbm>>) dst(%arg11 : memref<512xi32, #tpu.memory_space<vmem>>)
    %dma_wait3A_166 = arith.constant 7 : i32
    %dma_wait3A_167 = tpu.memref_slice %arg2[%dma_wait3A_166, %mul3A_2] : memref<26x16384xi32, #tpu.memory_space<hbm>> -> memref<1x512xi32, #tpu.memory_space<hbm>>
    %dma_wait3A_168 = tpu.memref_squeeze %dma_wait3A_167 : memref<1x512xi32, #tpu.memory_space<hbm>> -> memref<512xi32, #tpu.memory_space<hbm>>
    %dma_wait3A_169 = tpu.memref_slice %arg2[%dma_wait3A_166, %mul3A_2] : memref<26x16384xi32, #tpu.memory_space<hbm>> -> memref<1x512xi32, #tpu.memory_space<hbm>>
    %dma_wait3A_170 = tpu.memref_squeeze %dma_wait3A_169 : memref<1x512xi32, #tpu.memory_space<hbm>> -> memref<512xi32, #tpu.memory_space<hbm>>
    tpu.wait_dma2 semaphore(%arg57 : memref<!tpu.dma_semaphore, #tpu.memory_space<semaphore_mem>>) src(%dma_wait3A_170 : memref<512xi32, #tpu.memory_space<hbm>>) dst(%arg12 : memref<512xi32, #tpu.memory_space<vmem>>)
    %dma_wait3A_171 = arith.constant 8 : i32
    %dma_wait3A_172 = tpu.memref_slice %arg2[%dma_wait3A_171, %mul3A_2] : memref<26x16384xi32, #tpu.memory_space<hbm>> -> memref<1x512xi32, #tpu.memory_space<hbm>>
    %dma_wait3A_173 = tpu.memref_squeeze %dma_wait3A_172 : memref<1x512xi32, #tpu.memory_space<hbm>> -> memref<512xi32, #tpu.memory_space<hbm>>
    %dma_wait3A_174 = tpu.memref_slice %arg2[%dma_wait3A_171, %mul3A_2] : memref<26x16384xi32, #tpu.memory_space<hbm>> -> memref<1x512xi32, #tpu.memory_space<hbm>>
    %dma_wait3A_175 = tpu.memref_squeeze %dma_wait3A_174 : memref<1x512xi32, #tpu.memory_space<hbm>> -> memref<512xi32, #tpu.memory_space<hbm>>
    tpu.wait_dma2 semaphore(%arg57 : memref<!tpu.dma_semaphore, #tpu.memory_space<semaphore_mem>>) src(%dma_wait3A_175 : memref<512xi32, #tpu.memory_space<hbm>>) dst(%arg13 : memref<512xi32, #tpu.memory_space<vmem>>)
    %dma_wait3A_176 = arith.constant 9 : i32
    %dma_wait3A_177 = tpu.memref_slice %arg2[%dma_wait3A_176, %mul3A_2] : memref<26x16384xi32, #tpu.memory_space<hbm>> -> memref<1x512xi32, #tpu.memory_space<hbm>>
    %dma_wait3A_178 = tpu.memref_squeeze %dma_wait3A_177 : memref<1x512xi32, #tpu.memory_space<hbm>> -> memref<512xi32, #tpu.memory_space<hbm>>
    %dma_wait3A_179 = tpu.memref_slice %arg2[%dma_wait3A_176, %mul3A_2] : memref<26x16384xi32, #tpu.memory_space<hbm>> -> memref<1x512xi32, #tpu.memory_space<hbm>>
    %dma_wait3A_180 = tpu.memref_squeeze %dma_wait3A_179 : memref<1x512xi32, #tpu.memory_space<hbm>> -> memref<512xi32, #tpu.memory_space<hbm>>
    tpu.wait_dma2 semaphore(%arg57 : memref<!tpu.dma_semaphore, #tpu.memory_space<semaphore_mem>>) src(%dma_wait3A_180 : memref<512xi32, #tpu.memory_space<hbm>>) dst(%arg14 : memref<512xi32, #tpu.memory_space<vmem>>)
    %dma_wait3A_181 = arith.constant 10 : i32
    %dma_wait3A_182 = tpu.memref_slice %arg2[%dma_wait3A_181, %mul3A_2] : memref<26x16384xi32, #tpu.memory_space<hbm>> -> memref<1x512xi32, #tpu.memory_space<hbm>>
    %dma_wait3A_183 = tpu.memref_squeeze %dma_wait3A_182 : memref<1x512xi32, #tpu.memory_space<hbm>> -> memref<512xi32, #tpu.memory_space<hbm>>
    %dma_wait3A_184 = tpu.memref_slice %arg2[%dma_wait3A_181, %mul3A_2] : memref<26x16384xi32, #tpu.memory_space<hbm>> -> memref<1x512xi32, #tpu.memory_space<hbm>>
    %dma_wait3A_185 = tpu.memref_squeeze %dma_wait3A_184 : memref<1x512xi32, #tpu.memory_space<hbm>> -> memref<512xi32, #tpu.memory_space<hbm>>
    tpu.wait_dma2 semaphore(%arg57 : memref<!tpu.dma_semaphore, #tpu.memory_space<semaphore_mem>>) src(%dma_wait3A_185 : memref<512xi32, #tpu.memory_space<hbm>>) dst(%arg15 : memref<512xi32, #tpu.memory_space<vmem>>)
    %dma_wait3A_186 = arith.constant 11 : i32
    %dma_wait3A_187 = tpu.memref_slice %arg2[%dma_wait3A_186, %mul3A_2] : memref<26x16384xi32, #tpu.memory_space<hbm>> -> memref<1x512xi32, #tpu.memory_space<hbm>>
    %dma_wait3A_188 = tpu.memref_squeeze %dma_wait3A_187 : memref<1x512xi32, #tpu.memory_space<hbm>> -> memref<512xi32, #tpu.memory_space<hbm>>
    %dma_wait3A_189 = tpu.memref_slice %arg2[%dma_wait3A_186, %mul3A_2] : memref<26x16384xi32, #tpu.memory_space<hbm>> -> memref<1x512xi32, #tpu.memory_space<hbm>>
    %dma_wait3A_190 = tpu.memref_squeeze %dma_wait3A_189 : memref<1x512xi32, #tpu.memory_space<hbm>> -> memref<512xi32, #tpu.memory_space<hbm>>
    tpu.wait_dma2 semaphore(%arg57 : memref<!tpu.dma_semaphore, #tpu.memory_space<semaphore_mem>>) src(%dma_wait3A_190 : memref<512xi32, #tpu.memory_space<hbm>>) dst(%arg16 : memref<512xi32, #tpu.memory_space<vmem>>)
    %dma_wait3A_191 = arith.constant 12 : i32
    %dma_wait3A_192 = tpu.memref_slice %arg2[%dma_wait3A_191, %mul3A_2] : memref<26x16384xi32, #tpu.memory_space<hbm>> -> memref<1x512xi32, #tpu.memory_space<hbm>>
    %dma_wait3A_193 = tpu.memref_squeeze %dma_wait3A_192 : memref<1x512xi32, #tpu.memory_space<hbm>> -> memref<512xi32, #tpu.memory_space<hbm>>
    %dma_wait3A_194 = tpu.memref_slice %arg2[%dma_wait3A_191, %mul3A_2] : memref<26x16384xi32, #tpu.memory_space<hbm>> -> memref<1x512xi32, #tpu.memory_space<hbm>>
    %dma_wait3A_195 = tpu.memref_squeeze %dma_wait3A_194 : memref<1x512xi32, #tpu.memory_space<hbm>> -> memref<512xi32, #tpu.memory_space<hbm>>
    tpu.wait_dma2 semaphore(%arg57 : memref<!tpu.dma_semaphore, #tpu.memory_space<semaphore_mem>>) src(%dma_wait3A_195 : memref<512xi32, #tpu.memory_space<hbm>>) dst(%arg17 : memref<512xi32, #tpu.memory_space<vmem>>)
    %dma_wait3A_196 = arith.constant 13 : i32
    %dma_wait3A_197 = tpu.memref_slice %arg2[%dma_wait3A_196, %mul3A_2] : memref<26x16384xi32, #tpu.memory_space<hbm>> -> memref<1x512xi32, #tpu.memory_space<hbm>>
    %dma_wait3A_198 = tpu.memref_squeeze %dma_wait3A_197 : memref<1x512xi32, #tpu.memory_space<hbm>> -> memref<512xi32, #tpu.memory_space<hbm>>
    %dma_wait3A_199 = tpu.memref_slice %arg2[%dma_wait3A_196, %mul3A_2] : memref<26x16384xi32, #tpu.memory_space<hbm>> -> memref<1x512xi32, #tpu.memory_space<hbm>>
    %dma_wait3A_200 = tpu.memref_squeeze %dma_wait3A_199 : memref<1x512xi32, #tpu.memory_space<hbm>> -> memref<512xi32, #tpu.memory_space<hbm>>
    tpu.wait_dma2 semaphore(%arg57 : memref<!tpu.dma_semaphore, #tpu.memory_space<semaphore_mem>>) src(%dma_wait3A_200 : memref<512xi32, #tpu.memory_space<hbm>>) dst(%arg18 : memref<512xi32, #tpu.memory_space<vmem>>)
    %dma_wait3A_201 = arith.constant 14 : i32
    %dma_wait3A_202 = tpu.memref_slice %arg2[%dma_wait3A_201, %mul3A_2] : memref<26x16384xi32, #tpu.memory_space<hbm>> -> memref<1x512xi32, #tpu.memory_space<hbm>>
    %dma_wait3A_203 = tpu.memref_squeeze %dma_wait3A_202 : memref<1x512xi32, #tpu.memory_space<hbm>> -> memref<512xi32, #tpu.memory_space<hbm>>
    %dma_wait3A_204 = tpu.memref_slice %arg2[%dma_wait3A_201, %mul3A_2] : memref<26x16384xi32, #tpu.memory_space<hbm>> -> memref<1x512xi32, #tpu.memory_space<hbm>>
    %dma_wait3A_205 = tpu.memref_squeeze %dma_wait3A_204 : memref<1x512xi32, #tpu.memory_space<hbm>> -> memref<512xi32, #tpu.memory_space<hbm>>
    tpu.wait_dma2 semaphore(%arg57 : memref<!tpu.dma_semaphore, #tpu.memory_space<semaphore_mem>>) src(%dma_wait3A_205 : memref<512xi32, #tpu.memory_space<hbm>>) dst(%arg19 : memref<512xi32, #tpu.memory_space<vmem>>)
    %dma_wait3A_206 = arith.constant 15 : i32
    %dma_wait3A_207 = tpu.memref_slice %arg2[%dma_wait3A_206, %mul3A_2] : memref<26x16384xi32, #tpu.memory_space<hbm>> -> memref<1x512xi32, #tpu.memory_space<hbm>>
    %dma_wait3A_208 = tpu.memref_squeeze %dma_wait3A_207 : memref<1x512xi32, #tpu.memory_space<hbm>> -> memref<512xi32, #tpu.memory_space<hbm>>
    %dma_wait3A_209 = tpu.memref_slice %arg2[%dma_wait3A_206, %mul3A_2] : memref<26x16384xi32, #tpu.memory_space<hbm>> -> memref<1x512xi32, #tpu.memory_space<hbm>>
    %dma_wait3A_210 = tpu.memref_squeeze %dma_wait3A_209 : memref<1x512xi32, #tpu.memory_space<hbm>> -> memref<512xi32, #tpu.memory_space<hbm>>
    tpu.wait_dma2 semaphore(%arg57 : memref<!tpu.dma_semaphore, #tpu.memory_space<semaphore_mem>>) src(%dma_wait3A_210 : memref<512xi32, #tpu.memory_space<hbm>>) dst(%arg20 : memref<512xi32, #tpu.memory_space<vmem>>)
    %dma_wait3A_211 = arith.constant 16 : i32
    %dma_wait3A_212 = tpu.memref_slice %arg2[%dma_wait3A_211, %mul3A_2] : memref<26x16384xi32, #tpu.memory_space<hbm>> -> memref<1x512xi32, #tpu.memory_space<hbm>>
    %dma_wait3A_213 = tpu.memref_squeeze %dma_wait3A_212 : memref<1x512xi32, #tpu.memory_space<hbm>> -> memref<512xi32, #tpu.memory_space<hbm>>
    %dma_wait3A_214 = tpu.memref_slice %arg2[%dma_wait3A_211, %mul3A_2] : memref<26x16384xi32, #tpu.memory_space<hbm>> -> memref<1x512xi32, #tpu.memory_space<hbm>>
    %dma_wait3A_215 = tpu.memref_squeeze %dma_wait3A_214 : memref<1x512xi32, #tpu.memory_space<hbm>> -> memref<512xi32, #tpu.memory_space<hbm>>
    tpu.wait_dma2 semaphore(%arg57 : memref<!tpu.dma_semaphore, #tpu.memory_space<semaphore_mem>>) src(%dma_wait3A_215 : memref<512xi32, #tpu.memory_space<hbm>>) dst(%arg21 : memref<512xi32, #tpu.memory_space<vmem>>)
    %dma_wait3A_216 = arith.constant 17 : i32
    %dma_wait3A_217 = tpu.memref_slice %arg2[%dma_wait3A_216, %mul3A_2] : memref<26x16384xi32, #tpu.memory_space<hbm>> -> memref<1x512xi32, #tpu.memory_space<hbm>>
    %dma_wait3A_218 = tpu.memref_squeeze %dma_wait3A_217 : memref<1x512xi32, #tpu.memory_space<hbm>> -> memref<512xi32, #tpu.memory_space<hbm>>
    %dma_wait3A_219 = tpu.memref_slice %arg2[%dma_wait3A_216, %mul3A_2] : memref<26x16384xi32, #tpu.memory_space<hbm>> -> memref<1x512xi32, #tpu.memory_space<hbm>>
    %dma_wait3A_220 = tpu.memref_squeeze %dma_wait3A_219 : memref<1x512xi32, #tpu.memory_space<hbm>> -> memref<512xi32, #tpu.memory_space<hbm>>
    tpu.wait_dma2 semaphore(%arg57 : memref<!tpu.dma_semaphore, #tpu.memory_space<semaphore_mem>>) src(%dma_wait3A_220 : memref<512xi32, #tpu.memory_space<hbm>>) dst(%arg22 : memref<512xi32, #tpu.memory_space<vmem>>)
    %dma_wait3A_221 = arith.constant 18 : i32
    %dma_wait3A_222 = tpu.memref_slice %arg2[%dma_wait3A_221, %mul3A_2] : memref<26x16384xi32, #tpu.memory_space<hbm>> -> memref<1x512xi32, #tpu.memory_space<hbm>>
    %dma_wait3A_223 = tpu.memref_squeeze %dma_wait3A_222 : memref<1x512xi32, #tpu.memory_space<hbm>> -> memref<512xi32, #tpu.memory_space<hbm>>
    %dma_wait3A_224 = tpu.memref_slice %arg2[%dma_wait3A_221, %mul3A_2] : memref<26x16384xi32, #tpu.memory_space<hbm>> -> memref<1x512xi32, #tpu.memory_space<hbm>>
    %dma_wait3A_225 = tpu.memref_squeeze %dma_wait3A_224 : memref<1x512xi32, #tpu.memory_space<hbm>> -> memref<512xi32, #tpu.memory_space<hbm>>
    tpu.wait_dma2 semaphore(%arg57 : memref<!tpu.dma_semaphore, #tpu.memory_space<semaphore_mem>>) src(%dma_wait3A_225 : memref<512xi32, #tpu.memory_space<hbm>>) dst(%arg23 : memref<512xi32, #tpu.memory_space<vmem>>)
    %dma_wait3A_226 = arith.constant 19 : i32
    %dma_wait3A_227 = tpu.memref_slice %arg2[%dma_wait3A_226, %mul3A_2] : memref<26x16384xi32, #tpu.memory_space<hbm>> -> memref<1x512xi32, #tpu.memory_space<hbm>>
    %dma_wait3A_228 = tpu.memref_squeeze %dma_wait3A_227 : memref<1x512xi32, #tpu.memory_space<hbm>> -> memref<512xi32, #tpu.memory_space<hbm>>
    %dma_wait3A_229 = tpu.memref_slice %arg2[%dma_wait3A_226, %mul3A_2] : memref<26x16384xi32, #tpu.memory_space<hbm>> -> memref<1x512xi32, #tpu.memory_space<hbm>>
    %dma_wait3A_230 = tpu.memref_squeeze %dma_wait3A_229 : memref<1x512xi32, #tpu.memory_space<hbm>> -> memref<512xi32, #tpu.memory_space<hbm>>
    tpu.wait_dma2 semaphore(%arg57 : memref<!tpu.dma_semaphore, #tpu.memory_space<semaphore_mem>>) src(%dma_wait3A_230 : memref<512xi32, #tpu.memory_space<hbm>>) dst(%arg24 : memref<512xi32, #tpu.memory_space<vmem>>)
    %dma_wait3A_231 = arith.constant 20 : i32
    %dma_wait3A_232 = tpu.memref_slice %arg2[%dma_wait3A_231, %mul3A_2] : memref<26x16384xi32, #tpu.memory_space<hbm>> -> memref<1x512xi32, #tpu.memory_space<hbm>>
    %dma_wait3A_233 = tpu.memref_squeeze %dma_wait3A_232 : memref<1x512xi32, #tpu.memory_space<hbm>> -> memref<512xi32, #tpu.memory_space<hbm>>
    %dma_wait3A_234 = tpu.memref_slice %arg2[%dma_wait3A_231, %mul3A_2] : memref<26x16384xi32, #tpu.memory_space<hbm>> -> memref<1x512xi32, #tpu.memory_space<hbm>>
    %dma_wait3A_235 = tpu.memref_squeeze %dma_wait3A_234 : memref<1x512xi32, #tpu.memory_space<hbm>> -> memref<512xi32, #tpu.memory_space<hbm>>
    tpu.wait_dma2 semaphore(%arg57 : memref<!tpu.dma_semaphore, #tpu.memory_space<semaphore_mem>>) src(%dma_wait3A_235 : memref<512xi32, #tpu.memory_space<hbm>>) dst(%arg25 : memref<512xi32, #tpu.memory_space<vmem>>)
    %dma_wait3A_236 = arith.constant 21 : i32
    %dma_wait3A_237 = tpu.memref_slice %arg2[%dma_wait3A_236, %mul3A_2] : memref<26x16384xi32, #tpu.memory_space<hbm>> -> memref<1x512xi32, #tpu.memory_space<hbm>>
    %dma_wait3A_238 = tpu.memref_squeeze %dma_wait3A_237 : memref<1x512xi32, #tpu.memory_space<hbm>> -> memref<512xi32, #tpu.memory_space<hbm>>
    %dma_wait3A_239 = tpu.memref_slice %arg2[%dma_wait3A_236, %mul3A_2] : memref<26x16384xi32, #tpu.memory_space<hbm>> -> memref<1x512xi32, #tpu.memory_space<hbm>>
    %dma_wait3A_240 = tpu.memref_squeeze %dma_wait3A_239 : memref<1x512xi32, #tpu.memory_space<hbm>> -> memref<512xi32, #tpu.memory_space<hbm>>
    tpu.wait_dma2 semaphore(%arg57 : memref<!tpu.dma_semaphore, #tpu.memory_space<semaphore_mem>>) src(%dma_wait3A_240 : memref<512xi32, #tpu.memory_space<hbm>>) dst(%arg26 : memref<512xi32, #tpu.memory_space<vmem>>)
    %dma_wait3A_241 = arith.constant 22 : i32
    %dma_wait3A_242 = tpu.memref_slice %arg2[%dma_wait3A_241, %mul3A_2] : memref<26x16384xi32, #tpu.memory_space<hbm>> -> memref<1x512xi32, #tpu.memory_space<hbm>>
    %dma_wait3A_243 = tpu.memref_squeeze %dma_wait3A_242 : memref<1x512xi32, #tpu.memory_space<hbm>> -> memref<512xi32, #tpu.memory_space<hbm>>
    %dma_wait3A_244 = tpu.memref_slice %arg2[%dma_wait3A_241, %mul3A_2] : memref<26x16384xi32, #tpu.memory_space<hbm>> -> memref<1x512xi32, #tpu.memory_space<hbm>>
    %dma_wait3A_245 = tpu.memref_squeeze %dma_wait3A_244 : memref<1x512xi32, #tpu.memory_space<hbm>> -> memref<512xi32, #tpu.memory_space<hbm>>
    tpu.wait_dma2 semaphore(%arg57 : memref<!tpu.dma_semaphore, #tpu.memory_space<semaphore_mem>>) src(%dma_wait3A_245 : memref<512xi32, #tpu.memory_space<hbm>>) dst(%arg27 : memref<512xi32, #tpu.memory_space<vmem>>)
    %dma_wait3A_246 = arith.constant 23 : i32
    %dma_wait3A_247 = tpu.memref_slice %arg2[%dma_wait3A_246, %mul3A_2] : memref<26x16384xi32, #tpu.memory_space<hbm>> -> memref<1x512xi32, #tpu.memory_space<hbm>>
    %dma_wait3A_248 = tpu.memref_squeeze %dma_wait3A_247 : memref<1x512xi32, #tpu.memory_space<hbm>> -> memref<512xi32, #tpu.memory_space<hbm>>
    %dma_wait3A_249 = tpu.memref_slice %arg2[%dma_wait3A_246, %mul3A_2] : memref<26x16384xi32, #tpu.memory_space<hbm>> -> memref<1x512xi32, #tpu.memory_space<hbm>>
    %dma_wait3A_250 = tpu.memref_squeeze %dma_wait3A_249 : memref<1x512xi32, #tpu.memory_space<hbm>> -> memref<512xi32, #tpu.memory_space<hbm>>
    tpu.wait_dma2 semaphore(%arg57 : memref<!tpu.dma_semaphore, #tpu.memory_space<semaphore_mem>>) src(%dma_wait3A_250 : memref<512xi32, #tpu.memory_space<hbm>>) dst(%arg28 : memref<512xi32, #tpu.memory_space<vmem>>)
    %dma_wait3A_251 = arith.constant 24 : i32
    %dma_wait3A_252 = tpu.memref_slice %arg2[%dma_wait3A_251, %mul3A_2] : memref<26x16384xi32, #tpu.memory_space<hbm>> -> memref<1x512xi32, #tpu.memory_space<hbm>>
    %dma_wait3A_253 = tpu.memref_squeeze %dma_wait3A_252 : memref<1x512xi32, #tpu.memory_space<hbm>> -> memref<512xi32, #tpu.memory_space<hbm>>
    %dma_wait3A_254 = tpu.memref_slice %arg2[%dma_wait3A_251, %mul3A_2] : memref<26x16384xi32, #tpu.memory_space<hbm>> -> memref<1x512xi32, #tpu.memory_space<hbm>>
    %dma_wait3A_255 = tpu.memref_squeeze %dma_wait3A_254 : memref<1x512xi32, #tpu.memory_space<hbm>> -> memref<512xi32, #tpu.memory_space<hbm>>
    tpu.wait_dma2 semaphore(%arg57 : memref<!tpu.dma_semaphore, #tpu.memory_space<semaphore_mem>>) src(%dma_wait3A_255 : memref<512xi32, #tpu.memory_space<hbm>>) dst(%arg29 : memref<512xi32, #tpu.memory_space<vmem>>)
    %dma_wait3A_256 = arith.constant 25 : i32
    %dma_wait3A_257 = tpu.memref_slice %arg2[%dma_wait3A_256, %mul3A_2] : memref<26x16384xi32, #tpu.memory_space<hbm>> -> memref<1x512xi32, #tpu.memory_space<hbm>>
    %dma_wait3A_258 = tpu.memref_squeeze %dma_wait3A_257 : memref<1x512xi32, #tpu.memory_space<hbm>> -> memref<512xi32, #tpu.memory_space<hbm>>
    %dma_wait3A_259 = tpu.memref_slice %arg2[%dma_wait3A_256, %mul3A_2] : memref<26x16384xi32, #tpu.memory_space<hbm>> -> memref<1x512xi32, #tpu.memory_space<hbm>>
    %dma_wait3A_260 = tpu.memref_squeeze %dma_wait3A_259 : memref<1x512xi32, #tpu.memory_space<hbm>> -> memref<512xi32, #tpu.memory_space<hbm>>
    tpu.wait_dma2 semaphore(%arg57 : memref<!tpu.dma_semaphore, #tpu.memory_space<semaphore_mem>>) src(%dma_wait3A_260 : memref<512xi32, #tpu.memory_space<hbm>>) dst(%arg30 : memref<512xi32, #tpu.memory_space<vmem>>)
    %dma_start3A_261 = arith.constant 0 : i32
    %dma_start3A_262 = tpu.memref_slice %arg3[%dma_start3A_261] : memref<2600000xf32, #tpu.memory_space<hbm>> -> memref<100000xf32, #tpu.memory_space<hbm>>
    %dma_start3A_263 = arith.constant 0 : i32
    %dma_start3A_264 = tpu.memref_slice %dma_start3A_262[%dma_start3A_263] : memref<100000xf32, #tpu.memory_space<hbm>> -> memref<100000xf32, #tpu.memory_space<hbm>>
    tpu.enqueue_indirect_dma source(%dma_start3A_264 : memref<100000xf32, #tpu.memory_space<hbm>>) target(%arg31 : memref<512xf32, #tpu.memory_space<vmem>>) offsets(%arg5 : memref<512xi32, #tpu.memory_space<vmem>>) semaphore(%arg58 : memref<!tpu.dma_semaphore, #tpu.memory_space<semaphore_mem>>)
    %dma_start3A_265 = arith.constant 100000 : i32
    %dma_start3A_266 = tpu.memref_slice %arg3[%dma_start3A_265] : memref<2600000xf32, #tpu.memory_space<hbm>> -> memref<100000xf32, #tpu.memory_space<hbm>>
    %dma_start3A_267 = arith.constant 0 : i32
    %dma_start3A_268 = tpu.memref_slice %dma_start3A_266[%dma_start3A_267] : memref<100000xf32, #tpu.memory_space<hbm>> -> memref<100000xf32, #tpu.memory_space<hbm>>
    tpu.enqueue_indirect_dma source(%dma_start3A_268 : memref<100000xf32, #tpu.memory_space<hbm>>) target(%arg32 : memref<512xf32, #tpu.memory_space<vmem>>) offsets(%arg6 : memref<512xi32, #tpu.memory_space<vmem>>) semaphore(%arg58 : memref<!tpu.dma_semaphore, #tpu.memory_space<semaphore_mem>>)
    %dma_start3A_269 = arith.constant 200000 : i32
    %dma_start3A_270 = tpu.memref_slice %arg3[%dma_start3A_269] : memref<2600000xf32, #tpu.memory_space<hbm>> -> memref<100000xf32, #tpu.memory_space<hbm>>
    %dma_start3A_271 = arith.constant 0 : i32
    %dma_start3A_272 = tpu.memref_slice %dma_start3A_270[%dma_start3A_271] : memref<100000xf32, #tpu.memory_space<hbm>> -> memref<100000xf32, #tpu.memory_space<hbm>>
    tpu.enqueue_indirect_dma source(%dma_start3A_272 : memref<100000xf32, #tpu.memory_space<hbm>>) target(%arg33 : memref<512xf32, #tpu.memory_space<vmem>>) offsets(%arg7 : memref<512xi32, #tpu.memory_space<vmem>>) semaphore(%arg58 : memref<!tpu.dma_semaphore, #tpu.memory_space<semaphore_mem>>)
    %dma_start3A_273 = arith.constant 300000 : i32
    %dma_start3A_274 = tpu.memref_slice %arg3[%dma_start3A_273] : memref<2600000xf32, #tpu.memory_space<hbm>> -> memref<100000xf32, #tpu.memory_space<hbm>>
    %dma_start3A_275 = arith.constant 0 : i32
    %dma_start3A_276 = tpu.memref_slice %dma_start3A_274[%dma_start3A_275] : memref<100000xf32, #tpu.memory_space<hbm>> -> memref<100000xf32, #tpu.memory_space<hbm>>
    tpu.enqueue_indirect_dma source(%dma_start3A_276 : memref<100000xf32, #tpu.memory_space<hbm>>) target(%arg34 : memref<512xf32, #tpu.memory_space<vmem>>) offsets(%arg8 : memref<512xi32, #tpu.memory_space<vmem>>) semaphore(%arg58 : memref<!tpu.dma_semaphore, #tpu.memory_space<semaphore_mem>>)
    %dma_start3A_277 = arith.constant 400000 : i32
    %dma_start3A_278 = tpu.memref_slice %arg3[%dma_start3A_277] : memref<2600000xf32, #tpu.memory_space<hbm>> -> memref<100000xf32, #tpu.memory_space<hbm>>
    %dma_start3A_279 = arith.constant 0 : i32
    %dma_start3A_280 = tpu.memref_slice %dma_start3A_278[%dma_start3A_279] : memref<100000xf32, #tpu.memory_space<hbm>> -> memref<100000xf32, #tpu.memory_space<hbm>>
    tpu.enqueue_indirect_dma source(%dma_start3A_280 : memref<100000xf32, #tpu.memory_space<hbm>>) target(%arg35 : memref<512xf32, #tpu.memory_space<vmem>>) offsets(%arg9 : memref<512xi32, #tpu.memory_space<vmem>>) semaphore(%arg58 : memref<!tpu.dma_semaphore, #tpu.memory_space<semaphore_mem>>)
    %dma_start3A_281 = arith.constant 500000 : i32
    %dma_start3A_282 = tpu.memref_slice %arg3[%dma_start3A_281] : memref<2600000xf32, #tpu.memory_space<hbm>> -> memref<100000xf32, #tpu.memory_space<hbm>>
    %dma_start3A_283 = arith.constant 0 : i32
    %dma_start3A_284 = tpu.memref_slice %dma_start3A_282[%dma_start3A_283] : memref<100000xf32, #tpu.memory_space<hbm>> -> memref<100000xf32, #tpu.memory_space<hbm>>
    tpu.enqueue_indirect_dma source(%dma_start3A_284 : memref<100000xf32, #tpu.memory_space<hbm>>) target(%arg36 : memref<512xf32, #tpu.memory_space<vmem>>) offsets(%arg10 : memref<512xi32, #tpu.memory_space<vmem>>) semaphore(%arg58 : memref<!tpu.dma_semaphore, #tpu.memory_space<semaphore_mem>>)
    %dma_start3A_285 = arith.constant 600000 : i32
    %dma_start3A_286 = tpu.memref_slice %arg3[%dma_start3A_285] : memref<2600000xf32, #tpu.memory_space<hbm>> -> memref<100000xf32, #tpu.memory_space<hbm>>
    %dma_start3A_287 = arith.constant 0 : i32
    %dma_start3A_288 = tpu.memref_slice %dma_start3A_286[%dma_start3A_287] : memref<100000xf32, #tpu.memory_space<hbm>> -> memref<100000xf32, #tpu.memory_space<hbm>>
    tpu.enqueue_indirect_dma source(%dma_start3A_288 : memref<100000xf32, #tpu.memory_space<hbm>>) target(%arg37 : memref<512xf32, #tpu.memory_space<vmem>>) offsets(%arg11 : memref<512xi32, #tpu.memory_space<vmem>>) semaphore(%arg58 : memref<!tpu.dma_semaphore, #tpu.memory_space<semaphore_mem>>)
    %dma_start3A_289 = arith.constant 700000 : i32
    %dma_start3A_290 = tpu.memref_slice %arg3[%dma_start3A_289] : memref<2600000xf32, #tpu.memory_space<hbm>> -> memref<100000xf32, #tpu.memory_space<hbm>>
    %dma_start3A_291 = arith.constant 0 : i32
    %dma_start3A_292 = tpu.memref_slice %dma_start3A_290[%dma_start3A_291] : memref<100000xf32, #tpu.memory_space<hbm>> -> memref<100000xf32, #tpu.memory_space<hbm>>
    tpu.enqueue_indirect_dma source(%dma_start3A_292 : memref<100000xf32, #tpu.memory_space<hbm>>) target(%arg38 : memref<512xf32, #tpu.memory_space<vmem>>) offsets(%arg12 : memref<512xi32, #tpu.memory_space<vmem>>) semaphore(%arg58 : memref<!tpu.dma_semaphore, #tpu.memory_space<semaphore_mem>>)
    %dma_start3A_293 = arith.constant 800000 : i32
    %dma_start3A_294 = tpu.memref_slice %arg3[%dma_start3A_293] : memref<2600000xf32, #tpu.memory_space<hbm>> -> memref<100000xf32, #tpu.memory_space<hbm>>
    %dma_start3A_295 = arith.constant 0 : i32
    %dma_start3A_296 = tpu.memref_slice %dma_start3A_294[%dma_start3A_295] : memref<100000xf32, #tpu.memory_space<hbm>> -> memref<100000xf32, #tpu.memory_space<hbm>>
    tpu.enqueue_indirect_dma source(%dma_start3A_296 : memref<100000xf32, #tpu.memory_space<hbm>>) target(%arg39 : memref<512xf32, #tpu.memory_space<vmem>>) offsets(%arg13 : memref<512xi32, #tpu.memory_space<vmem>>) semaphore(%arg58 : memref<!tpu.dma_semaphore, #tpu.memory_space<semaphore_mem>>)
    %dma_start3A_297 = arith.constant 900000 : i32
    %dma_start3A_298 = tpu.memref_slice %arg3[%dma_start3A_297] : memref<2600000xf32, #tpu.memory_space<hbm>> -> memref<100000xf32, #tpu.memory_space<hbm>>
    %dma_start3A_299 = arith.constant 0 : i32
    %dma_start3A_300 = tpu.memref_slice %dma_start3A_298[%dma_start3A_299] : memref<100000xf32, #tpu.memory_space<hbm>> -> memref<100000xf32, #tpu.memory_space<hbm>>
    tpu.enqueue_indirect_dma source(%dma_start3A_300 : memref<100000xf32, #tpu.memory_space<hbm>>) target(%arg40 : memref<512xf32, #tpu.memory_space<vmem>>) offsets(%arg14 : memref<512xi32, #tpu.memory_space<vmem>>) semaphore(%arg58 : memref<!tpu.dma_semaphore, #tpu.memory_space<semaphore_mem>>)
    %dma_start3A_301 = arith.constant 1000000 : i32
    %dma_start3A_302 = tpu.memref_slice %arg3[%dma_start3A_301] : memref<2600000xf32, #tpu.memory_space<hbm>> -> memref<100000xf32, #tpu.memory_space<hbm>>
    %dma_start3A_303 = arith.constant 0 : i32
    %dma_start3A_304 = tpu.memref_slice %dma_start3A_302[%dma_start3A_303] : memref<100000xf32, #tpu.memory_space<hbm>> -> memref<100000xf32, #tpu.memory_space<hbm>>
    tpu.enqueue_indirect_dma source(%dma_start3A_304 : memref<100000xf32, #tpu.memory_space<hbm>>) target(%arg41 : memref<512xf32, #tpu.memory_space<vmem>>) offsets(%arg15 : memref<512xi32, #tpu.memory_space<vmem>>) semaphore(%arg58 : memref<!tpu.dma_semaphore, #tpu.memory_space<semaphore_mem>>)
    %dma_start3A_305 = arith.constant 1100000 : i32
    %dma_start3A_306 = tpu.memref_slice %arg3[%dma_start3A_305] : memref<2600000xf32, #tpu.memory_space<hbm>> -> memref<100000xf32, #tpu.memory_space<hbm>>
    %dma_start3A_307 = arith.constant 0 : i32
    %dma_start3A_308 = tpu.memref_slice %dma_start3A_306[%dma_start3A_307] : memref<100000xf32, #tpu.memory_space<hbm>> -> memref<100000xf32, #tpu.memory_space<hbm>>
    tpu.enqueue_indirect_dma source(%dma_start3A_308 : memref<100000xf32, #tpu.memory_space<hbm>>) target(%arg42 : memref<512xf32, #tpu.memory_space<vmem>>) offsets(%arg16 : memref<512xi32, #tpu.memory_space<vmem>>) semaphore(%arg58 : memref<!tpu.dma_semaphore, #tpu.memory_space<semaphore_mem>>)
    %dma_start3A_309 = arith.constant 1200000 : i32
    %dma_start3A_310 = tpu.memref_slice %arg3[%dma_start3A_309] : memref<2600000xf32, #tpu.memory_space<hbm>> -> memref<100000xf32, #tpu.memory_space<hbm>>
    %dma_start3A_311 = arith.constant 0 : i32
    %dma_start3A_312 = tpu.memref_slice %dma_start3A_310[%dma_start3A_311] : memref<100000xf32, #tpu.memory_space<hbm>> -> memref<100000xf32, #tpu.memory_space<hbm>>
    tpu.enqueue_indirect_dma source(%dma_start3A_312 : memref<100000xf32, #tpu.memory_space<hbm>>) target(%arg43 : memref<512xf32, #tpu.memory_space<vmem>>) offsets(%arg17 : memref<512xi32, #tpu.memory_space<vmem>>) semaphore(%arg58 : memref<!tpu.dma_semaphore, #tpu.memory_space<semaphore_mem>>)
    %dma_start3A_313 = arith.constant 1300000 : i32
    %dma_start3A_314 = tpu.memref_slice %arg3[%dma_start3A_313] : memref<2600000xf32, #tpu.memory_space<hbm>> -> memref<100000xf32, #tpu.memory_space<hbm>>
    %dma_start3A_315 = arith.constant 0 : i32
    %dma_start3A_316 = tpu.memref_slice %dma_start3A_314[%dma_start3A_315] : memref<100000xf32, #tpu.memory_space<hbm>> -> memref<100000xf32, #tpu.memory_space<hbm>>
    tpu.enqueue_indirect_dma source(%dma_start3A_316 : memref<100000xf32, #tpu.memory_space<hbm>>) target(%arg44 : memref<512xf32, #tpu.memory_space<vmem>>) offsets(%arg18 : memref<512xi32, #tpu.memory_space<vmem>>) semaphore(%arg59 : memref<!tpu.dma_semaphore, #tpu.memory_space<semaphore_mem>>)
    %dma_start3A_317 = arith.constant 1400000 : i32
    %dma_start3A_318 = tpu.memref_slice %arg3[%dma_start3A_317] : memref<2600000xf32, #tpu.memory_space<hbm>> -> memref<100000xf32, #tpu.memory_space<hbm>>
    %dma_start3A_319 = arith.constant 0 : i32
    %dma_start3A_320 = tpu.memref_slice %dma_start3A_318[%dma_start3A_319] : memref<100000xf32, #tpu.memory_space<hbm>> -> memref<100000xf32, #tpu.memory_space<hbm>>
    tpu.enqueue_indirect_dma source(%dma_start3A_320 : memref<100000xf32, #tpu.memory_space<hbm>>) target(%arg45 : memref<512xf32, #tpu.memory_space<vmem>>) offsets(%arg19 : memref<512xi32, #tpu.memory_space<vmem>>) semaphore(%arg59 : memref<!tpu.dma_semaphore, #tpu.memory_space<semaphore_mem>>)
    %dma_start3A_321 = arith.constant 1500000 : i32
    %dma_start3A_322 = tpu.memref_slice %arg3[%dma_start3A_321] : memref<2600000xf32, #tpu.memory_space<hbm>> -> memref<100000xf32, #tpu.memory_space<hbm>>
    %dma_start3A_323 = arith.constant 0 : i32
    %dma_start3A_324 = tpu.memref_slice %dma_start3A_322[%dma_start3A_323] : memref<100000xf32, #tpu.memory_space<hbm>> -> memref<100000xf32, #tpu.memory_space<hbm>>
    tpu.enqueue_indirect_dma source(%dma_start3A_324 : memref<100000xf32, #tpu.memory_space<hbm>>) target(%arg46 : memref<512xf32, #tpu.memory_space<vmem>>) offsets(%arg20 : memref<512xi32, #tpu.memory_space<vmem>>) semaphore(%arg59 : memref<!tpu.dma_semaphore, #tpu.memory_space<semaphore_mem>>)
    %dma_start3A_325 = arith.constant 1600000 : i32
    %dma_start3A_326 = tpu.memref_slice %arg3[%dma_start3A_325] : memref<2600000xf32, #tpu.memory_space<hbm>> -> memref<100000xf32, #tpu.memory_space<hbm>>
    %dma_start3A_327 = arith.constant 0 : i32
    %dma_start3A_328 = tpu.memref_slice %dma_start3A_326[%dma_start3A_327] : memref<100000xf32, #tpu.memory_space<hbm>> -> memref<100000xf32, #tpu.memory_space<hbm>>
    tpu.enqueue_indirect_dma source(%dma_start3A_328 : memref<100000xf32, #tpu.memory_space<hbm>>) target(%arg47 : memref<512xf32, #tpu.memory_space<vmem>>) offsets(%arg21 : memref<512xi32, #tpu.memory_space<vmem>>) semaphore(%arg59 : memref<!tpu.dma_semaphore, #tpu.memory_space<semaphore_mem>>)
    %dma_start3A_329 = arith.constant 1700000 : i32
    %dma_start3A_330 = tpu.memref_slice %arg3[%dma_start3A_329] : memref<2600000xf32, #tpu.memory_space<hbm>> -> memref<100000xf32, #tpu.memory_space<hbm>>
    %dma_start3A_331 = arith.constant 0 : i32
    %dma_start3A_332 = tpu.memref_slice %dma_start3A_330[%dma_start3A_331] : memref<100000xf32, #tpu.memory_space<hbm>> -> memref<100000xf32, #tpu.memory_space<hbm>>
    tpu.enqueue_indirect_dma source(%dma_start3A_332 : memref<100000xf32, #tpu.memory_space<hbm>>) target(%arg48 : memref<512xf32, #tpu.memory_space<vmem>>) offsets(%arg22 : memref<512xi32, #tpu.memory_space<vmem>>) semaphore(%arg59 : memref<!tpu.dma_semaphore, #tpu.memory_space<semaphore_mem>>)
    %dma_start3A_333 = arith.constant 1800000 : i32
    %dma_start3A_334 = tpu.memref_slice %arg3[%dma_start3A_333] : memref<2600000xf32, #tpu.memory_space<hbm>> -> memref<100000xf32, #tpu.memory_space<hbm>>
    %dma_start3A_335 = arith.constant 0 : i32
    %dma_start3A_336 = tpu.memref_slice %dma_start3A_334[%dma_start3A_335] : memref<100000xf32, #tpu.memory_space<hbm>> -> memref<100000xf32, #tpu.memory_space<hbm>>
    tpu.enqueue_indirect_dma source(%dma_start3A_336 : memref<100000xf32, #tpu.memory_space<hbm>>) target(%arg49 : memref<512xf32, #tpu.memory_space<vmem>>) offsets(%arg23 : memref<512xi32, #tpu.memory_space<vmem>>) semaphore(%arg59 : memref<!tpu.dma_semaphore, #tpu.memory_space<semaphore_mem>>)
    %dma_start3A_337 = arith.constant 1900000 : i32
    %dma_start3A_338 = tpu.memref_slice %arg3[%dma_start3A_337] : memref<2600000xf32, #tpu.memory_space<hbm>> -> memref<100000xf32, #tpu.memory_space<hbm>>
    %dma_start3A_339 = arith.constant 0 : i32
    %dma_start3A_340 = tpu.memref_slice %dma_start3A_338[%dma_start3A_339] : memref<100000xf32, #tpu.memory_space<hbm>> -> memref<100000xf32, #tpu.memory_space<hbm>>
    tpu.enqueue_indirect_dma source(%dma_start3A_340 : memref<100000xf32, #tpu.memory_space<hbm>>) target(%arg50 : memref<512xf32, #tpu.memory_space<vmem>>) offsets(%arg24 : memref<512xi32, #tpu.memory_space<vmem>>) semaphore(%arg59 : memref<!tpu.dma_semaphore, #tpu.memory_space<semaphore_mem>>)
    %dma_start3A_341 = arith.constant 2000000 : i32
    %dma_start3A_342 = tpu.memref_slice %arg3[%dma_start3A_341] : memref<2600000xf32, #tpu.memory_space<hbm>> -> memref<100000xf32, #tpu.memory_space<hbm>>
    %dma_start3A_343 = arith.constant 0 : i32
    %dma_start3A_344 = tpu.memref_slice %dma_start3A_342[%dma_start3A_343] : memref<100000xf32, #tpu.memory_space<hbm>> -> memref<100000xf32, #tpu.memory_space<hbm>>
    tpu.enqueue_indirect_dma source(%dma_start3A_344 : memref<100000xf32, #tpu.memory_space<hbm>>) target(%arg51 : memref<512xf32, #tpu.memory_space<vmem>>) offsets(%arg25 : memref<512xi32, #tpu.memory_space<vmem>>) semaphore(%arg59 : memref<!tpu.dma_semaphore, #tpu.memory_space<semaphore_mem>>)
    %dma_start3A_345 = arith.constant 2100000 : i32
    %dma_start3A_346 = tpu.memref_slice %arg3[%dma_start3A_345] : memref<2600000xf32, #tpu.memory_space<hbm>> -> memref<100000xf32, #tpu.memory_space<hbm>>
    %dma_start3A_347 = arith.constant 0 : i32
    %dma_start3A_348 = tpu.memref_slice %dma_start3A_346[%dma_start3A_347] : memref<100000xf32, #tpu.memory_space<hbm>> -> memref<100000xf32, #tpu.memory_space<hbm>>
    tpu.enqueue_indirect_dma source(%dma_start3A_348 : memref<100000xf32, #tpu.memory_space<hbm>>) target(%arg52 : memref<512xf32, #tpu.memory_space<vmem>>) offsets(%arg26 : memref<512xi32, #tpu.memory_space<vmem>>) semaphore(%arg59 : memref<!tpu.dma_semaphore, #tpu.memory_space<semaphore_mem>>)
    %dma_start3A_349 = arith.constant 2200000 : i32
    %dma_start3A_350 = tpu.memref_slice %arg3[%dma_start3A_349] : memref<2600000xf32, #tpu.memory_space<hbm>> -> memref<100000xf32, #tpu.memory_space<hbm>>
    %dma_start3A_351 = arith.constant 0 : i32
    %dma_start3A_352 = tpu.memref_slice %dma_start3A_350[%dma_start3A_351] : memref<100000xf32, #tpu.memory_space<hbm>> -> memref<100000xf32, #tpu.memory_space<hbm>>
    tpu.enqueue_indirect_dma source(%dma_start3A_352 : memref<100000xf32, #tpu.memory_space<hbm>>) target(%arg53 : memref<512xf32, #tpu.memory_space<vmem>>) offsets(%arg27 : memref<512xi32, #tpu.memory_space<vmem>>) semaphore(%arg59 : memref<!tpu.dma_semaphore, #tpu.memory_space<semaphore_mem>>)
    %dma_start3A_353 = arith.constant 2300000 : i32
    %dma_start3A_354 = tpu.memref_slice %arg3[%dma_start3A_353] : memref<2600000xf32, #tpu.memory_space<hbm>> -> memref<100000xf32, #tpu.memory_space<hbm>>
    %dma_start3A_355 = arith.constant 0 : i32
    %dma_start3A_356 = tpu.memref_slice %dma_start3A_354[%dma_start3A_355] : memref<100000xf32, #tpu.memory_space<hbm>> -> memref<100000xf32, #tpu.memory_space<hbm>>
    tpu.enqueue_indirect_dma source(%dma_start3A_356 : memref<100000xf32, #tpu.memory_space<hbm>>) target(%arg54 : memref<512xf32, #tpu.memory_space<vmem>>) offsets(%arg28 : memref<512xi32, #tpu.memory_space<vmem>>) semaphore(%arg59 : memref<!tpu.dma_semaphore, #tpu.memory_space<semaphore_mem>>)
    %dma_start3A_357 = arith.constant 2400000 : i32
    %dma_start3A_358 = tpu.memref_slice %arg3[%dma_start3A_357] : memref<2600000xf32, #tpu.memory_space<hbm>> -> memref<100000xf32, #tpu.memory_space<hbm>>
    %dma_start3A_359 = arith.constant 0 : i32
    %dma_start3A_360 = tpu.memref_slice %dma_start3A_358[%dma_start3A_359] : memref<100000xf32, #tpu.memory_space<hbm>> -> memref<100000xf32, #tpu.memory_space<hbm>>
    tpu.enqueue_indirect_dma source(%dma_start3A_360 : memref<100000xf32, #tpu.memory_space<hbm>>) target(%arg55 : memref<512xf32, #tpu.memory_space<vmem>>) offsets(%arg29 : memref<512xi32, #tpu.memory_space<vmem>>) semaphore(%arg59 : memref<!tpu.dma_semaphore, #tpu.memory_space<semaphore_mem>>)
    %dma_start3A_361 = arith.constant 2500000 : i32
    %dma_start3A_362 = tpu.memref_slice %arg3[%dma_start3A_361] : memref<2600000xf32, #tpu.memory_space<hbm>> -> memref<100000xf32, #tpu.memory_space<hbm>>
    %dma_start3A_363 = arith.constant 0 : i32
    %dma_start3A_364 = tpu.memref_slice %dma_start3A_362[%dma_start3A_363] : memref<100000xf32, #tpu.memory_space<hbm>> -> memref<100000xf32, #tpu.memory_space<hbm>>
    tpu.enqueue_indirect_dma source(%dma_start3A_364 : memref<100000xf32, #tpu.memory_space<hbm>>) target(%arg56 : memref<512xf32, #tpu.memory_space<vmem>>) offsets(%arg30 : memref<512xi32, #tpu.memory_space<vmem>>) semaphore(%arg59 : memref<!tpu.dma_semaphore, #tpu.memory_space<semaphore_mem>>)
    %dma_wait3A_365 = arith.constant 0 : i32
    %dma_wait3A_366 = tpu.memref_slice %arg3[%dma_wait3A_365] : memref<2600000xf32, #tpu.memory_space<hbm>> -> memref<100000xf32, #tpu.memory_space<hbm>>
    %dma_wait3A_367 = arith.constant 0 : i32
    %dma_wait3A_368 = tpu.memref_slice %dma_wait3A_366[%dma_wait3A_367] : memref<100000xf32, #tpu.memory_space<hbm>> -> memref<100000xf32, #tpu.memory_space<hbm>>
    tpu.wait_indirect_dma semaphore(%arg58 : memref<!tpu.dma_semaphore, #tpu.memory_space<semaphore_mem>>) src(%dma_wait3A_368 : memref<100000xf32, #tpu.memory_space<hbm>>) dst(%arg31 : memref<512xf32, #tpu.memory_space<vmem>>)
    %dma_wait3A_369 = arith.constant 100000 : i32
    %dma_wait3A_370 = tpu.memref_slice %arg3[%dma_wait3A_369] : memref<2600000xf32, #tpu.memory_space<hbm>> -> memref<100000xf32, #tpu.memory_space<hbm>>
    %dma_wait3A_371 = arith.constant 0 : i32
    %dma_wait3A_372 = tpu.memref_slice %dma_wait3A_370[%dma_wait3A_371] : memref<100000xf32, #tpu.memory_space<hbm>> -> memref<100000xf32, #tpu.memory_space<hbm>>
    tpu.wait_indirect_dma semaphore(%arg58 : memref<!tpu.dma_semaphore, #tpu.memory_space<semaphore_mem>>) src(%dma_wait3A_372 : memref<100000xf32, #tpu.memory_space<hbm>>) dst(%arg32 : memref<512xf32, #tpu.memory_space<vmem>>)
    %dma_wait3A_373 = arith.constant 200000 : i32
    %dma_wait3A_374 = tpu.memref_slice %arg3[%dma_wait3A_373] : memref<2600000xf32, #tpu.memory_space<hbm>> -> memref<100000xf32, #tpu.memory_space<hbm>>
    %dma_wait3A_375 = arith.constant 0 : i32
    %dma_wait3A_376 = tpu.memref_slice %dma_wait3A_374[%dma_wait3A_375] : memref<100000xf32, #tpu.memory_space<hbm>> -> memref<100000xf32, #tpu.memory_space<hbm>>
    tpu.wait_indirect_dma semaphore(%arg58 : memref<!tpu.dma_semaphore, #tpu.memory_space<semaphore_mem>>) src(%dma_wait3A_376 : memref<100000xf32, #tpu.memory_space<hbm>>) dst(%arg33 : memref<512xf32, #tpu.memory_space<vmem>>)
    %dma_wait3A_377 = arith.constant 300000 : i32
    %dma_wait3A_378 = tpu.memref_slice %arg3[%dma_wait3A_377] : memref<2600000xf32, #tpu.memory_space<hbm>> -> memref<100000xf32, #tpu.memory_space<hbm>>
    %dma_wait3A_379 = arith.constant 0 : i32
    %dma_wait3A_380 = tpu.memref_slice %dma_wait3A_378[%dma_wait3A_379] : memref<100000xf32, #tpu.memory_space<hbm>> -> memref<100000xf32, #tpu.memory_space<hbm>>
    tpu.wait_indirect_dma semaphore(%arg58 : memref<!tpu.dma_semaphore, #tpu.memory_space<semaphore_mem>>) src(%dma_wait3A_380 : memref<100000xf32, #tpu.memory_space<hbm>>) dst(%arg34 : memref<512xf32, #tpu.memory_space<vmem>>)
    %dma_wait3A_381 = arith.constant 400000 : i32
    %dma_wait3A_382 = tpu.memref_slice %arg3[%dma_wait3A_381] : memref<2600000xf32, #tpu.memory_space<hbm>> -> memref<100000xf32, #tpu.memory_space<hbm>>
    %dma_wait3A_383 = arith.constant 0 : i32
    %dma_wait3A_384 = tpu.memref_slice %dma_wait3A_382[%dma_wait3A_383] : memref<100000xf32, #tpu.memory_space<hbm>> -> memref<100000xf32, #tpu.memory_space<hbm>>
    tpu.wait_indirect_dma semaphore(%arg58 : memref<!tpu.dma_semaphore, #tpu.memory_space<semaphore_mem>>) src(%dma_wait3A_384 : memref<100000xf32, #tpu.memory_space<hbm>>) dst(%arg35 : memref<512xf32, #tpu.memory_space<vmem>>)
    %dma_wait3A_385 = arith.constant 500000 : i32
    %dma_wait3A_386 = tpu.memref_slice %arg3[%dma_wait3A_385] : memref<2600000xf32, #tpu.memory_space<hbm>> -> memref<100000xf32, #tpu.memory_space<hbm>>
    %dma_wait3A_387 = arith.constant 0 : i32
    %dma_wait3A_388 = tpu.memref_slice %dma_wait3A_386[%dma_wait3A_387] : memref<100000xf32, #tpu.memory_space<hbm>> -> memref<100000xf32, #tpu.memory_space<hbm>>
    tpu.wait_indirect_dma semaphore(%arg58 : memref<!tpu.dma_semaphore, #tpu.memory_space<semaphore_mem>>) src(%dma_wait3A_388 : memref<100000xf32, #tpu.memory_space<hbm>>) dst(%arg36 : memref<512xf32, #tpu.memory_space<vmem>>)
    %dma_wait3A_389 = arith.constant 600000 : i32
    %dma_wait3A_390 = tpu.memref_slice %arg3[%dma_wait3A_389] : memref<2600000xf32, #tpu.memory_space<hbm>> -> memref<100000xf32, #tpu.memory_space<hbm>>
    %dma_wait3A_391 = arith.constant 0 : i32
    %dma_wait3A_392 = tpu.memref_slice %dma_wait3A_390[%dma_wait3A_391] : memref<100000xf32, #tpu.memory_space<hbm>> -> memref<100000xf32, #tpu.memory_space<hbm>>
    tpu.wait_indirect_dma semaphore(%arg58 : memref<!tpu.dma_semaphore, #tpu.memory_space<semaphore_mem>>) src(%dma_wait3A_392 : memref<100000xf32, #tpu.memory_space<hbm>>) dst(%arg37 : memref<512xf32, #tpu.memory_space<vmem>>)
    %dma_wait3A_393 = arith.constant 700000 : i32
    %dma_wait3A_394 = tpu.memref_slice %arg3[%dma_wait3A_393] : memref<2600000xf32, #tpu.memory_space<hbm>> -> memref<100000xf32, #tpu.memory_space<hbm>>
    %dma_wait3A_395 = arith.constant 0 : i32
    %dma_wait3A_396 = tpu.memref_slice %dma_wait3A_394[%dma_wait3A_395] : memref<100000xf32, #tpu.memory_space<hbm>> -> memref<100000xf32, #tpu.memory_space<hbm>>
    tpu.wait_indirect_dma semaphore(%arg58 : memref<!tpu.dma_semaphore, #tpu.memory_space<semaphore_mem>>) src(%dma_wait3A_396 : memref<100000xf32, #tpu.memory_space<hbm>>) dst(%arg38 : memref<512xf32, #tpu.memory_space<vmem>>)
    %dma_wait3A_397 = arith.constant 800000 : i32
    %dma_wait3A_398 = tpu.memref_slice %arg3[%dma_wait3A_397] : memref<2600000xf32, #tpu.memory_space<hbm>> -> memref<100000xf32, #tpu.memory_space<hbm>>
    %dma_wait3A_399 = arith.constant 0 : i32
    %dma_wait3A_400 = tpu.memref_slice %dma_wait3A_398[%dma_wait3A_399] : memref<100000xf32, #tpu.memory_space<hbm>> -> memref<100000xf32, #tpu.memory_space<hbm>>
    tpu.wait_indirect_dma semaphore(%arg58 : memref<!tpu.dma_semaphore, #tpu.memory_space<semaphore_mem>>) src(%dma_wait3A_400 : memref<100000xf32, #tpu.memory_space<hbm>>) dst(%arg39 : memref<512xf32, #tpu.memory_space<vmem>>)
    %dma_wait3A_401 = arith.constant 900000 : i32
    %dma_wait3A_402 = tpu.memref_slice %arg3[%dma_wait3A_401] : memref<2600000xf32, #tpu.memory_space<hbm>> -> memref<100000xf32, #tpu.memory_space<hbm>>
    %dma_wait3A_403 = arith.constant 0 : i32
    %dma_wait3A_404 = tpu.memref_slice %dma_wait3A_402[%dma_wait3A_403] : memref<100000xf32, #tpu.memory_space<hbm>> -> memref<100000xf32, #tpu.memory_space<hbm>>
    tpu.wait_indirect_dma semaphore(%arg58 : memref<!tpu.dma_semaphore, #tpu.memory_space<semaphore_mem>>) src(%dma_wait3A_404 : memref<100000xf32, #tpu.memory_space<hbm>>) dst(%arg40 : memref<512xf32, #tpu.memory_space<vmem>>)
    %dma_wait3A_405 = arith.constant 1000000 : i32
    %dma_wait3A_406 = tpu.memref_slice %arg3[%dma_wait3A_405] : memref<2600000xf32, #tpu.memory_space<hbm>> -> memref<100000xf32, #tpu.memory_space<hbm>>
    %dma_wait3A_407 = arith.constant 0 : i32
    %dma_wait3A_408 = tpu.memref_slice %dma_wait3A_406[%dma_wait3A_407] : memref<100000xf32, #tpu.memory_space<hbm>> -> memref<100000xf32, #tpu.memory_space<hbm>>
    tpu.wait_indirect_dma semaphore(%arg58 : memref<!tpu.dma_semaphore, #tpu.memory_space<semaphore_mem>>) src(%dma_wait3A_408 : memref<100000xf32, #tpu.memory_space<hbm>>) dst(%arg41 : memref<512xf32, #tpu.memory_space<vmem>>)
    %dma_wait3A_409 = arith.constant 1100000 : i32
    %dma_wait3A_410 = tpu.memref_slice %arg3[%dma_wait3A_409] : memref<2600000xf32, #tpu.memory_space<hbm>> -> memref<100000xf32, #tpu.memory_space<hbm>>
    %dma_wait3A_411 = arith.constant 0 : i32
    %dma_wait3A_412 = tpu.memref_slice %dma_wait3A_410[%dma_wait3A_411] : memref<100000xf32, #tpu.memory_space<hbm>> -> memref<100000xf32, #tpu.memory_space<hbm>>
    tpu.wait_indirect_dma semaphore(%arg58 : memref<!tpu.dma_semaphore, #tpu.memory_space<semaphore_mem>>) src(%dma_wait3A_412 : memref<100000xf32, #tpu.memory_space<hbm>>) dst(%arg42 : memref<512xf32, #tpu.memory_space<vmem>>)
    %dma_wait3A_413 = arith.constant 1200000 : i32
    %dma_wait3A_414 = tpu.memref_slice %arg3[%dma_wait3A_413] : memref<2600000xf32, #tpu.memory_space<hbm>> -> memref<100000xf32, #tpu.memory_space<hbm>>
    %dma_wait3A_415 = arith.constant 0 : i32
    %dma_wait3A_416 = tpu.memref_slice %dma_wait3A_414[%dma_wait3A_415] : memref<100000xf32, #tpu.memory_space<hbm>> -> memref<100000xf32, #tpu.memory_space<hbm>>
    tpu.wait_indirect_dma semaphore(%arg58 : memref<!tpu.dma_semaphore, #tpu.memory_space<semaphore_mem>>) src(%dma_wait3A_416 : memref<100000xf32, #tpu.memory_space<hbm>>) dst(%arg43 : memref<512xf32, #tpu.memory_space<vmem>>)
    %dma_start3A_417 = arith.constant 0 : i32
    %dma_start3A_418 = tpu.memref_slice %arg4[%dma_start3A_417, %mul3A_2] : memref<26x16384xf32, #tpu.memory_space<hbm>> -> memref<1x512xf32, #tpu.memory_space<hbm>>
    %dma_start3A_419 = tpu.memref_squeeze %dma_start3A_418 : memref<1x512xf32, #tpu.memory_space<hbm>> -> memref<512xf32, #tpu.memory_space<hbm>>
    %dma_start3A_420 = tpu.memref_slice %arg4[%dma_start3A_417, %mul3A_2] : memref<26x16384xf32, #tpu.memory_space<hbm>> -> memref<1x512xf32, #tpu.memory_space<hbm>>
    %dma_start3A_421 = tpu.memref_squeeze %dma_start3A_420 : memref<1x512xf32, #tpu.memory_space<hbm>> -> memref<512xf32, #tpu.memory_space<hbm>>
    tpu.enqueue_dma source(%arg31 : memref<512xf32, #tpu.memory_space<vmem>>) target(%dma_start3A_421 : memref<512xf32, #tpu.memory_space<hbm>>) target_semaphore(%arg60 : memref<!tpu.dma_semaphore, #tpu.memory_space<semaphore_mem>>)
    %dma_start3A_422 = arith.constant 1 : i32
    %dma_start3A_423 = tpu.memref_slice %arg4[%dma_start3A_422, %mul3A_2] : memref<26x16384xf32, #tpu.memory_space<hbm>> -> memref<1x512xf32, #tpu.memory_space<hbm>>
    %dma_start3A_424 = tpu.memref_squeeze %dma_start3A_423 : memref<1x512xf32, #tpu.memory_space<hbm>> -> memref<512xf32, #tpu.memory_space<hbm>>
    %dma_start3A_425 = tpu.memref_slice %arg4[%dma_start3A_422, %mul3A_2] : memref<26x16384xf32, #tpu.memory_space<hbm>> -> memref<1x512xf32, #tpu.memory_space<hbm>>
    %dma_start3A_426 = tpu.memref_squeeze %dma_start3A_425 : memref<1x512xf32, #tpu.memory_space<hbm>> -> memref<512xf32, #tpu.memory_space<hbm>>
    tpu.enqueue_dma source(%arg32 : memref<512xf32, #tpu.memory_space<vmem>>) target(%dma_start3A_426 : memref<512xf32, #tpu.memory_space<hbm>>) target_semaphore(%arg60 : memref<!tpu.dma_semaphore, #tpu.memory_space<semaphore_mem>>)
    %dma_start3A_427 = arith.constant 2 : i32
    %dma_start3A_428 = tpu.memref_slice %arg4[%dma_start3A_427, %mul3A_2] : memref<26x16384xf32, #tpu.memory_space<hbm>> -> memref<1x512xf32, #tpu.memory_space<hbm>>
    %dma_start3A_429 = tpu.memref_squeeze %dma_start3A_428 : memref<1x512xf32, #tpu.memory_space<hbm>> -> memref<512xf32, #tpu.memory_space<hbm>>
    %dma_start3A_430 = tpu.memref_slice %arg4[%dma_start3A_427, %mul3A_2] : memref<26x16384xf32, #tpu.memory_space<hbm>> -> memref<1x512xf32, #tpu.memory_space<hbm>>
    %dma_start3A_431 = tpu.memref_squeeze %dma_start3A_430 : memref<1x512xf32, #tpu.memory_space<hbm>> -> memref<512xf32, #tpu.memory_space<hbm>>
    tpu.enqueue_dma source(%arg33 : memref<512xf32, #tpu.memory_space<vmem>>) target(%dma_start3A_431 : memref<512xf32, #tpu.memory_space<hbm>>) target_semaphore(%arg60 : memref<!tpu.dma_semaphore, #tpu.memory_space<semaphore_mem>>)
    %dma_start3A_432 = arith.constant 3 : i32
    %dma_start3A_433 = tpu.memref_slice %arg4[%dma_start3A_432, %mul3A_2] : memref<26x16384xf32, #tpu.memory_space<hbm>> -> memref<1x512xf32, #tpu.memory_space<hbm>>
    %dma_start3A_434 = tpu.memref_squeeze %dma_start3A_433 : memref<1x512xf32, #tpu.memory_space<hbm>> -> memref<512xf32, #tpu.memory_space<hbm>>
    %dma_start3A_435 = tpu.memref_slice %arg4[%dma_start3A_432, %mul3A_2] : memref<26x16384xf32, #tpu.memory_space<hbm>> -> memref<1x512xf32, #tpu.memory_space<hbm>>
    %dma_start3A_436 = tpu.memref_squeeze %dma_start3A_435 : memref<1x512xf32, #tpu.memory_space<hbm>> -> memref<512xf32, #tpu.memory_space<hbm>>
    tpu.enqueue_dma source(%arg34 : memref<512xf32, #tpu.memory_space<vmem>>) target(%dma_start3A_436 : memref<512xf32, #tpu.memory_space<hbm>>) target_semaphore(%arg60 : memref<!tpu.dma_semaphore, #tpu.memory_space<semaphore_mem>>)
    %dma_start3A_437 = arith.constant 4 : i32
    %dma_start3A_438 = tpu.memref_slice %arg4[%dma_start3A_437, %mul3A_2] : memref<26x16384xf32, #tpu.memory_space<hbm>> -> memref<1x512xf32, #tpu.memory_space<hbm>>
    %dma_start3A_439 = tpu.memref_squeeze %dma_start3A_438 : memref<1x512xf32, #tpu.memory_space<hbm>> -> memref<512xf32, #tpu.memory_space<hbm>>
    %dma_start3A_440 = tpu.memref_slice %arg4[%dma_start3A_437, %mul3A_2] : memref<26x16384xf32, #tpu.memory_space<hbm>> -> memref<1x512xf32, #tpu.memory_space<hbm>>
    %dma_start3A_441 = tpu.memref_squeeze %dma_start3A_440 : memref<1x512xf32, #tpu.memory_space<hbm>> -> memref<512xf32, #tpu.memory_space<hbm>>
    tpu.enqueue_dma source(%arg35 : memref<512xf32, #tpu.memory_space<vmem>>) target(%dma_start3A_441 : memref<512xf32, #tpu.memory_space<hbm>>) target_semaphore(%arg60 : memref<!tpu.dma_semaphore, #tpu.memory_space<semaphore_mem>>)
    %dma_start3A_442 = arith.constant 5 : i32
    %dma_start3A_443 = tpu.memref_slice %arg4[%dma_start3A_442, %mul3A_2] : memref<26x16384xf32, #tpu.memory_space<hbm>> -> memref<1x512xf32, #tpu.memory_space<hbm>>
    %dma_start3A_444 = tpu.memref_squeeze %dma_start3A_443 : memref<1x512xf32, #tpu.memory_space<hbm>> -> memref<512xf32, #tpu.memory_space<hbm>>
    %dma_start3A_445 = tpu.memref_slice %arg4[%dma_start3A_442, %mul3A_2] : memref<26x16384xf32, #tpu.memory_space<hbm>> -> memref<1x512xf32, #tpu.memory_space<hbm>>
    %dma_start3A_446 = tpu.memref_squeeze %dma_start3A_445 : memref<1x512xf32, #tpu.memory_space<hbm>> -> memref<512xf32, #tpu.memory_space<hbm>>
    tpu.enqueue_dma source(%arg36 : memref<512xf32, #tpu.memory_space<vmem>>) target(%dma_start3A_446 : memref<512xf32, #tpu.memory_space<hbm>>) target_semaphore(%arg60 : memref<!tpu.dma_semaphore, #tpu.memory_space<semaphore_mem>>)
    %dma_start3A_447 = arith.constant 6 : i32
    %dma_start3A_448 = tpu.memref_slice %arg4[%dma_start3A_447, %mul3A_2] : memref<26x16384xf32, #tpu.memory_space<hbm>> -> memref<1x512xf32, #tpu.memory_space<hbm>>
    %dma_start3A_449 = tpu.memref_squeeze %dma_start3A_448 : memref<1x512xf32, #tpu.memory_space<hbm>> -> memref<512xf32, #tpu.memory_space<hbm>>
    %dma_start3A_450 = tpu.memref_slice %arg4[%dma_start3A_447, %mul3A_2] : memref<26x16384xf32, #tpu.memory_space<hbm>> -> memref<1x512xf32, #tpu.memory_space<hbm>>
    %dma_start3A_451 = tpu.memref_squeeze %dma_start3A_450 : memref<1x512xf32, #tpu.memory_space<hbm>> -> memref<512xf32, #tpu.memory_space<hbm>>
    tpu.enqueue_dma source(%arg37 : memref<512xf32, #tpu.memory_space<vmem>>) target(%dma_start3A_451 : memref<512xf32, #tpu.memory_space<hbm>>) target_semaphore(%arg60 : memref<!tpu.dma_semaphore, #tpu.memory_space<semaphore_mem>>)
    %dma_start3A_452 = arith.constant 7 : i32
    %dma_start3A_453 = tpu.memref_slice %arg4[%dma_start3A_452, %mul3A_2] : memref<26x16384xf32, #tpu.memory_space<hbm>> -> memref<1x512xf32, #tpu.memory_space<hbm>>
    %dma_start3A_454 = tpu.memref_squeeze %dma_start3A_453 : memref<1x512xf32, #tpu.memory_space<hbm>> -> memref<512xf32, #tpu.memory_space<hbm>>
    %dma_start3A_455 = tpu.memref_slice %arg4[%dma_start3A_452, %mul3A_2] : memref<26x16384xf32, #tpu.memory_space<hbm>> -> memref<1x512xf32, #tpu.memory_space<hbm>>
    %dma_start3A_456 = tpu.memref_squeeze %dma_start3A_455 : memref<1x512xf32, #tpu.memory_space<hbm>> -> memref<512xf32, #tpu.memory_space<hbm>>
    tpu.enqueue_dma source(%arg38 : memref<512xf32, #tpu.memory_space<vmem>>) target(%dma_start3A_456 : memref<512xf32, #tpu.memory_space<hbm>>) target_semaphore(%arg60 : memref<!tpu.dma_semaphore, #tpu.memory_space<semaphore_mem>>)
    %dma_start3A_457 = arith.constant 8 : i32
    %dma_start3A_458 = tpu.memref_slice %arg4[%dma_start3A_457, %mul3A_2] : memref<26x16384xf32, #tpu.memory_space<hbm>> -> memref<1x512xf32, #tpu.memory_space<hbm>>
    %dma_start3A_459 = tpu.memref_squeeze %dma_start3A_458 : memref<1x512xf32, #tpu.memory_space<hbm>> -> memref<512xf32, #tpu.memory_space<hbm>>
    %dma_start3A_460 = tpu.memref_slice %arg4[%dma_start3A_457, %mul3A_2] : memref<26x16384xf32, #tpu.memory_space<hbm>> -> memref<1x512xf32, #tpu.memory_space<hbm>>
    %dma_start3A_461 = tpu.memref_squeeze %dma_start3A_460 : memref<1x512xf32, #tpu.memory_space<hbm>> -> memref<512xf32, #tpu.memory_space<hbm>>
    tpu.enqueue_dma source(%arg39 : memref<512xf32, #tpu.memory_space<vmem>>) target(%dma_start3A_461 : memref<512xf32, #tpu.memory_space<hbm>>) target_semaphore(%arg60 : memref<!tpu.dma_semaphore, #tpu.memory_space<semaphore_mem>>)
    %dma_start3A_462 = arith.constant 9 : i32
    %dma_start3A_463 = tpu.memref_slice %arg4[%dma_start3A_462, %mul3A_2] : memref<26x16384xf32, #tpu.memory_space<hbm>> -> memref<1x512xf32, #tpu.memory_space<hbm>>
    %dma_start3A_464 = tpu.memref_squeeze %dma_start3A_463 : memref<1x512xf32, #tpu.memory_space<hbm>> -> memref<512xf32, #tpu.memory_space<hbm>>
    %dma_start3A_465 = tpu.memref_slice %arg4[%dma_start3A_462, %mul3A_2] : memref<26x16384xf32, #tpu.memory_space<hbm>> -> memref<1x512xf32, #tpu.memory_space<hbm>>
    %dma_start3A_466 = tpu.memref_squeeze %dma_start3A_465 : memref<1x512xf32, #tpu.memory_space<hbm>> -> memref<512xf32, #tpu.memory_space<hbm>>
    tpu.enqueue_dma source(%arg40 : memref<512xf32, #tpu.memory_space<vmem>>) target(%dma_start3A_466 : memref<512xf32, #tpu.memory_space<hbm>>) target_semaphore(%arg60 : memref<!tpu.dma_semaphore, #tpu.memory_space<semaphore_mem>>)
    %dma_start3A_467 = arith.constant 10 : i32
    %dma_start3A_468 = tpu.memref_slice %arg4[%dma_start3A_467, %mul3A_2] : memref<26x16384xf32, #tpu.memory_space<hbm>> -> memref<1x512xf32, #tpu.memory_space<hbm>>
    %dma_start3A_469 = tpu.memref_squeeze %dma_start3A_468 : memref<1x512xf32, #tpu.memory_space<hbm>> -> memref<512xf32, #tpu.memory_space<hbm>>
    %dma_start3A_470 = tpu.memref_slice %arg4[%dma_start3A_467, %mul3A_2] : memref<26x16384xf32, #tpu.memory_space<hbm>> -> memref<1x512xf32, #tpu.memory_space<hbm>>
    %dma_start3A_471 = tpu.memref_squeeze %dma_start3A_470 : memref<1x512xf32, #tpu.memory_space<hbm>> -> memref<512xf32, #tpu.memory_space<hbm>>
    tpu.enqueue_dma source(%arg41 : memref<512xf32, #tpu.memory_space<vmem>>) target(%dma_start3A_471 : memref<512xf32, #tpu.memory_space<hbm>>) target_semaphore(%arg60 : memref<!tpu.dma_semaphore, #tpu.memory_space<semaphore_mem>>)
    %dma_start3A_472 = arith.constant 11 : i32
    %dma_start3A_473 = tpu.memref_slice %arg4[%dma_start3A_472, %mul3A_2] : memref<26x16384xf32, #tpu.memory_space<hbm>> -> memref<1x512xf32, #tpu.memory_space<hbm>>
    %dma_start3A_474 = tpu.memref_squeeze %dma_start3A_473 : memref<1x512xf32, #tpu.memory_space<hbm>> -> memref<512xf32, #tpu.memory_space<hbm>>
    %dma_start3A_475 = tpu.memref_slice %arg4[%dma_start3A_472, %mul3A_2] : memref<26x16384xf32, #tpu.memory_space<hbm>> -> memref<1x512xf32, #tpu.memory_space<hbm>>
    %dma_start3A_476 = tpu.memref_squeeze %dma_start3A_475 : memref<1x512xf32, #tpu.memory_space<hbm>> -> memref<512xf32, #tpu.memory_space<hbm>>
    tpu.enqueue_dma source(%arg42 : memref<512xf32, #tpu.memory_space<vmem>>) target(%dma_start3A_476 : memref<512xf32, #tpu.memory_space<hbm>>) target_semaphore(%arg60 : memref<!tpu.dma_semaphore, #tpu.memory_space<semaphore_mem>>)
    %dma_start3A_477 = arith.constant 12 : i32
    %dma_start3A_478 = tpu.memref_slice %arg4[%dma_start3A_477, %mul3A_2] : memref<26x16384xf32, #tpu.memory_space<hbm>> -> memref<1x512xf32, #tpu.memory_space<hbm>>
    %dma_start3A_479 = tpu.memref_squeeze %dma_start3A_478 : memref<1x512xf32, #tpu.memory_space<hbm>> -> memref<512xf32, #tpu.memory_space<hbm>>
    %dma_start3A_480 = tpu.memref_slice %arg4[%dma_start3A_477, %mul3A_2] : memref<26x16384xf32, #tpu.memory_space<hbm>> -> memref<1x512xf32, #tpu.memory_space<hbm>>
    %dma_start3A_481 = tpu.memref_squeeze %dma_start3A_480 : memref<1x512xf32, #tpu.memory_space<hbm>> -> memref<512xf32, #tpu.memory_space<hbm>>
    tpu.enqueue_dma source(%arg43 : memref<512xf32, #tpu.memory_space<vmem>>) target(%dma_start3A_481 : memref<512xf32, #tpu.memory_space<hbm>>) target_semaphore(%arg60 : memref<!tpu.dma_semaphore, #tpu.memory_space<semaphore_mem>>)
    %dma_wait3A_482 = arith.constant 1300000 : i32
    %dma_wait3A_483 = tpu.memref_slice %arg3[%dma_wait3A_482] : memref<2600000xf32, #tpu.memory_space<hbm>> -> memref<100000xf32, #tpu.memory_space<hbm>>
    %dma_wait3A_484 = arith.constant 0 : i32
    %dma_wait3A_485 = tpu.memref_slice %dma_wait3A_483[%dma_wait3A_484] : memref<100000xf32, #tpu.memory_space<hbm>> -> memref<100000xf32, #tpu.memory_space<hbm>>
    tpu.wait_indirect_dma semaphore(%arg59 : memref<!tpu.dma_semaphore, #tpu.memory_space<semaphore_mem>>) src(%dma_wait3A_485 : memref<100000xf32, #tpu.memory_space<hbm>>) dst(%arg44 : memref<512xf32, #tpu.memory_space<vmem>>)
    %dma_wait3A_486 = arith.constant 1400000 : i32
    %dma_wait3A_487 = tpu.memref_slice %arg3[%dma_wait3A_486] : memref<2600000xf32, #tpu.memory_space<hbm>> -> memref<100000xf32, #tpu.memory_space<hbm>>
    %dma_wait3A_488 = arith.constant 0 : i32
    %dma_wait3A_489 = tpu.memref_slice %dma_wait3A_487[%dma_wait3A_488] : memref<100000xf32, #tpu.memory_space<hbm>> -> memref<100000xf32, #tpu.memory_space<hbm>>
    tpu.wait_indirect_dma semaphore(%arg59 : memref<!tpu.dma_semaphore, #tpu.memory_space<semaphore_mem>>) src(%dma_wait3A_489 : memref<100000xf32, #tpu.memory_space<hbm>>) dst(%arg45 : memref<512xf32, #tpu.memory_space<vmem>>)
    %dma_wait3A_490 = arith.constant 1500000 : i32
    %dma_wait3A_491 = tpu.memref_slice %arg3[%dma_wait3A_490] : memref<2600000xf32, #tpu.memory_space<hbm>> -> memref<100000xf32, #tpu.memory_space<hbm>>
    %dma_wait3A_492 = arith.constant 0 : i32
    %dma_wait3A_493 = tpu.memref_slice %dma_wait3A_491[%dma_wait3A_492] : memref<100000xf32, #tpu.memory_space<hbm>> -> memref<100000xf32, #tpu.memory_space<hbm>>
    tpu.wait_indirect_dma semaphore(%arg59 : memref<!tpu.dma_semaphore, #tpu.memory_space<semaphore_mem>>) src(%dma_wait3A_493 : memref<100000xf32, #tpu.memory_space<hbm>>) dst(%arg46 : memref<512xf32, #tpu.memory_space<vmem>>)
    %dma_wait3A_494 = arith.constant 1600000 : i32
    %dma_wait3A_495 = tpu.memref_slice %arg3[%dma_wait3A_494] : memref<2600000xf32, #tpu.memory_space<hbm>> -> memref<100000xf32, #tpu.memory_space<hbm>>
    %dma_wait3A_496 = arith.constant 0 : i32
    %dma_wait3A_497 = tpu.memref_slice %dma_wait3A_495[%dma_wait3A_496] : memref<100000xf32, #tpu.memory_space<hbm>> -> memref<100000xf32, #tpu.memory_space<hbm>>
    tpu.wait_indirect_dma semaphore(%arg59 : memref<!tpu.dma_semaphore, #tpu.memory_space<semaphore_mem>>) src(%dma_wait3A_497 : memref<100000xf32, #tpu.memory_space<hbm>>) dst(%arg47 : memref<512xf32, #tpu.memory_space<vmem>>)
    %dma_wait3A_498 = arith.constant 1700000 : i32
    %dma_wait3A_499 = tpu.memref_slice %arg3[%dma_wait3A_498] : memref<2600000xf32, #tpu.memory_space<hbm>> -> memref<100000xf32, #tpu.memory_space<hbm>>
    %dma_wait3A_500 = arith.constant 0 : i32
    %dma_wait3A_501 = tpu.memref_slice %dma_wait3A_499[%dma_wait3A_500] : memref<100000xf32, #tpu.memory_space<hbm>> -> memref<100000xf32, #tpu.memory_space<hbm>>
    tpu.wait_indirect_dma semaphore(%arg59 : memref<!tpu.dma_semaphore, #tpu.memory_space<semaphore_mem>>) src(%dma_wait3A_501 : memref<100000xf32, #tpu.memory_space<hbm>>) dst(%arg48 : memref<512xf32, #tpu.memory_space<vmem>>)
    %dma_wait3A_502 = arith.constant 1800000 : i32
    %dma_wait3A_503 = tpu.memref_slice %arg3[%dma_wait3A_502] : memref<2600000xf32, #tpu.memory_space<hbm>> -> memref<100000xf32, #tpu.memory_space<hbm>>
    %dma_wait3A_504 = arith.constant 0 : i32
    %dma_wait3A_505 = tpu.memref_slice %dma_wait3A_503[%dma_wait3A_504] : memref<100000xf32, #tpu.memory_space<hbm>> -> memref<100000xf32, #tpu.memory_space<hbm>>
    tpu.wait_indirect_dma semaphore(%arg59 : memref<!tpu.dma_semaphore, #tpu.memory_space<semaphore_mem>>) src(%dma_wait3A_505 : memref<100000xf32, #tpu.memory_space<hbm>>) dst(%arg49 : memref<512xf32, #tpu.memory_space<vmem>>)
    %dma_wait3A_506 = arith.constant 1900000 : i32
    %dma_wait3A_507 = tpu.memref_slice %arg3[%dma_wait3A_506] : memref<2600000xf32, #tpu.memory_space<hbm>> -> memref<100000xf32, #tpu.memory_space<hbm>>
    %dma_wait3A_508 = arith.constant 0 : i32
    %dma_wait3A_509 = tpu.memref_slice %dma_wait3A_507[%dma_wait3A_508] : memref<100000xf32, #tpu.memory_space<hbm>> -> memref<100000xf32, #tpu.memory_space<hbm>>
    tpu.wait_indirect_dma semaphore(%arg59 : memref<!tpu.dma_semaphore, #tpu.memory_space<semaphore_mem>>) src(%dma_wait3A_509 : memref<100000xf32, #tpu.memory_space<hbm>>) dst(%arg50 : memref<512xf32, #tpu.memory_space<vmem>>)
    %dma_wait3A_510 = arith.constant 2000000 : i32
    %dma_wait3A_511 = tpu.memref_slice %arg3[%dma_wait3A_510] : memref<2600000xf32, #tpu.memory_space<hbm>> -> memref<100000xf32, #tpu.memory_space<hbm>>
    %dma_wait3A_512 = arith.constant 0 : i32
    %dma_wait3A_513 = tpu.memref_slice %dma_wait3A_511[%dma_wait3A_512] : memref<100000xf32, #tpu.memory_space<hbm>> -> memref<100000xf32, #tpu.memory_space<hbm>>
    tpu.wait_indirect_dma semaphore(%arg59 : memref<!tpu.dma_semaphore, #tpu.memory_space<semaphore_mem>>) src(%dma_wait3A_513 : memref<100000xf32, #tpu.memory_space<hbm>>) dst(%arg51 : memref<512xf32, #tpu.memory_space<vmem>>)
    %dma_wait3A_514 = arith.constant 2100000 : i32
    %dma_wait3A_515 = tpu.memref_slice %arg3[%dma_wait3A_514] : memref<2600000xf32, #tpu.memory_space<hbm>> -> memref<100000xf32, #tpu.memory_space<hbm>>
    %dma_wait3A_516 = arith.constant 0 : i32
    %dma_wait3A_517 = tpu.memref_slice %dma_wait3A_515[%dma_wait3A_516] : memref<100000xf32, #tpu.memory_space<hbm>> -> memref<100000xf32, #tpu.memory_space<hbm>>
    tpu.wait_indirect_dma semaphore(%arg59 : memref<!tpu.dma_semaphore, #tpu.memory_space<semaphore_mem>>) src(%dma_wait3A_517 : memref<100000xf32, #tpu.memory_space<hbm>>) dst(%arg52 : memref<512xf32, #tpu.memory_space<vmem>>)
    %dma_wait3A_518 = arith.constant 2200000 : i32
    %dma_wait3A_519 = tpu.memref_slice %arg3[%dma_wait3A_518] : memref<2600000xf32, #tpu.memory_space<hbm>> -> memref<100000xf32, #tpu.memory_space<hbm>>
    %dma_wait3A_520 = arith.constant 0 : i32
    %dma_wait3A_521 = tpu.memref_slice %dma_wait3A_519[%dma_wait3A_520] : memref<100000xf32, #tpu.memory_space<hbm>> -> memref<100000xf32, #tpu.memory_space<hbm>>
    tpu.wait_indirect_dma semaphore(%arg59 : memref<!tpu.dma_semaphore, #tpu.memory_space<semaphore_mem>>) src(%dma_wait3A_521 : memref<100000xf32, #tpu.memory_space<hbm>>) dst(%arg53 : memref<512xf32, #tpu.memory_space<vmem>>)
    %dma_wait3A_522 = arith.constant 2300000 : i32
    %dma_wait3A_523 = tpu.memref_slice %arg3[%dma_wait3A_522] : memref<2600000xf32, #tpu.memory_space<hbm>> -> memref<100000xf32, #tpu.memory_space<hbm>>
    %dma_wait3A_524 = arith.constant 0 : i32
    %dma_wait3A_525 = tpu.memref_slice %dma_wait3A_523[%dma_wait3A_524] : memref<100000xf32, #tpu.memory_space<hbm>> -> memref<100000xf32, #tpu.memory_space<hbm>>
    tpu.wait_indirect_dma semaphore(%arg59 : memref<!tpu.dma_semaphore, #tpu.memory_space<semaphore_mem>>) src(%dma_wait3A_525 : memref<100000xf32, #tpu.memory_space<hbm>>) dst(%arg54 : memref<512xf32, #tpu.memory_space<vmem>>)
    %dma_wait3A_526 = arith.constant 2400000 : i32
    %dma_wait3A_527 = tpu.memref_slice %arg3[%dma_wait3A_526] : memref<2600000xf32, #tpu.memory_space<hbm>> -> memref<100000xf32, #tpu.memory_space<hbm>>
    %dma_wait3A_528 = arith.constant 0 : i32
    %dma_wait3A_529 = tpu.memref_slice %dma_wait3A_527[%dma_wait3A_528] : memref<100000xf32, #tpu.memory_space<hbm>> -> memref<100000xf32, #tpu.memory_space<hbm>>
    tpu.wait_indirect_dma semaphore(%arg59 : memref<!tpu.dma_semaphore, #tpu.memory_space<semaphore_mem>>) src(%dma_wait3A_529 : memref<100000xf32, #tpu.memory_space<hbm>>) dst(%arg55 : memref<512xf32, #tpu.memory_space<vmem>>)
    %dma_wait3A_530 = arith.constant 2500000 : i32
    %dma_wait3A_531 = tpu.memref_slice %arg3[%dma_wait3A_530] : memref<2600000xf32, #tpu.memory_space<hbm>> -> memref<100000xf32, #tpu.memory_space<hbm>>
    %dma_wait3A_532 = arith.constant 0 : i32
    %dma_wait3A_533 = tpu.memref_slice %dma_wait3A_531[%dma_wait3A_532] : memref<100000xf32, #tpu.memory_space<hbm>> -> memref<100000xf32, #tpu.memory_space<hbm>>
    tpu.wait_indirect_dma semaphore(%arg59 : memref<!tpu.dma_semaphore, #tpu.memory_space<semaphore_mem>>) src(%dma_wait3A_533 : memref<100000xf32, #tpu.memory_space<hbm>>) dst(%arg56 : memref<512xf32, #tpu.memory_space<vmem>>)
    %dma_start3A_534 = arith.constant 13 : i32
    %dma_start3A_535 = tpu.memref_slice %arg4[%dma_start3A_534, %mul3A_2] : memref<26x16384xf32, #tpu.memory_space<hbm>> -> memref<1x512xf32, #tpu.memory_space<hbm>>
    %dma_start3A_536 = tpu.memref_squeeze %dma_start3A_535 : memref<1x512xf32, #tpu.memory_space<hbm>> -> memref<512xf32, #tpu.memory_space<hbm>>
    %dma_start3A_537 = tpu.memref_slice %arg4[%dma_start3A_534, %mul3A_2] : memref<26x16384xf32, #tpu.memory_space<hbm>> -> memref<1x512xf32, #tpu.memory_space<hbm>>
    %dma_start3A_538 = tpu.memref_squeeze %dma_start3A_537 : memref<1x512xf32, #tpu.memory_space<hbm>> -> memref<512xf32, #tpu.memory_space<hbm>>
    tpu.enqueue_dma source(%arg44 : memref<512xf32, #tpu.memory_space<vmem>>) target(%dma_start3A_538 : memref<512xf32, #tpu.memory_space<hbm>>) target_semaphore(%arg60 : memref<!tpu.dma_semaphore, #tpu.memory_space<semaphore_mem>>)
    %dma_start3A_539 = arith.constant 14 : i32
    %dma_start3A_540 = tpu.memref_slice %arg4[%dma_start3A_539, %mul3A_2] : memref<26x16384xf32, #tpu.memory_space<hbm>> -> memref<1x512xf32, #tpu.memory_space<hbm>>
    %dma_start3A_541 = tpu.memref_squeeze %dma_start3A_540 : memref<1x512xf32, #tpu.memory_space<hbm>> -> memref<512xf32, #tpu.memory_space<hbm>>
    %dma_start3A_542 = tpu.memref_slice %arg4[%dma_start3A_539, %mul3A_2] : memref<26x16384xf32, #tpu.memory_space<hbm>> -> memref<1x512xf32, #tpu.memory_space<hbm>>
    %dma_start3A_543 = tpu.memref_squeeze %dma_start3A_542 : memref<1x512xf32, #tpu.memory_space<hbm>> -> memref<512xf32, #tpu.memory_space<hbm>>
    tpu.enqueue_dma source(%arg45 : memref<512xf32, #tpu.memory_space<vmem>>) target(%dma_start3A_543 : memref<512xf32, #tpu.memory_space<hbm>>) target_semaphore(%arg60 : memref<!tpu.dma_semaphore, #tpu.memory_space<semaphore_mem>>)
    %dma_start3A_544 = arith.constant 15 : i32
    %dma_start3A_545 = tpu.memref_slice %arg4[%dma_start3A_544, %mul3A_2] : memref<26x16384xf32, #tpu.memory_space<hbm>> -> memref<1x512xf32, #tpu.memory_space<hbm>>
    %dma_start3A_546 = tpu.memref_squeeze %dma_start3A_545 : memref<1x512xf32, #tpu.memory_space<hbm>> -> memref<512xf32, #tpu.memory_space<hbm>>
    %dma_start3A_547 = tpu.memref_slice %arg4[%dma_start3A_544, %mul3A_2] : memref<26x16384xf32, #tpu.memory_space<hbm>> -> memref<1x512xf32, #tpu.memory_space<hbm>>
    %dma_start3A_548 = tpu.memref_squeeze %dma_start3A_547 : memref<1x512xf32, #tpu.memory_space<hbm>> -> memref<512xf32, #tpu.memory_space<hbm>>
    tpu.enqueue_dma source(%arg46 : memref<512xf32, #tpu.memory_space<vmem>>) target(%dma_start3A_548 : memref<512xf32, #tpu.memory_space<hbm>>) target_semaphore(%arg60 : memref<!tpu.dma_semaphore, #tpu.memory_space<semaphore_mem>>)
    %dma_start3A_549 = arith.constant 16 : i32
    %dma_start3A_550 = tpu.memref_slice %arg4[%dma_start3A_549, %mul3A_2] : memref<26x16384xf32, #tpu.memory_space<hbm>> -> memref<1x512xf32, #tpu.memory_space<hbm>>
    %dma_start3A_551 = tpu.memref_squeeze %dma_start3A_550 : memref<1x512xf32, #tpu.memory_space<hbm>> -> memref<512xf32, #tpu.memory_space<hbm>>
    %dma_start3A_552 = tpu.memref_slice %arg4[%dma_start3A_549, %mul3A_2] : memref<26x16384xf32, #tpu.memory_space<hbm>> -> memref<1x512xf32, #tpu.memory_space<hbm>>
    %dma_start3A_553 = tpu.memref_squeeze %dma_start3A_552 : memref<1x512xf32, #tpu.memory_space<hbm>> -> memref<512xf32, #tpu.memory_space<hbm>>
    tpu.enqueue_dma source(%arg47 : memref<512xf32, #tpu.memory_space<vmem>>) target(%dma_start3A_553 : memref<512xf32, #tpu.memory_space<hbm>>) target_semaphore(%arg60 : memref<!tpu.dma_semaphore, #tpu.memory_space<semaphore_mem>>)
    %dma_start3A_554 = arith.constant 17 : i32
    %dma_start3A_555 = tpu.memref_slice %arg4[%dma_start3A_554, %mul3A_2] : memref<26x16384xf32, #tpu.memory_space<hbm>> -> memref<1x512xf32, #tpu.memory_space<hbm>>
    %dma_start3A_556 = tpu.memref_squeeze %dma_start3A_555 : memref<1x512xf32, #tpu.memory_space<hbm>> -> memref<512xf32, #tpu.memory_space<hbm>>
    %dma_start3A_557 = tpu.memref_slice %arg4[%dma_start3A_554, %mul3A_2] : memref<26x16384xf32, #tpu.memory_space<hbm>> -> memref<1x512xf32, #tpu.memory_space<hbm>>
    %dma_start3A_558 = tpu.memref_squeeze %dma_start3A_557 : memref<1x512xf32, #tpu.memory_space<hbm>> -> memref<512xf32, #tpu.memory_space<hbm>>
    tpu.enqueue_dma source(%arg48 : memref<512xf32, #tpu.memory_space<vmem>>) target(%dma_start3A_558 : memref<512xf32, #tpu.memory_space<hbm>>) target_semaphore(%arg60 : memref<!tpu.dma_semaphore, #tpu.memory_space<semaphore_mem>>)
    %dma_start3A_559 = arith.constant 18 : i32
    %dma_start3A_560 = tpu.memref_slice %arg4[%dma_start3A_559, %mul3A_2] : memref<26x16384xf32, #tpu.memory_space<hbm>> -> memref<1x512xf32, #tpu.memory_space<hbm>>
    %dma_start3A_561 = tpu.memref_squeeze %dma_start3A_560 : memref<1x512xf32, #tpu.memory_space<hbm>> -> memref<512xf32, #tpu.memory_space<hbm>>
    %dma_start3A_562 = tpu.memref_slice %arg4[%dma_start3A_559, %mul3A_2] : memref<26x16384xf32, #tpu.memory_space<hbm>> -> memref<1x512xf32, #tpu.memory_space<hbm>>
    %dma_start3A_563 = tpu.memref_squeeze %dma_start3A_562 : memref<1x512xf32, #tpu.memory_space<hbm>> -> memref<512xf32, #tpu.memory_space<hbm>>
    tpu.enqueue_dma source(%arg49 : memref<512xf32, #tpu.memory_space<vmem>>) target(%dma_start3A_563 : memref<512xf32, #tpu.memory_space<hbm>>) target_semaphore(%arg60 : memref<!tpu.dma_semaphore, #tpu.memory_space<semaphore_mem>>)
    %dma_start3A_564 = arith.constant 19 : i32
    %dma_start3A_565 = tpu.memref_slice %arg4[%dma_start3A_564, %mul3A_2] : memref<26x16384xf32, #tpu.memory_space<hbm>> -> memref<1x512xf32, #tpu.memory_space<hbm>>
    %dma_start3A_566 = tpu.memref_squeeze %dma_start3A_565 : memref<1x512xf32, #tpu.memory_space<hbm>> -> memref<512xf32, #tpu.memory_space<hbm>>
    %dma_start3A_567 = tpu.memref_slice %arg4[%dma_start3A_564, %mul3A_2] : memref<26x16384xf32, #tpu.memory_space<hbm>> -> memref<1x512xf32, #tpu.memory_space<hbm>>
    %dma_start3A_568 = tpu.memref_squeeze %dma_start3A_567 : memref<1x512xf32, #tpu.memory_space<hbm>> -> memref<512xf32, #tpu.memory_space<hbm>>
    tpu.enqueue_dma source(%arg50 : memref<512xf32, #tpu.memory_space<vmem>>) target(%dma_start3A_568 : memref<512xf32, #tpu.memory_space<hbm>>) target_semaphore(%arg60 : memref<!tpu.dma_semaphore, #tpu.memory_space<semaphore_mem>>)
    %dma_start3A_569 = arith.constant 20 : i32
    %dma_start3A_570 = tpu.memref_slice %arg4[%dma_start3A_569, %mul3A_2] : memref<26x16384xf32, #tpu.memory_space<hbm>> -> memref<1x512xf32, #tpu.memory_space<hbm>>
    %dma_start3A_571 = tpu.memref_squeeze %dma_start3A_570 : memref<1x512xf32, #tpu.memory_space<hbm>> -> memref<512xf32, #tpu.memory_space<hbm>>
    %dma_start3A_572 = tpu.memref_slice %arg4[%dma_start3A_569, %mul3A_2] : memref<26x16384xf32, #tpu.memory_space<hbm>> -> memref<1x512xf32, #tpu.memory_space<hbm>>
    %dma_start3A_573 = tpu.memref_squeeze %dma_start3A_572 : memref<1x512xf32, #tpu.memory_space<hbm>> -> memref<512xf32, #tpu.memory_space<hbm>>
    tpu.enqueue_dma source(%arg51 : memref<512xf32, #tpu.memory_space<vmem>>) target(%dma_start3A_573 : memref<512xf32, #tpu.memory_space<hbm>>) target_semaphore(%arg60 : memref<!tpu.dma_semaphore, #tpu.memory_space<semaphore_mem>>)
    %dma_start3A_574 = arith.constant 21 : i32
    %dma_start3A_575 = tpu.memref_slice %arg4[%dma_start3A_574, %mul3A_2] : memref<26x16384xf32, #tpu.memory_space<hbm>> -> memref<1x512xf32, #tpu.memory_space<hbm>>
    %dma_start3A_576 = tpu.memref_squeeze %dma_start3A_575 : memref<1x512xf32, #tpu.memory_space<hbm>> -> memref<512xf32, #tpu.memory_space<hbm>>
    %dma_start3A_577 = tpu.memref_slice %arg4[%dma_start3A_574, %mul3A_2] : memref<26x16384xf32, #tpu.memory_space<hbm>> -> memref<1x512xf32, #tpu.memory_space<hbm>>
    %dma_start3A_578 = tpu.memref_squeeze %dma_start3A_577 : memref<1x512xf32, #tpu.memory_space<hbm>> -> memref<512xf32, #tpu.memory_space<hbm>>
    tpu.enqueue_dma source(%arg52 : memref<512xf32, #tpu.memory_space<vmem>>) target(%dma_start3A_578 : memref<512xf32, #tpu.memory_space<hbm>>) target_semaphore(%arg60 : memref<!tpu.dma_semaphore, #tpu.memory_space<semaphore_mem>>)
    %dma_start3A_579 = arith.constant 22 : i32
    %dma_start3A_580 = tpu.memref_slice %arg4[%dma_start3A_579, %mul3A_2] : memref<26x16384xf32, #tpu.memory_space<hbm>> -> memref<1x512xf32, #tpu.memory_space<hbm>>
    %dma_start3A_581 = tpu.memref_squeeze %dma_start3A_580 : memref<1x512xf32, #tpu.memory_space<hbm>> -> memref<512xf32, #tpu.memory_space<hbm>>
    %dma_start3A_582 = tpu.memref_slice %arg4[%dma_start3A_579, %mul3A_2] : memref<26x16384xf32, #tpu.memory_space<hbm>> -> memref<1x512xf32, #tpu.memory_space<hbm>>
    %dma_start3A_583 = tpu.memref_squeeze %dma_start3A_582 : memref<1x512xf32, #tpu.memory_space<hbm>> -> memref<512xf32, #tpu.memory_space<hbm>>
    tpu.enqueue_dma source(%arg53 : memref<512xf32, #tpu.memory_space<vmem>>) target(%dma_start3A_583 : memref<512xf32, #tpu.memory_space<hbm>>) target_semaphore(%arg60 : memref<!tpu.dma_semaphore, #tpu.memory_space<semaphore_mem>>)
    %dma_start3A_584 = arith.constant 23 : i32
    %dma_start3A_585 = tpu.memref_slice %arg4[%dma_start3A_584, %mul3A_2] : memref<26x16384xf32, #tpu.memory_space<hbm>> -> memref<1x512xf32, #tpu.memory_space<hbm>>
    %dma_start3A_586 = tpu.memref_squeeze %dma_start3A_585 : memref<1x512xf32, #tpu.memory_space<hbm>> -> memref<512xf32, #tpu.memory_space<hbm>>
    %dma_start3A_587 = tpu.memref_slice %arg4[%dma_start3A_584, %mul3A_2] : memref<26x16384xf32, #tpu.memory_space<hbm>> -> memref<1x512xf32, #tpu.memory_space<hbm>>
    %dma_start3A_588 = tpu.memref_squeeze %dma_start3A_587 : memref<1x512xf32, #tpu.memory_space<hbm>> -> memref<512xf32, #tpu.memory_space<hbm>>
    tpu.enqueue_dma source(%arg54 : memref<512xf32, #tpu.memory_space<vmem>>) target(%dma_start3A_588 : memref<512xf32, #tpu.memory_space<hbm>>) target_semaphore(%arg60 : memref<!tpu.dma_semaphore, #tpu.memory_space<semaphore_mem>>)
    %dma_start3A_589 = arith.constant 24 : i32
    %dma_start3A_590 = tpu.memref_slice %arg4[%dma_start3A_589, %mul3A_2] : memref<26x16384xf32, #tpu.memory_space<hbm>> -> memref<1x512xf32, #tpu.memory_space<hbm>>
    %dma_start3A_591 = tpu.memref_squeeze %dma_start3A_590 : memref<1x512xf32, #tpu.memory_space<hbm>> -> memref<512xf32, #tpu.memory_space<hbm>>
    %dma_start3A_592 = tpu.memref_slice %arg4[%dma_start3A_589, %mul3A_2] : memref<26x16384xf32, #tpu.memory_space<hbm>> -> memref<1x512xf32, #tpu.memory_space<hbm>>
    %dma_start3A_593 = tpu.memref_squeeze %dma_start3A_592 : memref<1x512xf32, #tpu.memory_space<hbm>> -> memref<512xf32, #tpu.memory_space<hbm>>
    tpu.enqueue_dma source(%arg55 : memref<512xf32, #tpu.memory_space<vmem>>) target(%dma_start3A_593 : memref<512xf32, #tpu.memory_space<hbm>>) target_semaphore(%arg60 : memref<!tpu.dma_semaphore, #tpu.memory_space<semaphore_mem>>)
    %dma_start3A_594 = arith.constant 25 : i32
    %dma_start3A_595 = tpu.memref_slice %arg4[%dma_start3A_594, %mul3A_2] : memref<26x16384xf32, #tpu.memory_space<hbm>> -> memref<1x512xf32, #tpu.memory_space<hbm>>
    %dma_start3A_596 = tpu.memref_squeeze %dma_start3A_595 : memref<1x512xf32, #tpu.memory_space<hbm>> -> memref<512xf32, #tpu.memory_space<hbm>>
    %dma_start3A_597 = tpu.memref_slice %arg4[%dma_start3A_594, %mul3A_2] : memref<26x16384xf32, #tpu.memory_space<hbm>> -> memref<1x512xf32, #tpu.memory_space<hbm>>
    %dma_start3A_598 = tpu.memref_squeeze %dma_start3A_597 : memref<1x512xf32, #tpu.memory_space<hbm>> -> memref<512xf32, #tpu.memory_space<hbm>>
    tpu.enqueue_dma source(%arg56 : memref<512xf32, #tpu.memory_space<vmem>>) target(%dma_start3A_598 : memref<512xf32, #tpu.memory_space<hbm>>) target_semaphore(%arg60 : memref<!tpu.dma_semaphore, #tpu.memory_space<semaphore_mem>>)
    %dma_wait3A_599 = arith.constant 0 : i32
    %dma_wait3A_600 = tpu.memref_slice %arg4[%dma_wait3A_599, %mul3A_2] : memref<26x16384xf32, #tpu.memory_space<hbm>> -> memref<1x512xf32, #tpu.memory_space<hbm>>
    %dma_wait3A_601 = tpu.memref_squeeze %dma_wait3A_600 : memref<1x512xf32, #tpu.memory_space<hbm>> -> memref<512xf32, #tpu.memory_space<hbm>>
    %dma_wait3A_602 = tpu.memref_slice %arg4[%dma_wait3A_599, %mul3A_2] : memref<26x16384xf32, #tpu.memory_space<hbm>> -> memref<1x512xf32, #tpu.memory_space<hbm>>
    %dma_wait3A_603 = tpu.memref_squeeze %dma_wait3A_602 : memref<1x512xf32, #tpu.memory_space<hbm>> -> memref<512xf32, #tpu.memory_space<hbm>>
    tpu.wait_dma2 semaphore(%arg60 : memref<!tpu.dma_semaphore, #tpu.memory_space<semaphore_mem>>) src(%arg31 : memref<512xf32, #tpu.memory_space<vmem>>) dst(%dma_wait3A_603 : memref<512xf32, #tpu.memory_space<hbm>>)
    %dma_wait3A_604 = arith.constant 1 : i32
    %dma_wait3A_605 = tpu.memref_slice %arg4[%dma_wait3A_604, %mul3A_2] : memref<26x16384xf32, #tpu.memory_space<hbm>> -> memref<1x512xf32, #tpu.memory_space<hbm>>
    %dma_wait3A_606 = tpu.memref_squeeze %dma_wait3A_605 : memref<1x512xf32, #tpu.memory_space<hbm>> -> memref<512xf32, #tpu.memory_space<hbm>>
    %dma_wait3A_607 = tpu.memref_slice %arg4[%dma_wait3A_604, %mul3A_2] : memref<26x16384xf32, #tpu.memory_space<hbm>> -> memref<1x512xf32, #tpu.memory_space<hbm>>
    %dma_wait3A_608 = tpu.memref_squeeze %dma_wait3A_607 : memref<1x512xf32, #tpu.memory_space<hbm>> -> memref<512xf32, #tpu.memory_space<hbm>>
    tpu.wait_dma2 semaphore(%arg60 : memref<!tpu.dma_semaphore, #tpu.memory_space<semaphore_mem>>) src(%arg32 : memref<512xf32, #tpu.memory_space<vmem>>) dst(%dma_wait3A_608 : memref<512xf32, #tpu.memory_space<hbm>>)
    %dma_wait3A_609 = arith.constant 2 : i32
    %dma_wait3A_610 = tpu.memref_slice %arg4[%dma_wait3A_609, %mul3A_2] : memref<26x16384xf32, #tpu.memory_space<hbm>> -> memref<1x512xf32, #tpu.memory_space<hbm>>
    %dma_wait3A_611 = tpu.memref_squeeze %dma_wait3A_610 : memref<1x512xf32, #tpu.memory_space<hbm>> -> memref<512xf32, #tpu.memory_space<hbm>>
    %dma_wait3A_612 = tpu.memref_slice %arg4[%dma_wait3A_609, %mul3A_2] : memref<26x16384xf32, #tpu.memory_space<hbm>> -> memref<1x512xf32, #tpu.memory_space<hbm>>
    %dma_wait3A_613 = tpu.memref_squeeze %dma_wait3A_612 : memref<1x512xf32, #tpu.memory_space<hbm>> -> memref<512xf32, #tpu.memory_space<hbm>>
    tpu.wait_dma2 semaphore(%arg60 : memref<!tpu.dma_semaphore, #tpu.memory_space<semaphore_mem>>) src(%arg33 : memref<512xf32, #tpu.memory_space<vmem>>) dst(%dma_wait3A_613 : memref<512xf32, #tpu.memory_space<hbm>>)
    %dma_wait3A_614 = arith.constant 3 : i32
    %dma_wait3A_615 = tpu.memref_slice %arg4[%dma_wait3A_614, %mul3A_2] : memref<26x16384xf32, #tpu.memory_space<hbm>> -> memref<1x512xf32, #tpu.memory_space<hbm>>
    %dma_wait3A_616 = tpu.memref_squeeze %dma_wait3A_615 : memref<1x512xf32, #tpu.memory_space<hbm>> -> memref<512xf32, #tpu.memory_space<hbm>>
    %dma_wait3A_617 = tpu.memref_slice %arg4[%dma_wait3A_614, %mul3A_2] : memref<26x16384xf32, #tpu.memory_space<hbm>> -> memref<1x512xf32, #tpu.memory_space<hbm>>
    %dma_wait3A_618 = tpu.memref_squeeze %dma_wait3A_617 : memref<1x512xf32, #tpu.memory_space<hbm>> -> memref<512xf32, #tpu.memory_space<hbm>>
    tpu.wait_dma2 semaphore(%arg60 : memref<!tpu.dma_semaphore, #tpu.memory_space<semaphore_mem>>) src(%arg34 : memref<512xf32, #tpu.memory_space<vmem>>) dst(%dma_wait3A_618 : memref<512xf32, #tpu.memory_space<hbm>>)
    %dma_wait3A_619 = arith.constant 4 : i32
    %dma_wait3A_620 = tpu.memref_slice %arg4[%dma_wait3A_619, %mul3A_2] : memref<26x16384xf32, #tpu.memory_space<hbm>> -> memref<1x512xf32, #tpu.memory_space<hbm>>
    %dma_wait3A_621 = tpu.memref_squeeze %dma_wait3A_620 : memref<1x512xf32, #tpu.memory_space<hbm>> -> memref<512xf32, #tpu.memory_space<hbm>>
    %dma_wait3A_622 = tpu.memref_slice %arg4[%dma_wait3A_619, %mul3A_2] : memref<26x16384xf32, #tpu.memory_space<hbm>> -> memref<1x512xf32, #tpu.memory_space<hbm>>
    %dma_wait3A_623 = tpu.memref_squeeze %dma_wait3A_622 : memref<1x512xf32, #tpu.memory_space<hbm>> -> memref<512xf32, #tpu.memory_space<hbm>>
    tpu.wait_dma2 semaphore(%arg60 : memref<!tpu.dma_semaphore, #tpu.memory_space<semaphore_mem>>) src(%arg35 : memref<512xf32, #tpu.memory_space<vmem>>) dst(%dma_wait3A_623 : memref<512xf32, #tpu.memory_space<hbm>>)
    %dma_wait3A_624 = arith.constant 5 : i32
    %dma_wait3A_625 = tpu.memref_slice %arg4[%dma_wait3A_624, %mul3A_2] : memref<26x16384xf32, #tpu.memory_space<hbm>> -> memref<1x512xf32, #tpu.memory_space<hbm>>
    %dma_wait3A_626 = tpu.memref_squeeze %dma_wait3A_625 : memref<1x512xf32, #tpu.memory_space<hbm>> -> memref<512xf32, #tpu.memory_space<hbm>>
    %dma_wait3A_627 = tpu.memref_slice %arg4[%dma_wait3A_624, %mul3A_2] : memref<26x16384xf32, #tpu.memory_space<hbm>> -> memref<1x512xf32, #tpu.memory_space<hbm>>
    %dma_wait3A_628 = tpu.memref_squeeze %dma_wait3A_627 : memref<1x512xf32, #tpu.memory_space<hbm>> -> memref<512xf32, #tpu.memory_space<hbm>>
    tpu.wait_dma2 semaphore(%arg60 : memref<!tpu.dma_semaphore, #tpu.memory_space<semaphore_mem>>) src(%arg36 : memref<512xf32, #tpu.memory_space<vmem>>) dst(%dma_wait3A_628 : memref<512xf32, #tpu.memory_space<hbm>>)
    %dma_wait3A_629 = arith.constant 6 : i32
    %dma_wait3A_630 = tpu.memref_slice %arg4[%dma_wait3A_629, %mul3A_2] : memref<26x16384xf32, #tpu.memory_space<hbm>> -> memref<1x512xf32, #tpu.memory_space<hbm>>
    %dma_wait3A_631 = tpu.memref_squeeze %dma_wait3A_630 : memref<1x512xf32, #tpu.memory_space<hbm>> -> memref<512xf32, #tpu.memory_space<hbm>>
    %dma_wait3A_632 = tpu.memref_slice %arg4[%dma_wait3A_629, %mul3A_2] : memref<26x16384xf32, #tpu.memory_space<hbm>> -> memref<1x512xf32, #tpu.memory_space<hbm>>
    %dma_wait3A_633 = tpu.memref_squeeze %dma_wait3A_632 : memref<1x512xf32, #tpu.memory_space<hbm>> -> memref<512xf32, #tpu.memory_space<hbm>>
    tpu.wait_dma2 semaphore(%arg60 : memref<!tpu.dma_semaphore, #tpu.memory_space<semaphore_mem>>) src(%arg37 : memref<512xf32, #tpu.memory_space<vmem>>) dst(%dma_wait3A_633 : memref<512xf32, #tpu.memory_space<hbm>>)
    %dma_wait3A_634 = arith.constant 7 : i32
    %dma_wait3A_635 = tpu.memref_slice %arg4[%dma_wait3A_634, %mul3A_2] : memref<26x16384xf32, #tpu.memory_space<hbm>> -> memref<1x512xf32, #tpu.memory_space<hbm>>
    %dma_wait3A_636 = tpu.memref_squeeze %dma_wait3A_635 : memref<1x512xf32, #tpu.memory_space<hbm>> -> memref<512xf32, #tpu.memory_space<hbm>>
    %dma_wait3A_637 = tpu.memref_slice %arg4[%dma_wait3A_634, %mul3A_2] : memref<26x16384xf32, #tpu.memory_space<hbm>> -> memref<1x512xf32, #tpu.memory_space<hbm>>
    %dma_wait3A_638 = tpu.memref_squeeze %dma_wait3A_637 : memref<1x512xf32, #tpu.memory_space<hbm>> -> memref<512xf32, #tpu.memory_space<hbm>>
    tpu.wait_dma2 semaphore(%arg60 : memref<!tpu.dma_semaphore, #tpu.memory_space<semaphore_mem>>) src(%arg38 : memref<512xf32, #tpu.memory_space<vmem>>) dst(%dma_wait3A_638 : memref<512xf32, #tpu.memory_space<hbm>>)
    %dma_wait3A_639 = arith.constant 8 : i32
    %dma_wait3A_640 = tpu.memref_slice %arg4[%dma_wait3A_639, %mul3A_2] : memref<26x16384xf32, #tpu.memory_space<hbm>> -> memref<1x512xf32, #tpu.memory_space<hbm>>
    %dma_wait3A_641 = tpu.memref_squeeze %dma_wait3A_640 : memref<1x512xf32, #tpu.memory_space<hbm>> -> memref<512xf32, #tpu.memory_space<hbm>>
    %dma_wait3A_642 = tpu.memref_slice %arg4[%dma_wait3A_639, %mul3A_2] : memref<26x16384xf32, #tpu.memory_space<hbm>> -> memref<1x512xf32, #tpu.memory_space<hbm>>
    %dma_wait3A_643 = tpu.memref_squeeze %dma_wait3A_642 : memref<1x512xf32, #tpu.memory_space<hbm>> -> memref<512xf32, #tpu.memory_space<hbm>>
    tpu.wait_dma2 semaphore(%arg60 : memref<!tpu.dma_semaphore, #tpu.memory_space<semaphore_mem>>) src(%arg39 : memref<512xf32, #tpu.memory_space<vmem>>) dst(%dma_wait3A_643 : memref<512xf32, #tpu.memory_space<hbm>>)
    %dma_wait3A_644 = arith.constant 9 : i32
    %dma_wait3A_645 = tpu.memref_slice %arg4[%dma_wait3A_644, %mul3A_2] : memref<26x16384xf32, #tpu.memory_space<hbm>> -> memref<1x512xf32, #tpu.memory_space<hbm>>
    %dma_wait3A_646 = tpu.memref_squeeze %dma_wait3A_645 : memref<1x512xf32, #tpu.memory_space<hbm>> -> memref<512xf32, #tpu.memory_space<hbm>>
    %dma_wait3A_647 = tpu.memref_slice %arg4[%dma_wait3A_644, %mul3A_2] : memref<26x16384xf32, #tpu.memory_space<hbm>> -> memref<1x512xf32, #tpu.memory_space<hbm>>
    %dma_wait3A_648 = tpu.memref_squeeze %dma_wait3A_647 : memref<1x512xf32, #tpu.memory_space<hbm>> -> memref<512xf32, #tpu.memory_space<hbm>>
    tpu.wait_dma2 semaphore(%arg60 : memref<!tpu.dma_semaphore, #tpu.memory_space<semaphore_mem>>) src(%arg40 : memref<512xf32, #tpu.memory_space<vmem>>) dst(%dma_wait3A_648 : memref<512xf32, #tpu.memory_space<hbm>>)
    %dma_wait3A_649 = arith.constant 10 : i32
    %dma_wait3A_650 = tpu.memref_slice %arg4[%dma_wait3A_649, %mul3A_2] : memref<26x16384xf32, #tpu.memory_space<hbm>> -> memref<1x512xf32, #tpu.memory_space<hbm>>
    %dma_wait3A_651 = tpu.memref_squeeze %dma_wait3A_650 : memref<1x512xf32, #tpu.memory_space<hbm>> -> memref<512xf32, #tpu.memory_space<hbm>>
    %dma_wait3A_652 = tpu.memref_slice %arg4[%dma_wait3A_649, %mul3A_2] : memref<26x16384xf32, #tpu.memory_space<hbm>> -> memref<1x512xf32, #tpu.memory_space<hbm>>
    %dma_wait3A_653 = tpu.memref_squeeze %dma_wait3A_652 : memref<1x512xf32, #tpu.memory_space<hbm>> -> memref<512xf32, #tpu.memory_space<hbm>>
    tpu.wait_dma2 semaphore(%arg60 : memref<!tpu.dma_semaphore, #tpu.memory_space<semaphore_mem>>) src(%arg41 : memref<512xf32, #tpu.memory_space<vmem>>) dst(%dma_wait3A_653 : memref<512xf32, #tpu.memory_space<hbm>>)
    %dma_wait3A_654 = arith.constant 11 : i32
    %dma_wait3A_655 = tpu.memref_slice %arg4[%dma_wait3A_654, %mul3A_2] : memref<26x16384xf32, #tpu.memory_space<hbm>> -> memref<1x512xf32, #tpu.memory_space<hbm>>
    %dma_wait3A_656 = tpu.memref_squeeze %dma_wait3A_655 : memref<1x512xf32, #tpu.memory_space<hbm>> -> memref<512xf32, #tpu.memory_space<hbm>>
    %dma_wait3A_657 = tpu.memref_slice %arg4[%dma_wait3A_654, %mul3A_2] : memref<26x16384xf32, #tpu.memory_space<hbm>> -> memref<1x512xf32, #tpu.memory_space<hbm>>
    %dma_wait3A_658 = tpu.memref_squeeze %dma_wait3A_657 : memref<1x512xf32, #tpu.memory_space<hbm>> -> memref<512xf32, #tpu.memory_space<hbm>>
    tpu.wait_dma2 semaphore(%arg60 : memref<!tpu.dma_semaphore, #tpu.memory_space<semaphore_mem>>) src(%arg42 : memref<512xf32, #tpu.memory_space<vmem>>) dst(%dma_wait3A_658 : memref<512xf32, #tpu.memory_space<hbm>>)
    %dma_wait3A_659 = arith.constant 12 : i32
    %dma_wait3A_660 = tpu.memref_slice %arg4[%dma_wait3A_659, %mul3A_2] : memref<26x16384xf32, #tpu.memory_space<hbm>> -> memref<1x512xf32, #tpu.memory_space<hbm>>
    %dma_wait3A_661 = tpu.memref_squeeze %dma_wait3A_660 : memref<1x512xf32, #tpu.memory_space<hbm>> -> memref<512xf32, #tpu.memory_space<hbm>>
    %dma_wait3A_662 = tpu.memref_slice %arg4[%dma_wait3A_659, %mul3A_2] : memref<26x16384xf32, #tpu.memory_space<hbm>> -> memref<1x512xf32, #tpu.memory_space<hbm>>
    %dma_wait3A_663 = tpu.memref_squeeze %dma_wait3A_662 : memref<1x512xf32, #tpu.memory_space<hbm>> -> memref<512xf32, #tpu.memory_space<hbm>>
    tpu.wait_dma2 semaphore(%arg60 : memref<!tpu.dma_semaphore, #tpu.memory_space<semaphore_mem>>) src(%arg43 : memref<512xf32, #tpu.memory_space<vmem>>) dst(%dma_wait3A_663 : memref<512xf32, #tpu.memory_space<hbm>>)
    %dma_wait3A_664 = arith.constant 13 : i32
    %dma_wait3A_665 = tpu.memref_slice %arg4[%dma_wait3A_664, %mul3A_2] : memref<26x16384xf32, #tpu.memory_space<hbm>> -> memref<1x512xf32, #tpu.memory_space<hbm>>
    %dma_wait3A_666 = tpu.memref_squeeze %dma_wait3A_665 : memref<1x512xf32, #tpu.memory_space<hbm>> -> memref<512xf32, #tpu.memory_space<hbm>>
    %dma_wait3A_667 = tpu.memref_slice %arg4[%dma_wait3A_664, %mul3A_2] : memref<26x16384xf32, #tpu.memory_space<hbm>> -> memref<1x512xf32, #tpu.memory_space<hbm>>
    %dma_wait3A_668 = tpu.memref_squeeze %dma_wait3A_667 : memref<1x512xf32, #tpu.memory_space<hbm>> -> memref<512xf32, #tpu.memory_space<hbm>>
    tpu.wait_dma2 semaphore(%arg60 : memref<!tpu.dma_semaphore, #tpu.memory_space<semaphore_mem>>) src(%arg44 : memref<512xf32, #tpu.memory_space<vmem>>) dst(%dma_wait3A_668 : memref<512xf32, #tpu.memory_space<hbm>>)
    %dma_wait3A_669 = arith.constant 14 : i32
    %dma_wait3A_670 = tpu.memref_slice %arg4[%dma_wait3A_669, %mul3A_2] : memref<26x16384xf32, #tpu.memory_space<hbm>> -> memref<1x512xf32, #tpu.memory_space<hbm>>
    %dma_wait3A_671 = tpu.memref_squeeze %dma_wait3A_670 : memref<1x512xf32, #tpu.memory_space<hbm>> -> memref<512xf32, #tpu.memory_space<hbm>>
    %dma_wait3A_672 = tpu.memref_slice %arg4[%dma_wait3A_669, %mul3A_2] : memref<26x16384xf32, #tpu.memory_space<hbm>> -> memref<1x512xf32, #tpu.memory_space<hbm>>
    %dma_wait3A_673 = tpu.memref_squeeze %dma_wait3A_672 : memref<1x512xf32, #tpu.memory_space<hbm>> -> memref<512xf32, #tpu.memory_space<hbm>>
    tpu.wait_dma2 semaphore(%arg60 : memref<!tpu.dma_semaphore, #tpu.memory_space<semaphore_mem>>) src(%arg45 : memref<512xf32, #tpu.memory_space<vmem>>) dst(%dma_wait3A_673 : memref<512xf32, #tpu.memory_space<hbm>>)
    %dma_wait3A_674 = arith.constant 15 : i32
    %dma_wait3A_675 = tpu.memref_slice %arg4[%dma_wait3A_674, %mul3A_2] : memref<26x16384xf32, #tpu.memory_space<hbm>> -> memref<1x512xf32, #tpu.memory_space<hbm>>
    %dma_wait3A_676 = tpu.memref_squeeze %dma_wait3A_675 : memref<1x512xf32, #tpu.memory_space<hbm>> -> memref<512xf32, #tpu.memory_space<hbm>>
    %dma_wait3A_677 = tpu.memref_slice %arg4[%dma_wait3A_674, %mul3A_2] : memref<26x16384xf32, #tpu.memory_space<hbm>> -> memref<1x512xf32, #tpu.memory_space<hbm>>
    %dma_wait3A_678 = tpu.memref_squeeze %dma_wait3A_677 : memref<1x512xf32, #tpu.memory_space<hbm>> -> memref<512xf32, #tpu.memory_space<hbm>>
    tpu.wait_dma2 semaphore(%arg60 : memref<!tpu.dma_semaphore, #tpu.memory_space<semaphore_mem>>) src(%arg46 : memref<512xf32, #tpu.memory_space<vmem>>) dst(%dma_wait3A_678 : memref<512xf32, #tpu.memory_space<hbm>>)
    %dma_wait3A_679 = arith.constant 16 : i32
    %dma_wait3A_680 = tpu.memref_slice %arg4[%dma_wait3A_679, %mul3A_2] : memref<26x16384xf32, #tpu.memory_space<hbm>> -> memref<1x512xf32, #tpu.memory_space<hbm>>
    %dma_wait3A_681 = tpu.memref_squeeze %dma_wait3A_680 : memref<1x512xf32, #tpu.memory_space<hbm>> -> memref<512xf32, #tpu.memory_space<hbm>>
    %dma_wait3A_682 = tpu.memref_slice %arg4[%dma_wait3A_679, %mul3A_2] : memref<26x16384xf32, #tpu.memory_space<hbm>> -> memref<1x512xf32, #tpu.memory_space<hbm>>
    %dma_wait3A_683 = tpu.memref_squeeze %dma_wait3A_682 : memref<1x512xf32, #tpu.memory_space<hbm>> -> memref<512xf32, #tpu.memory_space<hbm>>
    tpu.wait_dma2 semaphore(%arg60 : memref<!tpu.dma_semaphore, #tpu.memory_space<semaphore_mem>>) src(%arg47 : memref<512xf32, #tpu.memory_space<vmem>>) dst(%dma_wait3A_683 : memref<512xf32, #tpu.memory_space<hbm>>)
    %dma_wait3A_684 = arith.constant 17 : i32
    %dma_wait3A_685 = tpu.memref_slice %arg4[%dma_wait3A_684, %mul3A_2] : memref<26x16384xf32, #tpu.memory_space<hbm>> -> memref<1x512xf32, #tpu.memory_space<hbm>>
    %dma_wait3A_686 = tpu.memref_squeeze %dma_wait3A_685 : memref<1x512xf32, #tpu.memory_space<hbm>> -> memref<512xf32, #tpu.memory_space<hbm>>
    %dma_wait3A_687 = tpu.memref_slice %arg4[%dma_wait3A_684, %mul3A_2] : memref<26x16384xf32, #tpu.memory_space<hbm>> -> memref<1x512xf32, #tpu.memory_space<hbm>>
    %dma_wait3A_688 = tpu.memref_squeeze %dma_wait3A_687 : memref<1x512xf32, #tpu.memory_space<hbm>> -> memref<512xf32, #tpu.memory_space<hbm>>
    tpu.wait_dma2 semaphore(%arg60 : memref<!tpu.dma_semaphore, #tpu.memory_space<semaphore_mem>>) src(%arg48 : memref<512xf32, #tpu.memory_space<vmem>>) dst(%dma_wait3A_688 : memref<512xf32, #tpu.memory_space<hbm>>)
    %dma_wait3A_689 = arith.constant 18 : i32
    %dma_wait3A_690 = tpu.memref_slice %arg4[%dma_wait3A_689, %mul3A_2] : memref<26x16384xf32, #tpu.memory_space<hbm>> -> memref<1x512xf32, #tpu.memory_space<hbm>>
    %dma_wait3A_691 = tpu.memref_squeeze %dma_wait3A_690 : memref<1x512xf32, #tpu.memory_space<hbm>> -> memref<512xf32, #tpu.memory_space<hbm>>
    %dma_wait3A_692 = tpu.memref_slice %arg4[%dma_wait3A_689, %mul3A_2] : memref<26x16384xf32, #tpu.memory_space<hbm>> -> memref<1x512xf32, #tpu.memory_space<hbm>>
    %dma_wait3A_693 = tpu.memref_squeeze %dma_wait3A_692 : memref<1x512xf32, #tpu.memory_space<hbm>> -> memref<512xf32, #tpu.memory_space<hbm>>
    tpu.wait_dma2 semaphore(%arg60 : memref<!tpu.dma_semaphore, #tpu.memory_space<semaphore_mem>>) src(%arg49 : memref<512xf32, #tpu.memory_space<vmem>>) dst(%dma_wait3A_693 : memref<512xf32, #tpu.memory_space<hbm>>)
    %dma_wait3A_694 = arith.constant 19 : i32
    %dma_wait3A_695 = tpu.memref_slice %arg4[%dma_wait3A_694, %mul3A_2] : memref<26x16384xf32, #tpu.memory_space<hbm>> -> memref<1x512xf32, #tpu.memory_space<hbm>>
    %dma_wait3A_696 = tpu.memref_squeeze %dma_wait3A_695 : memref<1x512xf32, #tpu.memory_space<hbm>> -> memref<512xf32, #tpu.memory_space<hbm>>
    %dma_wait3A_697 = tpu.memref_slice %arg4[%dma_wait3A_694, %mul3A_2] : memref<26x16384xf32, #tpu.memory_space<hbm>> -> memref<1x512xf32, #tpu.memory_space<hbm>>
    %dma_wait3A_698 = tpu.memref_squeeze %dma_wait3A_697 : memref<1x512xf32, #tpu.memory_space<hbm>> -> memref<512xf32, #tpu.memory_space<hbm>>
    tpu.wait_dma2 semaphore(%arg60 : memref<!tpu.dma_semaphore, #tpu.memory_space<semaphore_mem>>) src(%arg50 : memref<512xf32, #tpu.memory_space<vmem>>) dst(%dma_wait3A_698 : memref<512xf32, #tpu.memory_space<hbm>>)
    %dma_wait3A_699 = arith.constant 20 : i32
    %dma_wait3A_700 = tpu.memref_slice %arg4[%dma_wait3A_699, %mul3A_2] : memref<26x16384xf32, #tpu.memory_space<hbm>> -> memref<1x512xf32, #tpu.memory_space<hbm>>
    %dma_wait3A_701 = tpu.memref_squeeze %dma_wait3A_700 : memref<1x512xf32, #tpu.memory_space<hbm>> -> memref<512xf32, #tpu.memory_space<hbm>>
    %dma_wait3A_702 = tpu.memref_slice %arg4[%dma_wait3A_699, %mul3A_2] : memref<26x16384xf32, #tpu.memory_space<hbm>> -> memref<1x512xf32, #tpu.memory_space<hbm>>
    %dma_wait3A_703 = tpu.memref_squeeze %dma_wait3A_702 : memref<1x512xf32, #tpu.memory_space<hbm>> -> memref<512xf32, #tpu.memory_space<hbm>>
    tpu.wait_dma2 semaphore(%arg60 : memref<!tpu.dma_semaphore, #tpu.memory_space<semaphore_mem>>) src(%arg51 : memref<512xf32, #tpu.memory_space<vmem>>) dst(%dma_wait3A_703 : memref<512xf32, #tpu.memory_space<hbm>>)
    %dma_wait3A_704 = arith.constant 21 : i32
    %dma_wait3A_705 = tpu.memref_slice %arg4[%dma_wait3A_704, %mul3A_2] : memref<26x16384xf32, #tpu.memory_space<hbm>> -> memref<1x512xf32, #tpu.memory_space<hbm>>
    %dma_wait3A_706 = tpu.memref_squeeze %dma_wait3A_705 : memref<1x512xf32, #tpu.memory_space<hbm>> -> memref<512xf32, #tpu.memory_space<hbm>>
    %dma_wait3A_707 = tpu.memref_slice %arg4[%dma_wait3A_704, %mul3A_2] : memref<26x16384xf32, #tpu.memory_space<hbm>> -> memref<1x512xf32, #tpu.memory_space<hbm>>
    %dma_wait3A_708 = tpu.memref_squeeze %dma_wait3A_707 : memref<1x512xf32, #tpu.memory_space<hbm>> -> memref<512xf32, #tpu.memory_space<hbm>>
    tpu.wait_dma2 semaphore(%arg60 : memref<!tpu.dma_semaphore, #tpu.memory_space<semaphore_mem>>) src(%arg52 : memref<512xf32, #tpu.memory_space<vmem>>) dst(%dma_wait3A_708 : memref<512xf32, #tpu.memory_space<hbm>>)
    %dma_wait3A_709 = arith.constant 22 : i32
    %dma_wait3A_710 = tpu.memref_slice %arg4[%dma_wait3A_709, %mul3A_2] : memref<26x16384xf32, #tpu.memory_space<hbm>> -> memref<1x512xf32, #tpu.memory_space<hbm>>
    %dma_wait3A_711 = tpu.memref_squeeze %dma_wait3A_710 : memref<1x512xf32, #tpu.memory_space<hbm>> -> memref<512xf32, #tpu.memory_space<hbm>>
    %dma_wait3A_712 = tpu.memref_slice %arg4[%dma_wait3A_709, %mul3A_2] : memref<26x16384xf32, #tpu.memory_space<hbm>> -> memref<1x512xf32, #tpu.memory_space<hbm>>
    %dma_wait3A_713 = tpu.memref_squeeze %dma_wait3A_712 : memref<1x512xf32, #tpu.memory_space<hbm>> -> memref<512xf32, #tpu.memory_space<hbm>>
    tpu.wait_dma2 semaphore(%arg60 : memref<!tpu.dma_semaphore, #tpu.memory_space<semaphore_mem>>) src(%arg53 : memref<512xf32, #tpu.memory_space<vmem>>) dst(%dma_wait3A_713 : memref<512xf32, #tpu.memory_space<hbm>>)
    %dma_wait3A_714 = arith.constant 23 : i32
    %dma_wait3A_715 = tpu.memref_slice %arg4[%dma_wait3A_714, %mul3A_2] : memref<26x16384xf32, #tpu.memory_space<hbm>> -> memref<1x512xf32, #tpu.memory_space<hbm>>
    %dma_wait3A_716 = tpu.memref_squeeze %dma_wait3A_715 : memref<1x512xf32, #tpu.memory_space<hbm>> -> memref<512xf32, #tpu.memory_space<hbm>>
    %dma_wait3A_717 = tpu.memref_slice %arg4[%dma_wait3A_714, %mul3A_2] : memref<26x16384xf32, #tpu.memory_space<hbm>> -> memref<1x512xf32, #tpu.memory_space<hbm>>
    %dma_wait3A_718 = tpu.memref_squeeze %dma_wait3A_717 : memref<1x512xf32, #tpu.memory_space<hbm>> -> memref<512xf32, #tpu.memory_space<hbm>>
    tpu.wait_dma2 semaphore(%arg60 : memref<!tpu.dma_semaphore, #tpu.memory_space<semaphore_mem>>) src(%arg54 : memref<512xf32, #tpu.memory_space<vmem>>) dst(%dma_wait3A_718 : memref<512xf32, #tpu.memory_space<hbm>>)
    %dma_wait3A_719 = arith.constant 24 : i32
    %dma_wait3A_720 = tpu.memref_slice %arg4[%dma_wait3A_719, %mul3A_2] : memref<26x16384xf32, #tpu.memory_space<hbm>> -> memref<1x512xf32, #tpu.memory_space<hbm>>
    %dma_wait3A_721 = tpu.memref_squeeze %dma_wait3A_720 : memref<1x512xf32, #tpu.memory_space<hbm>> -> memref<512xf32, #tpu.memory_space<hbm>>
    %dma_wait3A_722 = tpu.memref_slice %arg4[%dma_wait3A_719, %mul3A_2] : memref<26x16384xf32, #tpu.memory_space<hbm>> -> memref<1x512xf32, #tpu.memory_space<hbm>>
    %dma_wait3A_723 = tpu.memref_squeeze %dma_wait3A_722 : memref<1x512xf32, #tpu.memory_space<hbm>> -> memref<512xf32, #tpu.memory_space<hbm>>
    tpu.wait_dma2 semaphore(%arg60 : memref<!tpu.dma_semaphore, #tpu.memory_space<semaphore_mem>>) src(%arg55 : memref<512xf32, #tpu.memory_space<vmem>>) dst(%dma_wait3A_723 : memref<512xf32, #tpu.memory_space<hbm>>)
    %dma_wait3A_724 = arith.constant 25 : i32
    %dma_wait3A_725 = tpu.memref_slice %arg4[%dma_wait3A_724, %mul3A_2] : memref<26x16384xf32, #tpu.memory_space<hbm>> -> memref<1x512xf32, #tpu.memory_space<hbm>>
    %dma_wait3A_726 = tpu.memref_squeeze %dma_wait3A_725 : memref<1x512xf32, #tpu.memory_space<hbm>> -> memref<512xf32, #tpu.memory_space<hbm>>
    %dma_wait3A_727 = tpu.memref_slice %arg4[%dma_wait3A_724, %mul3A_2] : memref<26x16384xf32, #tpu.memory_space<hbm>> -> memref<1x512xf32, #tpu.memory_space<hbm>>
    %dma_wait3A_728 = tpu.memref_squeeze %dma_wait3A_727 : memref<1x512xf32, #tpu.memory_space<hbm>> -> memref<512xf32, #tpu.memory_space<hbm>>
    tpu.wait_dma2 semaphore(%arg60 : memref<!tpu.dma_semaphore, #tpu.memory_space<semaphore_mem>>) src(%arg56 : memref<512xf32, #tpu.memory_space<vmem>>) dst(%dma_wait3A_728 : memref<512xf32, #tpu.memory_space<hbm>>)
    return
  }
}

</mosaic_0001>

<sc_bundles>
// kernel: kernel.3.cloned.1.call-start
scs
__scs_entry_jumppad:
0x0: {  	(pc) =	sbr.rel $0x88, $3  }
0x1: {  	(tag) =	ssettag $0x0;
	lr =	simm.s32 $0x1  }
0x2: {  	[smem:$0x3F9F] =	sst lr;
	_ =	strace $0xD0000000  }
0x3: {  	_ = 	snop  }
0x4: {  	_ = 	snop  }
0x5: {  	_ = 	snop  }
0x6: {  	_ = 	snop  }
0x7: {  	_ = 	snop  }
__scs_overlays_trampoline_lowered:
0x8: {  	[smem:$0x3FAE] =	sst s0  }
0x9: {  	[smem:$0x3FAF] =	sst s1  }
0xa: {  	[smem:$0x3FB0] =	sst s2  }
0xb: {  	[smem:$0x3FB1] =	sst s3  }
0xc: {  	[smem:$0x3FB2] =	sst s4  }
0xd: {  	[smem:$0x3FB3] =	sst s5  }
0xe: {  	[smem:$0x3FB4] =	sst s6  }
0xf: {  	[smem:$0x3FB5] =	sst s7  }
0x10: {  	[smem:$0x3FB6] =	sst s8  }
0x11: {  	[smem:$0x3FB7] =	sst s9;
	s0 =	simm.s32 @!p0 $0x0  }
0x12: {  	s1 =	sld [smem:$0x3F9D];
	s0 =	simm.s32 @p0 $0x1  }
0x13: {  	[smem:$0x3FB8] =	sst s0;
	s0 =	simm.s32 @!p1 $0x0  }
0x14: {  	s2 =	sld [smem:$0x3F9C];
	s0 =	simm.s32 @p1 $0x1  }
0x15: {  	[smem:$0x3FB9] =	sst s0;
	s0 =	simm.s32 @!p2 $0x0  }
0x16: {  	s3 =	sld [smem:$0x3FDB];
	s0 =	simm.s32 @p2 $0x1  }
0x17: {  	s4 =	simm.s32 $0x1BF5;
	[smem:$0x3FBB] =	sst s0  }
0x18: {  	s0 =	sld [smem:$0x3F9E];
	_ =	swait.ge [sflag:s4], $0x0  }
0x19: {  	s7 =	sld [smem:$0x3F9F]  }
0x1a: {  	s8 =	sadd.s32 $0xFFFFE003, lr  }
0x1b: {  	s9 =	sadd.s32 $0xFFFFFEF7, lr;
	s5 =	simm.s32 $0xFFFFFFFF;
	p2 =	slt.u32 s8, $0xFFFFF086  }
0x1c: {  	p1 =	slt.u32 s9, $0xF7A;
	s5 =	simm.s32 @!p2 $0x0  }
0x1d: {  	s5 =	simm.s32 @p1 $0x1;
	p0 =	seq.s32 s7, s2  }
0x1e: {  	s7 =	smul.u32 @!p0 $0xF7A, s2;
	p2 =	seq.s32 @!p0 s5, $0x0  }
0x1f: {  	s9 =	smul.u32 $0xF7A, s1;
	s8 =	simm.s32 @!p0 $0x1BF5;
	p2 =	por !p2, p0  }
0x20: {  	[sflag:s8] =	ssyncset.s32 @!p0 $0xFFFFF086;
	s6 =	sadd.s32 @!p0 s3, s7;
	s7 =	simm.s32 @!p0 $0x108  }
0x21: {  	s3 =	sadd.s32 s3, s9;
	s6 =	sadd.s32 @!p0 $0x88, s6;
	s7 =	simm.s32 @p2 $0x1082  }
0x22: {  	[simem:s7], [sflag:s8] =	dma.local @!p0 [hbm:s6], $0xF7A  }
0x23: {  	s9 =	sor.u32 $0xD0000000, s2;
	s6 =	simm.s32 $0x108;
	_ =	swait.ge @!p0 [sflag:s8], $0x0  }
0x24: {  	s3 =	sadd.s32 $0x88, s3;
	s6 =	simm.s32 @!p1 $0x1082;
	[sflag:s4] =	ssyncset.s32 $0xFFFFF086  }
0x25: {  	[simem:s6], [sflag:s4] =	dma.local [hbm:s3], $0xF7A  }
0x26: {  	[smem:$0x3F9F] =	sst s1;
	(tag) =	ssettag s2;
	_ =	strace s9  }
0x27: {  	s1 =	sld [smem:$0x3FAF]  }
0x28: {  	s2 =	sld [smem:$0x3FB0]  }
0x29: {  	s4 =	sld [smem:$0x3FB2]  }
0x2a: {  	p0 =	seq.s32 s5, $0x0;
	s5 =	sld [smem:$0x3FB3]  }
0x2b: {  	s6 =	sld [smem:$0x3FB4]  }
0x2c: {  	s7 =	sld [smem:$0x3FB5]  }
0x2d: {  	s3 =	simm.s32 $0x108;
	s8 =	sld [smem:$0x3FB6]  }
0x2e: {  	s3 =	simm.s32 @!p0 $0x1082;
	s9 =	sld [smem:$0x3FB7]  }
0x2f: {  	lr =	sadd.s32 s0, s3;
	s0 =	sld [smem:$0x3FAE]  }
0x30: {  	s3 =	sld [smem:$0x3FB1]  }
0x31: {  	[smem:$0x3FBA] =	sst s10  }
0x32: {  	s10 =	sld [smem:$0x3FB8];
	_ =	sdelay $0x3  }
0x33: {  	p0 =	seq.s32 s10, $0x1;
	s10 =	sld [smem:$0x3FBA];
	_ =	sdelay $0x3  }
0x34: {  	[smem:$0x3FBA] =	sst s10  }
0x35: {  	s10 =	sld [smem:$0x3FB9];
	_ =	sdelay $0x3  }
0x36: {  	p1 =	seq.s32 s10, $0x1;
	s10 =	sld [smem:$0x3FBA];
	_ =	sdelay $0x3  }
0x37: {  	[smem:$0x3FBA] =	sst s10  }
0x38: {  	s10 =	sld [smem:$0x3FBB]  }
0x39: {  	_ = 	snop;
	(pc) =	sbr.ind lr, $3  }
0x3a: {  	_ = 	snop  }
0x3b: {  	_ = 	snop  }
0x3c: {  	p2 =	seq.s32 s10, $0x1;
	s10 =	sld [smem:$0x3FBA]  }
0x3d: {  	_ =	shalt  }
0x3e: {  	_ =	shalt  }
0x3f: {  	_ =	shalt  }
0x40: {  	_ =	shalt  }
0x41: {  	_ =	shalt  }
0x42: {  	_ =	shalt  }
0x43: {  	_ =	shalt  }
0x44: {  	_ =	shalt  }
0x45: {  	_ =	shalt  }
0x46: {  	_ =	shalt  }
0x47: {  	_ =	shalt  }
0x48: {  	_ =	shalt  }
0x49: {  	_ =	shalt  }
0x4a: {  	_ =	shalt  }
0x4b: {  	_ =	shalt  }
0x4c: {  	_ =	shalt  }
0x4d: {  	_ =	shalt  }
0x4e: {  	_ =	shalt  }
0x4f: {  	_ =	shalt  }
0x50: {  	_ =	shalt  }
0x51: {  	_ =	shalt  }
0x52: {  	_ =	shalt  }
0x53: {  	_ =	shalt  }
0x54: {  	_ =	shalt  }
0x55: {  	_ =	shalt  }
0x56: {  	_ =	shalt  }
0x57: {  	_ =	shalt  }
0x58: {  	_ =	shalt  }
0x59: {  	_ =	shalt  }
0x5a: {  	_ =	shalt  }
0x5b: {  	_ =	shalt  }
0x5c: {  	_ =	shalt  }
0x5d: {  	_ =	shalt  }
0x5e: {  	_ =	shalt  }
0x5f: {  	_ =	shalt  }
0x60: {  	_ =	shalt  }
0x61: {  	_ =	shalt  }
0x62: {  	_ =	shalt  }
0x63: {  	_ =	shalt  }
0x64: {  	_ =	shalt  }
0x65: {  	_ =	shalt  }
0x66: {  	_ =	shalt  }
0x67: {  	_ =	shalt  }
0x68: {  	_ =	shalt  }
0x69: {  	_ =	shalt  }
0x6a: {  	_ =	shalt  }
0x6b: {  	_ =	shalt  }
0x6c: {  	_ =	shalt  }
0x6d: {  	_ =	shalt  }
0x6e: {  	_ =	shalt  }
0x6f: {  	_ =	shalt  }
0x70: {  	_ =	shalt  }
0x71: {  	_ =	shalt  }
0x72: {  	_ =	shalt  }
0x73: {  	_ =	shalt  }
0x74: {  	_ =	shalt  }
0x75: {  	_ =	shalt  }
0x76: {  	_ =	shalt  }
0x77: {  	_ =	shalt  }
0x78: {  	_ =	shalt  }
0x79: {  	_ =	shalt  }
0x7a: {  	_ =	shalt  }
0x7b: {  	_ =	shalt  }
0x7c: {  	_ =	shalt  }
0x7d: {  	_ =	shalt  }
0x7e: {  	_ =	shalt  }
0x7f: {  	_ =	shalt  }
0x80: {  	_ =	shalt  }
0x81: {  	_ =	shalt  }
0x82: {  	_ =	shalt  }
0x83: {  	_ =	shalt  }
0x84: {  	_ =	shalt  }
0x85: {  	_ =	shalt  }
0x86: {  	_ =	shalt  }
0x87: {  	_ =	shalt  }
.Lfunc_end0:
.L_simem_size_0:
called_computation_lowered:
.L_overlay_start_0:
0x88: {  	s2 =	sld [smem:$0x3FD9]  }
0x89: {  	s3 =	sld [smem:$0x3FFE];
	_ =	sdelay $0x1  }
0x8a: {  	s1 =	srdreg.scid  }
0x8b: {  	s0 =	sand.u32 $0x1, s1  }
0x8c: {  	s17 =	sshll.u32 s0, $0xA;
	s2 =	sadd.s32 s3, s2  }
0x8d: {  	s2 =	sadd.s32 s2, s17  }
0x8e: {  	[smem:$0x3FC6] =	sst s2  }
0x8f: {  	_ = 	snop  }
0x90: {  	s2 =	sld [smem:$0x3FC9]  }
0x91: {  	s18 =	sld [smem:$0x3FD0];
	(tm) =	ssettm $0x1  }
0x92: {  	s4 =	sld [smem:$0x3FFB];
	_ =	sdelay $0x3  }
0x93: {  	_ =	strace s4  }
0x94: {  	s4 =	sld [smem:$0x3FFC];
	_ =	sdelay $0x3  }
0x95: {  	_ =	strace s4  }
0x96: {  	s4 =	sld [smem:$0x3FFD];
	_ =	sdelay $0x3  }
0x97: {  	_ =	strace s4  }
0x98: {  	_ =	strace $0x8FFFFFFF  }
0x99: {  	s19 =	sld [smem:$0x3FDB];
	_ =	sdelay $0x1  }
0x9a: {  	s5 =	simm.s32 $_scs_section_size  }
0x9b: {  	s6 =	simm.s32 $_size__tile_overlayer_lowered;
	s7 =	simm.s32 $_tile_overlayer_lowered  }
0x9c: {  	s22 =	simm.s32 $0x1BFF;
	s21 =	sshll.u32 s7, $0x1;
	s4 =	sadd.s32 s5, s19  }
0x9d: {  	s8 =	simm.s32 $0x0;
	s20 =	sshll.u32 s6, $0x1;
	s6 =	sadd.s32 s21, s4  }
0x9e: {  	[timem:s8], [sflag:s22] =	dma.local [hbm:s6], s20  }
0x9f: {  	_ =	swait.ge [sflag:s22], s20  }
0xa0: {  	s5 =	ssub.s32 $0x0, s20;
	[sflag:s22] =	ssyncset.done $0x0  }
0xa1: {  	[sflag:s22] =	ssyncadd.s32 s5;
	_ =	sdelay $0x1  }
0xa2: {  	s23 =	simm.s32 $0x1B8B  }
0xa3: {  	_ =	swait.ge [sflag:s23], $0x1  }
0xa4: {  	[sflag:s23] =	ssyncset.done $0x0  }
0xa5: {  	s25 =	simm.s32 $0x1B8E;
	s24 =	sld [smem:$0x3FFE];
	[sflag:s23] =	ssyncadd.s32 $0xFFFFFFFF  }
0xa6: {  	s26 =	simm.s32 $execute0_lowered;
	[smem:$0x3FD2] =	sst s25  }
0xa7: {  	s6 =	sshll.u32 s26, $0x1;
	_ =	strace $0x80000046;
	[dreg:$0x1] =	wrdreg $0xFFFFFFFF  }
0xa8: {  	s28 =	simm.s32 $_size_execute0_lowered;
	s4 =	sadd.s32 s4, s6;
	[dreg:$0x0] =	wrdreg $0x0  }
0xa9: {  	s6 =	sshll.u32 s28, $0x1;
	[dreg:$0x2] =	wrdreg s4  }
0xaa: {  	[dreg:$0x3] =	wrdreg s6  }
0xab: {  	[dreg:$0x4] =	wrdreg $0xC0  }
0xac: {  	_ =	task [dreg:s8], $0x5FFFF  }
0xad: {  	[dreg:$0x1] =	wrdreg $0xFFFFFFFF  }
0xae: {  	[dreg:$0x0] =	wrdreg $0x60  }
0xaf: {  	[dreg:$0x2] =	wrdreg s2  }
0xb0: {  	[dreg:$0x3] =	wrdreg s24  }
0xb1: {  	[dreg:$0x4] =	wrdreg s18  }
0xb2: {  	[dreg:$0x5] =	wrdreg $0x9  }
0xb3: {  	_ =	task.clear_ibuf [dreg:s8], $0x6FFFF;
	_ =	strace $0x90000046  }
0xb4: {  	s29 =	simm.s32 $0x9;
	_ =	strace $0x80000048  }
0xb5: {  	_ =	swait.ge [sflag:s29], $0x1  }
0xb6: {  	[sflag:s29] =	ssyncadd.s32 $0xFFFFFFFF  }
0xb7: {  	_ =	strace $0x90000048  }
0xb8: {  	_ =	sfence  }
0xb9: {  	s30 =	sld [smem:$0x0];
	_ =	sdelay $0x2  }
0xba: {  	s31 =	sshll.u32 s1, $0xD;
	s1 =	sshrl.u32 s1, $0x2  }
0xbb: {  	s3 =	sand.u32 $0x4000, s31;
	s1 =	sadd.s32 s1, s30  }
0xbc: {  	s0 =	sor.u32 s3, s0;
	s1 =	sshll.u32 s1, $0x11  }
0xbd: {  	s0 =	sor.u32 s1, s0  }
0xbe: {  	s0 =	sadd.s32 $0x8F2B, s0  }
0xbf: {  	[sflag:s0] =	ssyncadd.remote.s32 $0x1  }
0xc0: {  	_ =	sfence.sel $0xFFFF  }
0xc1: {  	[dreg:$0x0] =	wrdreg $0xFFFFFFFF;
	(pc) =	sbr.abs _section_cstart, $3  }
0xc2: {  	[dreg:$0x1] =	wrdreg $0xFFFFFFFF  }
0xc3: {  	_ =	task.clear_ibuf [dreg:s8], $0x2FFFF;
	_ =	strace $0x9FFFFFFF  }
0xc4: {  	(tm) =	ssettm $0x7FFFFFFF  }
0xc5: {  	_ =	shalt  }
tec
execute0_lowered:
.L_overlay_start_1:
0x0: {  	(tag) =	ssettag $0x1  }
0x1: {  	s30 =	rddreg [dreg:$0x0]  }
0x2: {  	s2 =	rddreg [dreg:$0x1]  }
0x3: {  	s0 =	rddreg [dreg:$0x2];
	s1 =	srdreg.scid  }
0x4: {  	s4 =	simm.s32 $0x0;
	s3 =	stileid.u32;
	s1 =	sand.u32 $0x1, s1  }
0x5: {  	[smem:$0x7FF] =	sst s4;
	s3 =	sshll.u32 s3, $0xA;
	s28 =	sshll.u32 s1, $0x9  }
0x6: {  	s5 =	sadd.s32 $0x400, s2;
	_ =	strace $0x80000047;
	s3 =	sor.u32 s28, s3  }
0x7: {  	[dreg:$0x4] =	wrdreg s5;
	s29 =	sadd.s32 s30, s3;
	s4 =	sor.u32 $0x10, s3  }
0x8: {  	s5 =	sor.u32 $0x20, s3;
	[dreg:$0x5] =	wrdreg s29;
	s6 =	sadd.s32 s30, s4  }
0x9: {  	s7 =	sadd.s32 s30, s5;
	[dreg:$0x6] =	wrdreg s6;
	s6 =	sor.u32 $0x30, s3  }
0xa: {  	[dreg:$0x7] =	wrdreg s7;
	s7 =	sor.u32 $0x40, s3;
	s8 =	sadd.s32 s30, s6  }
0xb: {  	s9 =	sadd.s32 s30, s7;
	[dreg:$0x8] =	wrdreg s8;
	s8 =	sor.u32 $0x50, s3  }
0xc: {  	[dreg:$0x9] =	wrdreg s9;
	s9 =	sor.u32 $0x60, s3;
	s10 =	sadd.s32 s30, s8  }
0xd: {  	s11 =	sadd.s32 s30, s9;
	[dreg:$0xa] =	wrdreg s10;
	s10 =	sor.u32 $0x70, s3  }
0xe: {  	[dreg:$0xb] =	wrdreg s11;
	s11 =	sor.u32 $0x4000, s3;
	s12 =	sadd.s32 s30, s10  }
0xf: {  	s13 =	sadd.s32 s30, s11;
	[dreg:$0xc] =	wrdreg s12;
	s12 =	sor.u32 $0x4010, s3  }
0x10: {  	[dreg:$0xd] =	wrdreg s13;
	s13 =	sor.u32 $0x4020, s3;
	s14 =	sadd.s32 s30, s12  }
0x11: {  	s15 =	sadd.s32 s30, s13;
	[dreg:$0xe] =	wrdreg s14;
	s14 =	sor.u32 $0x4030, s3  }
0x12: {  	[dreg:$0xf] =	wrdreg s15;
	s15 =	sor.u32 $0x4040, s3;
	s16 =	sadd.s32 s30, s14  }
0x13: {  	s17 =	sadd.s32 s30, s15;
	[dreg:$0x10] =	wrdreg s16;
	s16 =	sor.u32 $0x4050, s3  }
0x14: {  	[dreg:$0x11] =	wrdreg s17;
	s17 =	sor.u32 $0x4060, s3;
	s18 =	sadd.s32 s30, s16  }
0x15: {  	s19 =	sadd.s32 s30, s17;
	[dreg:$0x12] =	wrdreg s18;
	s18 =	sor.u32 $0x4070, s3  }
0x16: {  	[dreg:$0x13] =	wrdreg s19;
	s19 =	sor.u32 $0x8000, s3;
	s20 =	sadd.s32 s30, s18  }
0x17: {  	s21 =	sadd.s32 s30, s19;
	[dreg:$0x14] =	wrdreg s20;
	s20 =	sor.u32 $0x8010, s3  }
0x18: {  	[dreg:$0x15] =	wrdreg s21;
	s21 =	sor.u32 $0x8020, s3;
	s22 =	sadd.s32 s30, s20  }
0x19: {  	s23 =	sadd.s32 s30, s21;
	[dreg:$0x16] =	wrdreg s22;
	s22 =	sor.u32 $0x8030, s3  }
0x1a: {  	[dreg:$0x17] =	wrdreg s23;
	s23 =	sor.u32 $0x8040, s3;
	s24 =	sadd.s32 s30, s22  }
0x1b: {  	s25 =	sadd.s32 s30, s23;
	[dreg:$0x18] =	wrdreg s24;
	s24 =	sor.u32 $0x8050, s3  }
0x1c: {  	[dreg:$0x19] =	wrdreg s25;
	s25 =	sor.u32 $0x8060, s3;
	s26 =	sadd.s32 s30, s24  }
0x1d: {  	s28 =	sadd.s32 s30, s25;
	[dreg:$0x1a] =	wrdreg s26;
	s26 =	sor.u32 $0x8070, s3  }
0x1e: {  	[dreg:$0x1b] =	wrdreg s28;
	s28 =	sor.u32 $0xC000, s3;
	s29 =	sadd.s32 s30, s26  }
0x1f: {  	s31 =	sadd.s32 s30, s28;
	[dreg:$0x1c] =	wrdreg s29  }
0x20: {  	s29 =	sor.u32 $0xC010, s3;
	[dreg:$0x1d] =	wrdreg s31;
	s31 =	sadd.s32 $0x34D4, s2  }
0x21: {  	s30 =	sadd.s32 s30, s29;
	[dreg:$0x1f] =	wrdreg s31  }
0x22: {  	s31 =	sadd.s32 $0x65A8, s2;
	[dreg:$0x1e] =	wrdreg s30  }
0x23: {  	[smem:$0x7CC] =	sst s31;
	s31 =	sadd.s32 $0x967C, s2  }
0x24: {  	s30 =	sadd.s32 s0, s28;
	[smem:$0x7CD] =	sst s31  }
0x25: {  	s31 =	sadd.s32 $0xC750, s2;
	[smem:$0x7FC] =	sst s30  }
0x26: {  	[smem:$0x7CE] =	sst s31;
	s31 =	sadd.s32 $0xF824, s2  }
0x27: {  	[smem:$0x7CF] =	sst s31;
	s31 =	sadd.s32 $0x128F8, s2  }
0x28: {  	[smem:$0x7D0] =	sst s31;
	s31 =	sadd.s32 $0x159CC, s2  }
0x29: {  	[smem:$0x7D1] =	sst s31;
	s31 =	sadd.s32 $0x18AA0, s2  }
0x2a: {  	[smem:$0x7D2] =	sst s31;
	s31 =	sadd.s32 $0x1BB74, s2  }
0x2b: {  	[smem:$0x7D3] =	sst s31;
	s31 =	sadd.s32 $0x1EC48, s2  }
0x2c: {  	[smem:$0x7D4] =	sst s31;
	s31 =	sadd.s32 $0x21D1C, s2  }
0x2d: {  	[smem:$0x7D5] =	sst s31;
	s31 =	sadd.s32 $0x24DF0, s2  }
0x2e: {  	[smem:$0x7D6] =	sst s31;
	s31 =	sadd.s32 $0x27EC4, s2  }
0x2f: {  	[smem:$0x7D7] =	sst s31;
	s31 =	sadd.s32 $0x2AF98, s2  }
0x30: {  	[smem:$0x7D8] =	sst s31;
	s31 =	sadd.s32 $0x2E06C, s2  }
0x31: {  	[smem:$0x7D9] =	sst s31;
	s31 =	sadd.s32 $0x31140, s2  }
0x32: {  	[smem:$0x7DA] =	sst s31;
	s31 =	sadd.s32 $0x34214, s2  }
0x33: {  	[smem:$0x7DB] =	sst s31;
	s31 =	sadd.s32 $0x372E8, s2  }
0x34: {  	[smem:$0x7DC] =	sst s31;
	s31 =	sadd.s32 $0x3A3BC, s2  }
0x35: {  	[smem:$0x7DD] =	sst s31;
	s31 =	sadd.s32 $0x3D490, s2  }
0x36: {  	[smem:$0x7DE] =	sst s31;
	s31 =	sadd.s32 $0x40564, s2  }
0x37: {  	[smem:$0x7DF] =	sst s31;
	s31 =	sadd.s32 $0x43638, s2  }
0x38: {  	[smem:$0x7E0] =	sst s31;
	s31 =	sadd.s32 $0x4670C, s2  }
0x39: {  	[smem:$0x7E1] =	sst s31;
	s31 =	sadd.s32 $0x497E0, s2  }
0x3a: {  	s2 =	sadd.s32 $0x4C8B4, s2;
	[smem:$0x7E2] =	sst s31  }
0x3b: {  	[smem:$0x7E3] =	sst s2;
	s31 =	sadd.s32 s0, s3  }
0x3c: {  	s3 =	sadd.s32 s0, s4;
	[smem:$0x7E4] =	sst s31  }
0x3d: {  	s4 =	sadd.s32 s0, s5;
	[smem:$0x7E5] =	sst s3  }
0x3e: {  	s5 =	sadd.s32 s0, s6;
	[smem:$0x7E6] =	sst s4  }
0x3f: {  	s6 =	sadd.s32 s0, s7;
	[smem:$0x7E7] =	sst s5  }
0x40: {  	s7 =	sadd.s32 s0, s8;
	[smem:$0x7E8] =	sst s6  }
0x41: {  	s8 =	sadd.s32 s0, s9;
	[smem:$0x7E9] =	sst s7  }
0x42: {  	s9 =	sadd.s32 s0, s10;
	[smem:$0x7EA] =	sst s8  }
0x43: {  	s10 =	sadd.s32 s0, s11;
	[smem:$0x7EB] =	sst s9  }
0x44: {  	s11 =	sadd.s32 s0, s12;
	[smem:$0x7EC] =	sst s10  }
0x45: {  	s12 =	sadd.s32 s0, s13;
	[smem:$0x7ED] =	sst s11  }
0x46: {  	s13 =	sadd.s32 s0, s14;
	[smem:$0x7EE] =	sst s12  }
0x47: {  	s14 =	sadd.s32 s0, s15;
	[smem:$0x7EF] =	sst s13  }
0x48: {  	s15 =	sadd.s32 s0, s16;
	[smem:$0x7F0] =	sst s14  }
0x49: {  	s16 =	sadd.s32 s0, s17;
	[smem:$0x7F1] =	sst s15  }
0x4a: {  	s17 =	sadd.s32 s0, s18;
	[smem:$0x7F2] =	sst s16  }
0x4b: {  	s18 =	sadd.s32 s0, s19;
	[smem:$0x7F3] =	sst s17  }
0x4c: {  	s19 =	sadd.s32 s0, s20;
	[smem:$0x7F4] =	sst s18  }
0x4d: {  	s1 =	ssub.s32 $0x2, s1;
	s20 =	sadd.s32 s0, s21;
	[smem:$0x7F5] =	sst s19  }
0x4e: {  	s21 =	sadd.s32 s0, s22;
	s22 =	sadd.s32 s0, s23;
	[smem:$0x7F6] =	sst s20  }
0x4f: {  	s23 =	sadd.s32 s0, s24;
	s24 =	sadd.s32 s0, s25;
	[smem:$0x7F7] =	sst s21  }
0x50: {  	s25 =	sadd.s32 s0, s26;
	s26 =	sshrl.u32 s1, $0x1;
	[smem:$0x7F8] =	sst s22  }
0x51: {  	p0 =	por $0x0, $0x0;
	[smem:$0x7F9] =	sst s23;
	s1 =	ssub.s32 s1, s26  }
0x52: {  	s0 =	sadd.s32 s0, s29;
	[smem:$0x7FA] =	sst s24;
	s31 =	smax.u32 s1, $0x1  }
0x53: {  	s2 =	simm.s32 $0x4;
	[smem:$0x7FB] =	sst s25;
	p1 =	sne.s32 s31, $0x1  }
.Ltmp0:
0x54: {  	[smem:$0x7FD] =	sst s0;
	s4 =	simm.s32 $0x80;
	(pc) =	sbr.rel @!p1 .LBB2_4-.Ltmp0, $4  }
0x55: {  	s5 =	simm.s32 $0x400;
	s3 =	simm.s32 $0x200;
	s26 =	simm.s32 $0x2A00  }
0x56: {  	s23 =	simm.s32 $0x3000;
	s0 =	simm.s32 $0x1;
	s22 =	simm.s32 $0x4C00  }
0x57: {  	s24 =	simm.s32 $0x6200;
	s9 =	simm.s32 $0x6600;
	s6 =	simm.s32 $0x2  }
0x58: {  	s19 =	simm.s32 $0x3;
	s7 =	rddreg [dreg:$0x5];
	s1 =	sadd.s32 $0xFFFFFFFF, s31  }
0x59: {  	[smem:$0x7CB] =	sst s1;
	s30 =	simm.s32 $0x0  }
0x5a: {  	[tilespmem:s30], [sflag:$0x1] =	stream.strided.gather [hbm4b:s7+s4], $0x200, s5, s4, $0x38;
	[tilespmem:$0x6800] =	vst v63  }
0x5b: {  	s28 =	rddreg [dreg:$0x6]  }
0x5c: {  	[tilespmem:s3], [sflag:$0x1] =	stream.strided.gather [hbm4b:s28+s4], $0x200, s5, s4, $0x38;
	[tilespmem:$0x6800] =	vst v63  }
0x5d: {  	s29 =	rddreg [dreg:$0x7]  }
0x5e: {  	[tilespmem:s5], [sflag:$0x1] =	stream.strided.gather [hbm4b:s29+s4], $0x200, s5, s4, $0x38;
	[tilespmem:$0x6800] =	vst v63  }
0x5f: {  	s31 =	rddreg [dreg:$0x8];
	s10 =	simm.s32 $0x600  }
0x60: {  	[tilespmem:s10], [sflag:$0x1] =	stream.strided.gather [hbm4b:s31+s4], $0x200, s5, s4, $0x38;
	[tilespmem:$0x6800] =	vst v63  }
0x61: {  	s8 =	rddreg [dreg:$0x9];
	s14 =	simm.s32 $0x800  }
0x62: {  	[tilespmem:s14], [sflag:$0x1] =	stream.strided.gather [hbm4b:s8+s4], $0x200, s5, s4, $0x38;
	[tilespmem:$0x6800] =	vst v63  }
0x63: {  	s12 =	rddreg [dreg:$0xa];
	s25 =	simm.s32 $0xA00  }
0x64: {  	[tilespmem:s25], [sflag:$0x1] =	stream.strided.gather [hbm4b:s12+s4], $0x200, s5, s4, $0x38;
	[tilespmem:$0x6800] =	vst v63  }
0x65: {  	s13 =	rddreg [dreg:$0xb];
	s21 =	simm.s32 $0xC00  }
0x66: {  	[tilespmem:s21], [sflag:$0x1] =	stream.strided.gather [hbm4b:s13+s4], $0x200, s5, s4, $0x38;
	[tilespmem:$0x6800] =	vst v63  }
0x67: {  	s15 =	rddreg [dreg:$0xc];
	s8 =	simm.s32 $0xE00  }
0x68: {  	[tilespmem:s8], [sflag:$0x1] =	stream.strided.gather [hbm4b:s15+s4], $0x200, s5, s4, $0x38;
	[tilespmem:$0x6800] =	vst v63  }
0x69: {  	s16 =	rddreg [dreg:$0xd];
	s18 =	simm.s32 $0x1000  }
0x6a: {  	[tilespmem:s18], [sflag:$0x1] =	stream.strided.gather [hbm4b:s16+s4], $0x200, s5, s4, $0x38;
	[tilespmem:$0x6800] =	vst v63  }
0x6b: {  	s17 =	rddreg [dreg:$0xe];
	s31 =	simm.s32 $0x1200  }
0x6c: {  	[tilespmem:s31], [sflag:$0x1] =	stream.strided.gather [hbm4b:s17+s4], $0x200, s5, s4, $0x38;
	[tilespmem:$0x6800] =	vst v63  }
0x6d: {  	s20 =	rddreg [dreg:$0xf];
	s12 =	simm.s32 $0x1400  }
0x6e: {  	[tilespmem:s12], [sflag:$0x1] =	stream.strided.gather [hbm4b:s20+s4], $0x200, s5, s4, $0x38;
	[tilespmem:$0x6800] =	vst v63  }
0x6f: {  	s23 =	rddreg [dreg:$0x10];
	s28 =	simm.s32 $0x1600  }
0x70: {  	[tilespmem:s28], [sflag:$0x1] =	stream.strided.gather [hbm4b:s23+s4], $0x200, s5, s4, $0x38;
	[tilespmem:$0x6800] =	vst v63  }
0x71: {  	s26 =	rddreg [dreg:$0x11];
	s13 =	simm.s32 $0x1800  }
0x72: {  	[tilespmem:s13], [sflag:$0x1] =	stream.strided.gather [hbm4b:s26+s4], $0x200, s5, s4, $0x38;
	[tilespmem:$0x6800] =	vst v63  }
0x73: {  	s29 =	rddreg [dreg:$0x12];
	s16 =	simm.s32 $0x1A00  }
0x74: {  	[tilespmem:s16], [sflag:$0x1] =	stream.strided.gather [hbm4b:s29+s4], $0x200, s5, s4, $0x38;
	[tilespmem:$0x6800] =	vst v63  }
0x75: {  	s15 =	rddreg [dreg:$0x13];
	s20 =	simm.s32 $0x1C00  }
0x76: {  	[tilespmem:s20], [sflag:$0x1] =	stream.strided.gather [hbm4b:s15+s4], $0x200, s5, s4, $0x38;
	[tilespmem:$0x6800] =	vst v63  }
0x77: {  	s17 =	rddreg [dreg:$0x14];
	s26 =	simm.s32 $0x1E00  }
0x78: {  	[tilespmem:s26], [sflag:$0x1] =	stream.strided.gather [hbm4b:s17+s4], $0x200, s5, s4, $0x38;
	[tilespmem:$0x6800] =	vst v63  }
0x79: {  	s23 =	rddreg [dreg:$0x15];
	s29 =	simm.s32 $0x2000  }
0x7a: {  	[tilespmem:s29], [sflag:$0x1] =	stream.strided.gather [hbm4b:s23+s4], $0x200, s5, s4, $0x38;
	[tilespmem:$0x6800] =	vst v63  }
0x7b: {  	s28 =	rddreg [dreg:$0x16];
	s26 =	simm.s32 $0x2200  }
0x7c: {  	[tilespmem:s26], [sflag:$0x1] =	stream.strided.gather [hbm4b:s28+s4], $0x200, s5, s4, $0x38;
	[tilespmem:$0x6800] =	vst v63  }
0x7d: {  	s12 =	rddreg [dreg:$0x17];
	s28 =	simm.s32 $0x2400  }
0x7e: {  	[tilespmem:s28], [sflag:$0x1] =	stream.strided.gather [hbm4b:s12+s4], $0x200, s5, s4, $0x38;
	[tilespmem:$0x6800] =	vst v63  }
0x7f: {  	s13 =	rddreg [dreg:$0x18];
	s23 =	simm.s32 $0x2600  }
0x80: {  	[tilespmem:s23], [sflag:$0x1] =	stream.strided.gather [hbm4b:s13+s4], $0x200, s5, s4, $0x38;
	[tilespmem:$0x6800] =	vst v63  }
0x81: {  	s15 =	rddreg [dreg:$0x19];
	s20 =	simm.s32 $0x2800  }
0x82: {  	[tilespmem:s20], [sflag:$0x1] =	stream.strided.gather [hbm4b:s15+s4], $0x200, s5, s4, $0x38;
	[tilespmem:$0x6800] =	vst v63  }
0x83: {  	s11 =	simm.s32 $0x2A00;
	s16 =	rddreg [dreg:$0x1a]  }
0x84: {  	[tilespmem:s11], [sflag:$0x1] =	stream.strided.gather [hbm4b:s16+s4], $0x200, s5, s4, $0x38;
	[tilespmem:$0x6800] =	vst v63  }
0x85: {  	s17 =	rddreg [dreg:$0x1b];
	s13 =	simm.s32 $0x2C00  }
0x86: {  	[tilespmem:s13], [sflag:$0x1] =	stream.strided.gather [hbm4b:s17+s4], $0x200, s5, s4, $0x38;
	[tilespmem:$0x6800] =	vst v63  }
0x87: {  	s29 =	rddreg [dreg:$0x1c];
	s16 =	simm.s32 $0x2E00  }
0x88: {  	[tilespmem:s16], [sflag:$0x1] =	stream.strided.gather [hbm4b:s29+s4], $0x200, s5, s4, $0x38;
	[tilespmem:$0x6800] =	vst v63  }
0x89: {  	s15 =	rddreg [dreg:$0x1d];
	s11 =	simm.s32 $0x3000  }
0x8a: {  	[tilespmem:s11], [sflag:$0x1] =	stream.strided.gather [hbm4b:s15+s4], $0x200, s5, s4, $0x38;
	[tilespmem:$0x6800] =	vst v63  }
0x8b: {  	s17 =	rddreg [dreg:$0x1e];
	s29 =	simm.s32 $0x3200  }
0x8c: {  	[tilespmem:s29], [sflag:$0x1] =	stream.strided.gather [hbm4b:s17+s4], $0x200, s5, s4, $0x38;
	[tilespmem:$0x6800] =	vst v63  }
0x8d: {  	_ =	swait.ge [sflag:s0], $0x200  }
0x8e: {  	[sflag:s0] =	ssyncset.done $0x0  }
0x8f: {  	[sflag:s0] =	ssyncadd.s32 $0xFFFFFE00  }
0x90: {  	_ =	swait.ge [sflag:s0], $0x200  }
0x91: {  	[sflag:s0] =	ssyncset.done $0x0  }
0x92: {  	[sflag:s0] =	ssyncadd.s32 $0xFFFFFE00  }
0x93: {  	_ =	swait.ge [sflag:s0], $0x200  }
0x94: {  	[sflag:s0] =	ssyncset.done $0x0  }
0x95: {  	[sflag:s0] =	ssyncadd.s32 $0xFFFFFE00  }
0x96: {  	_ =	swait.ge [sflag:s0], $0x200  }
0x97: {  	[sflag:s0] =	ssyncset.done $0x0  }
0x98: {  	[sflag:s0] =	ssyncadd.s32 $0xFFFFFE00  }
0x99: {  	_ =	swait.ge [sflag:s0], $0x200  }
0x9a: {  	[sflag:s0] =	ssyncset.done $0x0  }
0x9b: {  	[sflag:s0] =	ssyncadd.s32 $0xFFFFFE00  }
0x9c: {  	_ =	swait.ge [sflag:s0], $0x200  }
0x9d: {  	[sflag:s0] =	ssyncset.done $0x0  }
0x9e: {  	[sflag:s0] =	ssyncadd.s32 $0xFFFFFE00  }
0x9f: {  	_ =	swait.ge [sflag:s0], $0x200  }
0xa0: {  	[sflag:s0] =	ssyncset.done $0x0  }
0xa1: {  	[sflag:s0] =	ssyncadd.s32 $0xFFFFFE00  }
0xa2: {  	_ =	swait.ge [sflag:s0], $0x200  }
0xa3: {  	[sflag:s0] =	ssyncset.done $0x0  }
0xa4: {  	[sflag:s0] =	ssyncadd.s32 $0xFFFFFE00  }
0xa5: {  	_ =	swait.ge [sflag:s0], $0x200  }
0xa6: {  	[sflag:s0] =	ssyncset.done $0x0  }
0xa7: {  	[sflag:s0] =	ssyncadd.s32 $0xFFFFFE00  }
0xa8: {  	_ =	swait.ge [sflag:s0], $0x200  }
0xa9: {  	[sflag:s0] =	ssyncset.done $0x0  }
0xaa: {  	[sflag:s0] =	ssyncadd.s32 $0xFFFFFE00  }
0xab: {  	_ =	swait.ge [sflag:s0], $0x200  }
0xac: {  	[sflag:s0] =	ssyncset.done $0x0  }
0xad: {  	[sflag:s0] =	ssyncadd.s32 $0xFFFFFE00  }
0xae: {  	_ =	swait.ge [sflag:s0], $0x200  }
0xaf: {  	[sflag:s0] =	ssyncset.done $0x0  }
0xb0: {  	[sflag:s0] =	ssyncadd.s32 $0xFFFFFE00  }
0xb1: {  	_ =	swait.ge [sflag:s0], $0x200  }
0xb2: {  	[sflag:s0] =	ssyncset.done $0x0  }
0xb3: {  	[sflag:s0] =	ssyncadd.s32 $0xFFFFFE00  }
0xb4: {  	_ =	swait.ge [sflag:s0], $0x200  }
0xb5: {  	[sflag:s0] =	ssyncset.done $0x0  }
0xb6: {  	[sflag:s0] =	ssyncadd.s32 $0xFFFFFE00  }
0xb7: {  	_ =	swait.ge [sflag:s0], $0x200  }
0xb8: {  	[sflag:s0] =	ssyncset.done $0x0  }
0xb9: {  	[sflag:s0] =	ssyncadd.s32 $0xFFFFFE00  }
0xba: {  	_ =	swait.ge [sflag:s0], $0x200  }
0xbb: {  	[sflag:s0] =	ssyncset.done $0x0  }
0xbc: {  	[sflag:s0] =	ssyncadd.s32 $0xFFFFFE00  }
0xbd: {  	_ =	swait.ge [sflag:s0], $0x200  }
0xbe: {  	[sflag:s0] =	ssyncset.done $0x0  }
0xbf: {  	[sflag:s0] =	ssyncadd.s32 $0xFFFFFE00  }
0xc0: {  	_ =	swait.ge [sflag:s0], $0x200  }
0xc1: {  	[sflag:s0] =	ssyncset.done $0x0  }
0xc2: {  	[sflag:s0] =	ssyncadd.s32 $0xFFFFFE00  }
0xc3: {  	_ =	swait.ge [sflag:s0], $0x200  }
0xc4: {  	[sflag:s0] =	ssyncset.done $0x0  }
0xc5: {  	[sflag:s0] =	ssyncadd.s32 $0xFFFFFE00  }
0xc6: {  	_ =	swait.ge [sflag:s0], $0x200  }
0xc7: {  	[sflag:s0] =	ssyncset.done $0x0  }
0xc8: {  	[sflag:s0] =	ssyncadd.s32 $0xFFFFFE00  }
0xc9: {  	_ =	swait.ge [sflag:s0], $0x200  }
0xca: {  	[sflag:s0] =	ssyncset.done $0x0  }
0xcb: {  	[sflag:s0] =	ssyncadd.s32 $0xFFFFFE00  }
0xcc: {  	_ =	swait.ge [sflag:s0], $0x200  }
0xcd: {  	[sflag:s0] =	ssyncset.done $0x0  }
0xce: {  	[sflag:s0] =	ssyncadd.s32 $0xFFFFFE00  }
0xcf: {  	_ =	swait.ge [sflag:s0], $0x200  }
0xd0: {  	[sflag:s0] =	ssyncset.done $0x0  }
0xd1: {  	[sflag:s0] =	ssyncadd.s32 $0xFFFFFE00  }
0xd2: {  	_ =	swait.ge [sflag:s0], $0x200  }
0xd3: {  	[sflag:s0] =	ssyncset.done $0x0  }
0xd4: {  	[sflag:s0] =	ssyncadd.s32 $0xFFFFFE00  }
0xd5: {  	_ =	swait.ge [sflag:s0], $0x200  }
0xd6: {  	[sflag:s0] =	ssyncset.done $0x0  }
0xd7: {  	[sflag:s0] =	ssyncadd.s32 $0xFFFFFE00  }
0xd8: {  	_ =	swait.ge [sflag:s0], $0x200  }
0xd9: {  	s7 =	rddreg [dreg:$0x4];
	[sflag:s0] =	ssyncset.done $0x0  }
0xda: {  	s12 =	simm.s32 $0x3400;
	s11 =	rddreg [dreg:$0x1f];
	[sflag:s0] =	ssyncadd.s32 $0xFFFFFE00  }
0xdb: {  	[tilespmem:s12], [sflag:$0x2] =	stream.indirect.gather [hbm4b:s7+s3], $0x1, s30, s3, $0xb8;
	[tilespmem:$0x6800] =	vst v63  }
0xdc: {  	s17 =	simm.s32 $0x3600;
	s13 =	sld [smem:$0x7CC]  }
0xdd: {  	[tilespmem:s17], [sflag:$0x2] =	stream.indirect.gather [hbm4b:s11+s3], $0x1, s3, s3, $0xb8;
	[tilespmem:$0x6800] =	vst v63  }
0xde: {  	s16 =	simm.s32 $0x3800;
	s15 =	sld [smem:$0x7CD]  }
0xdf: {  	[tilespmem:s16], [sflag:$0x2] =	stream.indirect.gather [hbm4b:s13+s3], $0x1, s5, s3, $0xb8;
	[tilespmem:$0x6800] =	vst v63  }
0xe0: {  	s29 =	simm.s32 $0x3A00;
	s11 =	sld [smem:$0x7CE]  }
0xe1: {  	[tilespmem:s29], [sflag:$0x2] =	stream.indirect.gather [hbm4b:s15+s3], $0x1, s10, s3, $0xb8;
	[tilespmem:$0x6800] =	vst v63  }
0xe2: {  	s13 =	simm.s32 $0x3C00;
	s15 =	sld [smem:$0x7CF]  }
0xe3: {  	[tilespmem:s13], [sflag:$0x2] =	stream.indirect.gather [hbm4b:s11+s3], $0x1, s14, s3, $0xb8;
	[tilespmem:$0x6800] =	vst v63  }
0xe4: {  	s10 =	simm.s32 $0x3E00;
	s11 =	sld [smem:$0x7D0]  }
0xe5: {  	[tilespmem:s10], [sflag:$0x2] =	stream.indirect.gather [hbm4b:s15+s3], $0x1, s25, s3, $0xb8;
	[tilespmem:$0x6800] =	vst v63  }
0xe6: {  	s14 =	simm.s32 $0x4000;
	s15 =	sld [smem:$0x7D1]  }
0xe7: {  	[tilespmem:s14], [sflag:$0x2] =	stream.indirect.gather [hbm4b:s11+s3], $0x1, s21, s3, $0xb8;
	[tilespmem:$0x6800] =	vst v63  }
0xe8: {  	s25 =	simm.s32 $0x4200;
	s11 =	sld [smem:$0x7D2]  }
0xe9: {  	[tilespmem:s25], [sflag:$0x2] =	stream.indirect.gather [hbm4b:s15+s3], $0x1, s8, s3, $0xb8;
	[tilespmem:$0x6800] =	vst v63  }
0xea: {  	s21 =	sld [smem:$0x7D3];
	s15 =	simm.s32 $0x4400  }
0xeb: {  	[tilespmem:s15], [sflag:$0x2] =	stream.indirect.gather [hbm4b:s11+s3], $0x1, s18, s3, $0xb8;
	[tilespmem:$0x6800] =	vst v63  }
0xec: {  	s8 =	simm.s32 $0x4600;
	s11 =	sld [smem:$0x7D4]  }
0xed: {  	[tilespmem:s8], [sflag:$0x2] =	stream.indirect.gather [hbm4b:s21+s3], $0x1, s31, s3, $0xb8;
	[tilespmem:$0x6800] =	vst v63  }
0xee: {  	s7 =	sld [smem:$0x7D5];
	s18 =	simm.s32 $0x1400;
	s31 =	simm.s32 $0x4800  }
0xef: {  	[tilespmem:s31], [sflag:$0x2] =	stream.indirect.gather [hbm4b:s11+s3], $0x1, s18, s3, $0xb8;
	[tilespmem:$0x6800] =	vst v63  }
0xf0: {  	s1 =	sld [smem:$0x7D6];
	s21 =	simm.s32 $0x1600;
	s11 =	simm.s32 $0x4A00  }
0xf1: {  	[tilespmem:s11], [sflag:$0x2] =	stream.indirect.gather [hbm4b:s7+s3], $0x1, s21, s3, $0xb8;
	[tilespmem:$0x6800] =	vst v63  }
0xf2: {  	s7 =	sld [smem:$0x7D7];
	s21 =	simm.s32 $0x1800  }
0xf3: {  	[tilespmem:s22], [sflag:$0x2] =	stream.indirect.gather [hbm4b:s1+s3], $0x1, s21, s3, $0xb8;
	[tilespmem:$0x6800] =	vst v63  }
0xf4: {  	s18 =	simm.s32 $0x4E00;
	s1 =	sld [smem:$0x7D8];
	s21 =	simm.s32 $0x1A00  }
0xf5: {  	[tilespmem:s18], [sflag:$0x3] =	stream.indirect.gather [hbm4b:s7+s3], $0x1, s21, s3, $0xb8;
	[tilespmem:$0x6800] =	vst v63  }
0xf6: {  	s7 =	sld [smem:$0x7D9];
	s18 =	simm.s32 $0x5000;
	s21 =	simm.s32 $0x1C00  }
0xf7: {  	[tilespmem:s18], [sflag:$0x3] =	stream.indirect.gather [hbm4b:s1+s3], $0x1, s21, s3, $0xb8;
	[tilespmem:$0x6800] =	vst v63  }
0xf8: {  	s1 =	sld [smem:$0x7DA];
	s18 =	simm.s32 $0x5200;
	s21 =	simm.s32 $0x1E00  }
0xf9: {  	[tilespmem:s18], [sflag:$0x3] =	stream.indirect.gather [hbm4b:s7+s3], $0x1, s21, s3, $0xb8;
	[tilespmem:$0x6800] =	vst v63  }
0xfa: {  	s7 =	sld [smem:$0x7DB];
	s18 =	simm.s32 $0x5400;
	s21 =	simm.s32 $0x2000  }
0xfb: {  	[tilespmem:s18], [sflag:$0x3] =	stream.indirect.gather [hbm4b:s1+s3], $0x1, s21, s3, $0xb8;
	[tilespmem:$0x6800] =	vst v63  }
0xfc: {  	s1 =	sld [smem:$0x7DC];
	s21 =	simm.s32 $0x5600  }
0xfd: {  	[tilespmem:s21], [sflag:$0x3] =	stream.indirect.gather [hbm4b:s7+s3], $0x1, s26, s3, $0xb8;
	[tilespmem:$0x6800] =	vst v63  }
0xfe: {  	s7 =	sld [smem:$0x7DD];
	s21 =	simm.s32 $0x5800  }
0xff: {  	[tilespmem:s21], [sflag:$0x3] =	stream.indirect.gather [hbm4b:s1+s3], $0x1, s28, s3, $0xb8;
	[tilespmem:$0x6800] =	vst v63  }
0x100: {  	s26 =	sld [smem:$0x7DE];
	s21 =	simm.s32 $0x5A00  }
0x101: {  	[tilespmem:s21], [sflag:$0x3] =	stream.indirect.gather [hbm4b:s7+s3], $0x1, s23, s3, $0xb8;
	[tilespmem:$0x6800] =	vst v63  }
0x102: {  	s18 =	sld [smem:$0x7DF];
	s28 =	simm.s32 $0x5C00  }
0x103: {  	[tilespmem:s28], [sflag:$0x3] =	stream.indirect.gather [hbm4b:s26+s3], $0x1, s20, s3, $0xb8;
	[tilespmem:$0x6800] =	vst v63  }
0x104: {  	s30 =	simm.s32 $0x2A00;
	s1 =	sld [smem:$0x7E0];
	s23 =	simm.s32 $0x5E00  }
0x105: {  	[tilespmem:s23], [sflag:$0x3] =	stream.indirect.gather [hbm4b:s18+s3], $0x1, s30, s3, $0xb8;
	[tilespmem:$0x6800] =	vst v63  }
0x106: {  	s7 =	sld [smem:$0x7E1];
	s20 =	simm.s32 $0x2C00;
	s30 =	simm.s32 $0x6000  }
0x107: {  	[tilespmem:s30], [sflag:$0x3] =	stream.indirect.gather [hbm4b:s1+s3], $0x1, s20, s3, $0xb8;
	[tilespmem:$0x6800] =	vst v63  }
0x108: {  	s23 =	simm.s32 $0x2E00;
	s1 =	sld [smem:$0x7E2]  }
0x109: {  	[tilespmem:s24], [sflag:$0x3] =	stream.indirect.gather [hbm4b:s7+s3], $0x1, s23, s3, $0xb8;
	[tilespmem:$0x6800] =	vst v63  }
0x10a: {  	s18 =	simm.s32 $0x6400;
	s20 =	simm.s32 $0x3000;
	s7 =	sld [smem:$0x7E3]  }
0x10b: {  	[tilespmem:s18], [sflag:$0x3] =	stream.indirect.gather [hbm4b:s1+s3], $0x1, s20, s3, $0xb8;
	[tilespmem:$0x6800] =	vst v63  }
0x10c: {  	s20 =	simm.s32 $0x3200  }
0x10d: {  	[tilespmem:s9], [sflag:$0x3] =	stream.indirect.gather [hbm4b:s7+s3], $0x1, s20, s3, $0xb8;
	[tilespmem:$0x6800] =	vst v63  }
0x10e: {  	_ =	swait.ge [sflag:s6], $0x200  }
0x10f: {  	[sflag:s6] =	ssyncset.done $0x0  }
0x110: {  	[sflag:s6] =	ssyncadd.s32 $0xFFFFFE00  }
0x111: {  	_ =	swait.ge [sflag:s6], $0x200  }
0x112: {  	[sflag:s6] =	ssyncset.done $0x0  }
0x113: {  	[sflag:s6] =	ssyncadd.s32 $0xFFFFFE00  }
0x114: {  	_ =	swait.ge [sflag:s6], $0x200  }
0x115: {  	[sflag:s6] =	ssyncset.done $0x0  }
0x116: {  	[sflag:s6] =	ssyncadd.s32 $0xFFFFFE00  }
0x117: {  	_ =	swait.ge [sflag:s6], $0x200  }
0x118: {  	[sflag:s6] =	ssyncset.done $0x0  }
0x119: {  	[sflag:s6] =	ssyncadd.s32 $0xFFFFFE00  }
0x11a: {  	_ =	swait.ge [sflag:s6], $0x200  }
0x11b: {  	[sflag:s6] =	ssyncset.done $0x0  }
0x11c: {  	[sflag:s6] =	ssyncadd.s32 $0xFFFFFE00  }
0x11d: {  	_ =	swait.ge [sflag:s6], $0x200  }
0x11e: {  	[sflag:s6] =	ssyncset.done $0x0  }
0x11f: {  	[sflag:s6] =	ssyncadd.s32 $0xFFFFFE00  }
0x120: {  	_ =	swait.ge [sflag:s6], $0x200  }
0x121: {  	[sflag:s6] =	ssyncset.done $0x0  }
0x122: {  	[sflag:s6] =	ssyncadd.s32 $0xFFFFFE00  }
0x123: {  	_ =	swait.ge [sflag:s6], $0x200  }
0x124: {  	[sflag:s6] =	ssyncset.done $0x0  }
0x125: {  	[sflag:s6] =	ssyncadd.s32 $0xFFFFFE00  }
0x126: {  	_ =	swait.ge [sflag:s6], $0x200  }
0x127: {  	[sflag:s6] =	ssyncset.done $0x0  }
0x128: {  	[sflag:s6] =	ssyncadd.s32 $0xFFFFFE00  }
0x129: {  	_ =	swait.ge [sflag:s6], $0x200  }
0x12a: {  	[sflag:s6] =	ssyncset.done $0x0  }
0x12b: {  	[sflag:s6] =	ssyncadd.s32 $0xFFFFFE00  }
0x12c: {  	_ =	swait.ge [sflag:s6], $0x200  }
0x12d: {  	[sflag:s6] =	ssyncset.done $0x0  }
0x12e: {  	[sflag:s6] =	ssyncadd.s32 $0xFFFFFE00  }
0x12f: {  	_ =	swait.ge [sflag:s6], $0x200  }
0x130: {  	[sflag:s6] =	ssyncset.done $0x0  }
0x131: {  	[sflag:s6] =	ssyncadd.s32 $0xFFFFFE00  }
0x132: {  	_ =	swait.ge [sflag:s6], $0x200  }
0x133: {  	s20 =	sld [smem:$0x7E4]  }
0x134: {  	[sflag:s6] =	ssyncset.done $0x0  }
0x135: {  	s7 =	sld [smem:$0x7E5];
	[sflag:s6] =	ssyncadd.s32 $0xFFFFFE00  }
0x136: {  	[hbm4b:s20+s4] =	stream.strided.scatter [tilespmem:s12], [sflag:$0x4], $0x200, s5, s4, $0x38;
	[tilespmem:$0x6800] =	vst v63  }
0x137: {  	s20 =	sld [smem:$0x7E6]  }
0x138: {  	[hbm4b:s7+s4] =	stream.strided.scatter [tilespmem:s17], [sflag:$0x4], $0x200, s5, s4, $0x38;
	[tilespmem:$0x6800] =	vst v63  }
0x139: {  	s12 =	sld [smem:$0x7E7]  }
0x13a: {  	[hbm4b:s20+s4] =	stream.strided.scatter [tilespmem:s16], [sflag:$0x4], $0x200, s5, s4, $0x38;
	[tilespmem:$0x6800] =	vst v63  }
0x13b: {  	s16 =	sld [smem:$0x7E8]  }
0x13c: {  	[hbm4b:s12+s4] =	stream.strided.scatter [tilespmem:s29], [sflag:$0x4], $0x200, s5, s4, $0x38;
	[tilespmem:$0x6800] =	vst v63  }
0x13d: {  	s17 =	sld [smem:$0x7E9]  }
0x13e: {  	[hbm4b:s16+s4] =	stream.strided.scatter [tilespmem:s13], [sflag:$0x4], $0x200, s5, s4, $0x38;
	[tilespmem:$0x6800] =	vst v63  }
0x13f: {  	s20 =	sld [smem:$0x7EA]  }
0x140: {  	[hbm4b:s17+s4] =	stream.strided.scatter [tilespmem:s10], [sflag:$0x4], $0x200, s5, s4, $0x38;
	[tilespmem:$0x6800] =	vst v63  }
0x141: {  	s29 =	sld [smem:$0x7EB]  }
0x142: {  	[hbm4b:s20+s4] =	stream.strided.scatter [tilespmem:s14], [sflag:$0x4], $0x200, s5, s4, $0x38;
	[tilespmem:$0x6800] =	vst v63  }
0x143: {  	s10 =	sld [smem:$0x7EC]  }
0x144: {  	[hbm4b:s29+s4] =	stream.strided.scatter [tilespmem:s25], [sflag:$0x4], $0x200, s5, s4, $0x38;
	[tilespmem:$0x6800] =	vst v63  }
0x145: {  	s12 =	sld [smem:$0x7ED]  }
0x146: {  	[hbm4b:s10+s4] =	stream.strided.scatter [tilespmem:s15], [sflag:$0x4], $0x200, s5, s4, $0x38;
	[tilespmem:$0x6800] =	vst v63  }
0x147: {  	s13 =	sld [smem:$0x7EE]  }
0x148: {  	[hbm4b:s12+s4] =	stream.strided.scatter [tilespmem:s8], [sflag:$0x4], $0x200, s5, s4, $0x38;
	[tilespmem:$0x6800] =	vst v63  }
0x149: {  	s14 =	sld [smem:$0x7EF]  }
0x14a: {  	[hbm4b:s13+s4] =	stream.strided.scatter [tilespmem:s31], [sflag:$0x4], $0x200, s5, s4, $0x38;
	[tilespmem:$0x6800] =	vst v63  }
0x14b: {  	s15 =	sld [smem:$0x7F0]  }
0x14c: {  	[hbm4b:s14+s4] =	stream.strided.scatter [tilespmem:s11], [sflag:$0x4], $0x200, s5, s4, $0x38;
	[tilespmem:$0x6800] =	vst v63  }
0x14d: {  	_ = 	snop  }
0x14e: {  	[hbm4b:s15+s4] =	stream.strided.scatter [tilespmem:s22], [sflag:$0x4], $0x200, s5, s4, $0x38;
	[tilespmem:$0x6800] =	vst v63  }
0x14f: {  	_ =	swait.ge [sflag:s19], $0x200  }
0x150: {  	[sflag:s19] =	ssyncset.done $0x0  }
0x151: {  	[sflag:s19] =	ssyncadd.s32 $0xFFFFFE00  }
0x152: {  	_ =	swait.ge [sflag:s19], $0x200  }
0x153: {  	[sflag:s19] =	ssyncset.done $0x0  }
0x154: {  	[sflag:s19] =	ssyncadd.s32 $0xFFFFFE00  }
0x155: {  	_ =	swait.ge [sflag:s19], $0x200  }
0x156: {  	[sflag:s19] =	ssyncset.done $0x0  }
0x157: {  	[sflag:s19] =	ssyncadd.s32 $0xFFFFFE00  }
0x158: {  	_ =	swait.ge [sflag:s19], $0x200  }
0x159: {  	[sflag:s19] =	ssyncset.done $0x0  }
0x15a: {  	[sflag:s19] =	ssyncadd.s32 $0xFFFFFE00  }
0x15b: {  	_ =	swait.ge [sflag:s19], $0x200  }
0x15c: {  	[sflag:s19] =	ssyncset.done $0x0  }
0x15d: {  	[sflag:s19] =	ssyncadd.s32 $0xFFFFFE00  }
0x15e: {  	_ =	swait.ge [sflag:s19], $0x200  }
0x15f: {  	[sflag:s19] =	ssyncset.done $0x0  }
0x160: {  	[sflag:s19] =	ssyncadd.s32 $0xFFFFFE00  }
0x161: {  	_ =	swait.ge [sflag:s19], $0x200  }
0x162: {  	[sflag:s19] =	ssyncset.done $0x0  }
0x163: {  	[sflag:s19] =	ssyncadd.s32 $0xFFFFFE00  }
0x164: {  	_ =	swait.ge [sflag:s19], $0x200  }
0x165: {  	[sflag:s19] =	ssyncset.done $0x0  }
0x166: {  	[sflag:s19] =	ssyncadd.s32 $0xFFFFFE00  }
0x167: {  	_ =	swait.ge [sflag:s19], $0x200  }
0x168: {  	[sflag:s19] =	ssyncset.done $0x0  }
0x169: {  	[sflag:s19] =	ssyncadd.s32 $0xFFFFFE00  }
0x16a: {  	_ =	swait.ge [sflag:s19], $0x200  }
0x16b: {  	[sflag:s19] =	ssyncset.done $0x0  }
0x16c: {  	[sflag:s19] =	ssyncadd.s32 $0xFFFFFE00  }
0x16d: {  	_ =	swait.ge [sflag:s19], $0x200  }
0x16e: {  	[sflag:s19] =	ssyncset.done $0x0  }
0x16f: {  	[sflag:s19] =	ssyncadd.s32 $0xFFFFFE00  }
0x170: {  	_ =	swait.ge [sflag:s19], $0x200  }
0x171: {  	[sflag:s19] =	ssyncset.done $0x0  }
0x172: {  	[sflag:s19] =	ssyncadd.s32 $0xFFFFFE00  }
0x173: {  	_ =	swait.ge [sflag:s19], $0x200  }
0x174: {  	s16 =	sld [smem:$0x7F1]  }
0x175: {  	[sflag:s19] =	ssyncset.done $0x0  }
0x176: {  	s20 =	simm.s32 $0x4E00;
	s17 =	sld [smem:$0x7F2];
	[sflag:s19] =	ssyncadd.s32 $0xFFFFFE00  }
0x177: {  	[hbm4b:s16+s4] =	stream.strided.scatter [tilespmem:s20], [sflag:$0x4], $0x200, s5, s4, $0x38;
	[tilespmem:$0x6800] =	vst v63  }
0x178: {  	s29 =	simm.s32 $0x5000;
	s25 =	sld [smem:$0x7F3]  }
0x179: {  	[hbm4b:s17+s4] =	stream.strided.scatter [tilespmem:s29], [sflag:$0x4], $0x200, s5, s4, $0x38;
	[tilespmem:$0x6800] =	vst v63  }
0x17a: {  	s10 =	simm.s32 $0x5200;
	s31 =	sld [smem:$0x7F4]  }
0x17b: {  	[hbm4b:s25+s4] =	stream.strided.scatter [tilespmem:s10], [sflag:$0x4], $0x200, s5, s4, $0x38;
	[tilespmem:$0x6800] =	vst v63  }
0x17c: {  	s12 =	simm.s32 $0x5400;
	s11 =	sld [smem:$0x7F5]  }
0x17d: {  	[hbm4b:s31+s4] =	stream.strided.scatter [tilespmem:s12], [sflag:$0x4], $0x200, s5, s4, $0x38;
	[tilespmem:$0x6800] =	vst v63  }
0x17e: {  	s14 =	simm.s32 $0x5600;
	s13 =	sld [smem:$0x7F6]  }
0x17f: {  	[hbm4b:s11+s4] =	stream.strided.scatter [tilespmem:s14], [sflag:$0x4], $0x200, s5, s4, $0x38;
	[tilespmem:$0x6800] =	vst v63  }
0x180: {  	s15 =	sld [smem:$0x7F7];
	s16 =	simm.s32 $0x5800  }
0x181: {  	[hbm4b:s13+s4] =	stream.strided.scatter [tilespmem:s16], [sflag:$0x4], $0x200, s5, s4, $0x38;
	[tilespmem:$0x6800] =	vst v63  }
0x182: {  	s17 =	sld [smem:$0x7F8]  }
0x183: {  	[hbm4b:s15+s4] =	stream.strided.scatter [tilespmem:s21], [sflag:$0x4], $0x200, s5, s4, $0x38;
	[tilespmem:$0x6800] =	vst v63  }
0x184: {  	s20 =	sld [smem:$0x7F9]  }
0x185: {  	[hbm4b:s17+s4] =	stream.strided.scatter [tilespmem:s28], [sflag:$0x4], $0x200, s5, s4, $0x38;
	[tilespmem:$0x6800] =	vst v63  }
0x186: {  	s25 =	simm.s32 $0x5E00;
	s21 =	sld [smem:$0x7FA]  }
0x187: {  	[hbm4b:s20+s4] =	stream.strided.scatter [tilespmem:s25], [sflag:$0x4], $0x200, s5, s4, $0x38;
	[tilespmem:$0x6800] =	vst v63  }
0x188: {  	s28 =	sld [smem:$0x7FB]  }
0x189: {  	[hbm4b:s21+s4] =	stream.strided.scatter [tilespmem:s30], [sflag:$0x4], $0x200, s5, s4, $0x38;
	[tilespmem:$0x6800] =	vst v63  }
0x18a: {  	s29 =	sld [smem:$0x7FC]  }
0x18b: {  	[hbm4b:s28+s4] =	stream.strided.scatter [tilespmem:s24], [sflag:$0x4], $0x200, s5, s4, $0x38;
	[tilespmem:$0x6800] =	vst v63  }
0x18c: {  	s18 =	simm.s32 $0x6400;
	s30 =	sld [smem:$0x7FD]  }
0x18d: {  	[hbm4b:s29+s4] =	stream.strided.scatter [tilespmem:s18], [sflag:$0x4], $0x200, s5, s4, $0x38;
	[tilespmem:$0x6800] =	vst v63  }
0x18e: {  	_ = 	snop  }
0x18f: {  	[hbm4b:s30+s4] =	stream.strided.scatter [tilespmem:s9], [sflag:$0x4], $0x200, s5, s4, $0x38;
	[tilespmem:$0x6800] =	vst v63  }
0x190: {  	_ =	swait.ge [sflag:s2], $0x200  }
0x191: {  	[sflag:s2] =	ssyncset.done $0x0  }
0x192: {  	[sflag:s2] =	ssyncadd.s32 $0xFFFFFE00  }
0x193: {  	_ =	swait.ge [sflag:s2], $0x200  }
0x194: {  	[sflag:s2] =	ssyncset.done $0x0  }
0x195: {  	[sflag:s2] =	ssyncadd.s32 $0xFFFFFE00  }
0x196: {  	_ =	swait.ge [sflag:s2], $0x200  }
0x197: {  	[sflag:s2] =	ssyncset.done $0x0  }
0x198: {  	[sflag:s2] =	ssyncadd.s32 $0xFFFFFE00  }
0x199: {  	_ =	swait.ge [sflag:s2], $0x200  }
0x19a: {  	[sflag:s2] =	ssyncset.done $0x0  }
0x19b: {  	[sflag:s2] =	ssyncadd.s32 $0xFFFFFE00  }
0x19c: {  	_ =	swait.ge [sflag:s2], $0x200  }
0x19d: {  	[sflag:s2] =	ssyncset.done $0x0  }
0x19e: {  	[sflag:s2] =	ssyncadd.s32 $0xFFFFFE00  }
0x19f: {  	_ =	swait.ge [sflag:s2], $0x200  }
0x1a0: {  	[sflag:s2] =	ssyncset.done $0x0  }
0x1a1: {  	[sflag:s2] =	ssyncadd.s32 $0xFFFFFE00  }
0x1a2: {  	_ =	swait.ge [sflag:s2], $0x200  }
0x1a3: {  	[sflag:s2] =	ssyncset.done $0x0  }
0x1a4: {  	[sflag:s2] =	ssyncadd.s32 $0xFFFFFE00  }
0x1a5: {  	_ =	swait.ge [sflag:s2], $0x200  }
0x1a6: {  	[sflag:s2] =	ssyncset.done $0x0  }
0x1a7: {  	[sflag:s2] =	ssyncadd.s32 $0xFFFFFE00  }
0x1a8: {  	_ =	swait.ge [sflag:s2], $0x200  }
0x1a9: {  	[sflag:s2] =	ssyncset.done $0x0  }
0x1aa: {  	[sflag:s2] =	ssyncadd.s32 $0xFFFFFE00  }
0x1ab: {  	_ =	swait.ge [sflag:s2], $0x200  }
0x1ac: {  	[sflag:s2] =	ssyncset.done $0x0  }
0x1ad: {  	[sflag:s2] =	ssyncadd.s32 $0xFFFFFE00  }
0x1ae: {  	_ =	swait.ge [sflag:s2], $0x200  }
0x1af: {  	[sflag:s2] =	ssyncset.done $0x0  }
0x1b0: {  	[sflag:s2] =	ssyncadd.s32 $0xFFFFFE00  }
0x1b1: {  	_ =	swait.ge [sflag:s2], $0x200  }
0x1b2: {  	[sflag:s2] =	ssyncset.done $0x0  }
0x1b3: {  	[sflag:s2] =	ssyncadd.s32 $0xFFFFFE00  }
0x1b4: {  	_ =	swait.ge [sflag:s2], $0x200  }
0x1b5: {  	[sflag:s2] =	ssyncset.done $0x0  }
0x1b6: {  	[sflag:s2] =	ssyncadd.s32 $0xFFFFFE00  }
0x1b7: {  	_ =	swait.ge [sflag:s2], $0x200  }
0x1b8: {  	[sflag:s2] =	ssyncset.done $0x0  }
0x1b9: {  	[sflag:s2] =	ssyncadd.s32 $0xFFFFFE00  }
0x1ba: {  	_ =	swait.ge [sflag:s2], $0x200  }
0x1bb: {  	[sflag:s2] =	ssyncset.done $0x0  }
0x1bc: {  	[sflag:s2] =	ssyncadd.s32 $0xFFFFFE00  }
0x1bd: {  	_ =	swait.ge [sflag:s2], $0x200  }
0x1be: {  	[sflag:s2] =	ssyncset.done $0x0  }
0x1bf: {  	[sflag:s2] =	ssyncadd.s32 $0xFFFFFE00  }
0x1c0: {  	_ =	swait.ge [sflag:s2], $0x200  }
0x1c1: {  	[sflag:s2] =	ssyncset.done $0x0  }
0x1c2: {  	[sflag:s2] =	ssyncadd.s32 $0xFFFFFE00  }
0x1c3: {  	_ =	swait.ge [sflag:s2], $0x200  }
0x1c4: {  	[sflag:s2] =	ssyncset.done $0x0  }
0x1c5: {  	[sflag:s2] =	ssyncadd.s32 $0xFFFFFE00  }
0x1c6: {  	_ =	swait.ge [sflag:s2], $0x200  }
0x1c7: {  	[sflag:s2] =	ssyncset.done $0x0  }
0x1c8: {  	[sflag:s2] =	ssyncadd.s32 $0xFFFFFE00  }
0x1c9: {  	_ =	swait.ge [sflag:s2], $0x200  }
0x1ca: {  	[sflag:s2] =	ssyncset.done $0x0  }
0x1cb: {  	[sflag:s2] =	ssyncadd.s32 $0xFFFFFE00  }
0x1cc: {  	_ =	swait.ge [sflag:s2], $0x200  }
0x1cd: {  	[sflag:s2] =	ssyncset.done $0x0  }
0x1ce: {  	[sflag:s2] =	ssyncadd.s32 $0xFFFFFE00  }
0x1cf: {  	_ =	swait.ge [sflag:s2], $0x200  }
0x1d0: {  	[sflag:s2] =	ssyncset.done $0x0  }
0x1d1: {  	[sflag:s2] =	ssyncadd.s32 $0xFFFFFE00  }
0x1d2: {  	_ =	swait.ge [sflag:s2], $0x200  }
0x1d3: {  	[sflag:s2] =	ssyncset.done $0x0  }
0x1d4: {  	[sflag:s2] =	ssyncadd.s32 $0xFFFFFE00  }
0x1d5: {  	_ =	swait.ge [sflag:s2], $0x200  }
0x1d6: {  	[sflag:s2] =	ssyncset.done $0x0  }
0x1d7: {  	[sflag:s2] =	ssyncadd.s32 $0xFFFFFE00  }
0x1d8: {  	_ =	swait.ge [sflag:s2], $0x200  }
0x1d9: {  	s31 =	sld [smem:$0x7CB];
	_ =	sdelay $0x2  }
0x1da: {  	p1 =	sne.s32 s31, $0x1  }
.Ltmp1:
0x1db: {  	_ = 	snop;
	(pc) =	sbr.rel @!p1 .LBB2_4-.Ltmp1, $4  }
0x1dc: {  	[sflag:s2] =	ssyncset.done $0x0  }
0x1dd: {  	p0 =	por $0x1, $0x1;
	[sflag:s2] =	ssyncadd.s32 $0xFFFFFE00  }
0x1de: {  	s26 =	simm.s32 $0x2A00;
	s23 =	simm.s32 $0x3000;
	_ =	swait.ge [sflag:s2], $0x200  }
0x1df: {  	s17 =	sadd.s32 $0xFFFFFFFF, s31;
	s7 =	rddreg [dreg:$0x5];
	[sflag:s2] =	ssyncset.done $0x0  }
0x1e0: {  	s21 =	simm.s32 $0x3600;
	s20 =	simm.s32 $0x3800  }
0x1e1: {  	s14 =	simm.s32 $0x3C00;
	s16 =	simm.s32 $0x4000;
	s18 =	simm.s32 $0x4400  }
.LBB2_3:
0x1e2: {  	[sflag:s2] =	ssyncadd.s32 $0xFFFFFE00;
	s30 =	simm.s32 $0x0  }
0x1e3: {  	[tilespmem:s30], [sflag:$0x1] =	stream.strided.gather [hbm4b:s7+s4], $0x200, s5, s4, $0x38;
	[tilespmem:$0x6800] =	vst v63  }
0x1e4: {  	s8 =	rddreg [dreg:$0x6]  }
0x1e5: {  	[tilespmem:s3], [sflag:$0x1] =	stream.strided.gather [hbm4b:s8+s4], $0x200, s5, s4, $0x38;
	[tilespmem:$0x6800] =	vst v63  }
0x1e6: {  	s22 =	rddreg [dreg:$0x7]  }
0x1e7: {  	[tilespmem:s5], [sflag:$0x1] =	stream.strided.gather [hbm4b:s22+s4], $0x200, s5, s4, $0x38;
	[tilespmem:$0x6800] =	vst v63  }
0x1e8: {  	s23 =	rddreg [dreg:$0x8];
	s9 =	simm.s32 $0x600  }
0x1e9: {  	[tilespmem:s9], [sflag:$0x1] =	stream.strided.gather [hbm4b:s23+s4], $0x200, s5, s4, $0x38;
	[tilespmem:$0x6800] =	vst v63  }
0x1ea: {  	s25 =	rddreg [dreg:$0x9];
	s11 =	simm.s32 $0x800  }
0x1eb: {  	[tilespmem:s11], [sflag:$0x1] =	stream.strided.gather [hbm4b:s25+s4], $0x200, s5, s4, $0x38;
	[tilespmem:$0x6800] =	vst v63  }
0x1ec: {  	s26 =	rddreg [dreg:$0xa];
	s12 =	simm.s32 $0xA00  }
0x1ed: {  	[tilespmem:s12], [sflag:$0x1] =	stream.strided.gather [hbm4b:s26+s4], $0x200, s5, s4, $0x38;
	[tilespmem:$0x6800] =	vst v63  }
0x1ee: {  	s28 =	rddreg [dreg:$0xb];
	s10 =	simm.s32 $0xC00  }
0x1ef: {  	[tilespmem:s10], [sflag:$0x1] =	stream.strided.gather [hbm4b:s28+s4], $0x200, s5, s4, $0x38;
	[tilespmem:$0x6800] =	vst v63  }
0x1f0: {  	s29 =	rddreg [dreg:$0xc];
	s15 =	simm.s32 $0xE00  }
0x1f1: {  	[tilespmem:s15], [sflag:$0x1] =	stream.strided.gather [hbm4b:s29+s4], $0x200, s5, s4, $0x38;
	[tilespmem:$0x6800] =	vst v63  }
0x1f2: {  	s31 =	rddreg [dreg:$0xd];
	s22 =	simm.s32 $0x1000  }
0x1f3: {  	[tilespmem:s22], [sflag:$0x1] =	stream.strided.gather [hbm4b:s31+s4], $0x200, s5, s4, $0x38;
	[tilespmem:$0x6800] =	vst v63  }
0x1f4: {  	s1 =	rddreg [dreg:$0xe];
	s23 =	simm.s32 $0x1200  }
0x1f5: {  	[tilespmem:s23], [sflag:$0x1] =	stream.strided.gather [hbm4b:s1+s4], $0x200, s5, s4, $0x38;
	[tilespmem:$0x6800] =	vst v63  }
0x1f6: {  	s13 =	rddreg [dreg:$0xf];
	s25 =	simm.s32 $0x1400  }
0x1f7: {  	[tilespmem:s25], [sflag:$0x1] =	stream.strided.gather [hbm4b:s13+s4], $0x200, s5, s4, $0x38;
	[tilespmem:$0x6800] =	vst v63  }
0x1f8: {  	s26 =	rddreg [dreg:$0x10];
	s1 =	simm.s32 $0x1600  }
0x1f9: {  	[tilespmem:s1], [sflag:$0x1] =	stream.strided.gather [hbm4b:s26+s4], $0x200, s5, s4, $0x38;
	[tilespmem:$0x6800] =	vst v63  }
0x1fa: {  	s28 =	rddreg [dreg:$0x11];
	s13 =	simm.s32 $0x1800  }
0x1fb: {  	[tilespmem:s13], [sflag:$0x1] =	stream.strided.gather [hbm4b:s28+s4], $0x200, s5, s4, $0x38;
	[tilespmem:$0x6800] =	vst v63  }
0x1fc: {  	s29 =	rddreg [dreg:$0x12];
	s31 =	simm.s32 $0x1A00  }
0x1fd: {  	[tilespmem:s31], [sflag:$0x1] =	stream.strided.gather [hbm4b:s29+s4], $0x200, s5, s4, $0x38;
	[tilespmem:$0x6800] =	vst v63  }
0x1fe: {  	s26 =	rddreg [dreg:$0x13];
	s29 =	simm.s32 $0x1C00  }
0x1ff: {  	[tilespmem:s29], [sflag:$0x1] =	stream.strided.gather [hbm4b:s26+s4], $0x200, s5, s4, $0x38;
	[tilespmem:$0x6800] =	vst v63  }
0x200: {  	s28 =	rddreg [dreg:$0x14];
	s29 =	simm.s32 $0x1E00  }
0x201: {  	[tilespmem:s29], [sflag:$0x1] =	stream.strided.gather [hbm4b:s28+s4], $0x200, s5, s4, $0x38;
	[tilespmem:$0x6800] =	vst v63  }
0x202: {  	s13 =	rddreg [dreg:$0x15];
	s28 =	simm.s32 $0x2000  }
0x203: {  	[tilespmem:s28], [sflag:$0x1] =	stream.strided.gather [hbm4b:s13+s4], $0x200, s5, s4, $0x38;
	[tilespmem:$0x6800] =	vst v63  }
0x204: {  	s26 =	rddreg [dreg:$0x16];
	s28 =	simm.s32 $0x2200  }
0x205: {  	[tilespmem:s28], [sflag:$0x1] =	stream.strided.gather [hbm4b:s26+s4], $0x200, s5, s4, $0x38;
	[tilespmem:$0x6800] =	vst v63  }
0x206: {  	s1 =	rddreg [dreg:$0x17];
	s26 =	simm.s32 $0x2400  }
0x207: {  	[tilespmem:s26], [sflag:$0x1] =	stream.strided.gather [hbm4b:s1+s4], $0x200, s5, s4, $0x38;
	[tilespmem:$0x6800] =	vst v63  }
0x208: {  	s13 =	rddreg [dreg:$0x18];
	s26 =	simm.s32 $0x2600  }
0x209: {  	[tilespmem:s26], [sflag:$0x1] =	stream.strided.gather [hbm4b:s13+s4], $0x200, s5, s4, $0x38;
	[tilespmem:$0x6800] =	vst v63  }
0x20a: {  	s1 =	rddreg [dreg:$0x19];
	s13 =	simm.s32 $0x2800  }
0x20b: {  	[tilespmem:s13], [sflag:$0x1] =	stream.strided.gather [hbm4b:s1+s4], $0x200, s5, s4, $0x38;
	[tilespmem:$0x6800] =	vst v63  }
0x20c: {  	s24 =	simm.s32 $0x2A00;
	s8 =	rddreg [dreg:$0x1a]  }
0x20d: {  	[tilespmem:s24], [sflag:$0x1] =	stream.strided.gather [hbm4b:s8+s4], $0x200, s5, s4, $0x38;
	[tilespmem:$0x6800] =	vst v63  }
0x20e: {  	s7 =	rddreg [dreg:$0x1b];
	s13 =	simm.s32 $0x2C00  }
0x20f: {  	[tilespmem:s13], [sflag:$0x1] =	stream.strided.gather [hbm4b:s7+s4], $0x200, s5, s4, $0x38;
	[tilespmem:$0x6800] =	vst v63  }
0x210: {  	s8 =	rddreg [dreg:$0x1c];
	s24 =	simm.s32 $0x2E00  }
0x211: {  	[tilespmem:s24], [sflag:$0x1] =	stream.strided.gather [hbm4b:s8+s4], $0x200, s5, s4, $0x38;
	[tilespmem:$0x6800] =	vst v63  }
0x212: {  	s1 =	simm.s32 $0x3000;
	s7 =	rddreg [dreg:$0x1d]  }
0x213: {  	[tilespmem:s1], [sflag:$0x1] =	stream.strided.gather [hbm4b:s7+s4], $0x200, s5, s4, $0x38;
	[tilespmem:$0x6800] =	vst v63  }
0x214: {  	s13 =	rddreg [dreg:$0x1e];
	s24 =	simm.s32 $0x3200  }
0x215: {  	[tilespmem:s24], [sflag:$0x1] =	stream.strided.gather [hbm4b:s13+s4], $0x200, s5, s4, $0x38;
	[tilespmem:$0x6800] =	vst v63  }
0x216: {  	_ =	swait.ge [sflag:s0], $0x200  }
0x217: {  	[sflag:s0] =	ssyncset.done $0x0  }
0x218: {  	[sflag:s0] =	ssyncadd.s32 $0xFFFFFE00  }
0x219: {  	_ =	swait.ge [sflag:s0], $0x200  }
0x21a: {  	[sflag:s0] =	ssyncset.done $0x0  }
0x21b: {  	[sflag:s0] =	ssyncadd.s32 $0xFFFFFE00  }
0x21c: {  	_ =	swait.ge [sflag:s0], $0x200  }
0x21d: {  	[sflag:s0] =	ssyncset.done $0x0  }
0x21e: {  	[sflag:s0] =	ssyncadd.s32 $0xFFFFFE00  }
0x21f: {  	_ =	swait.ge [sflag:s0], $0x200  }
0x220: {  	[sflag:s0] =	ssyncset.done $0x0  }
0x221: {  	[sflag:s0] =	ssyncadd.s32 $0xFFFFFE00  }
0x222: {  	_ =	swait.ge [sflag:s0], $0x200  }
0x223: {  	[sflag:s0] =	ssyncset.done $0x0  }
0x224: {  	[sflag:s0] =	ssyncadd.s32 $0xFFFFFE00  }
0x225: {  	_ =	swait.ge [sflag:s0], $0x200  }
0x226: {  	[sflag:s0] =	ssyncset.done $0x0  }
0x227: {  	[sflag:s0] =	ssyncadd.s32 $0xFFFFFE00  }
0x228: {  	_ =	swait.ge [sflag:s0], $0x200  }
0x229: {  	[sflag:s0] =	ssyncset.done $0x0  }
0x22a: {  	[sflag:s0] =	ssyncadd.s32 $0xFFFFFE00  }
0x22b: {  	_ =	swait.ge [sflag:s0], $0x200  }
0x22c: {  	[sflag:s0] =	ssyncset.done $0x0  }
0x22d: {  	[sflag:s0] =	ssyncadd.s32 $0xFFFFFE00  }
0x22e: {  	_ =	swait.ge [sflag:s0], $0x200  }
0x22f: {  	[sflag:s0] =	ssyncset.done $0x0  }
0x230: {  	[sflag:s0] =	ssyncadd.s32 $0xFFFFFE00  }
0x231: {  	_ =	swait.ge [sflag:s0], $0x200  }
0x232: {  	[sflag:s0] =	ssyncset.done $0x0  }
0x233: {  	[sflag:s0] =	ssyncadd.s32 $0xFFFFFE00  }
0x234: {  	_ =	swait.ge [sflag:s0], $0x200  }
0x235: {  	[sflag:s0] =	ssyncset.done $0x0  }
0x236: {  	[sflag:s0] =	ssyncadd.s32 $0xFFFFFE00  }
0x237: {  	_ =	swait.ge [sflag:s0], $0x200  }
0x238: {  	[sflag:s0] =	ssyncset.done $0x0  }
0x239: {  	[sflag:s0] =	ssyncadd.s32 $0xFFFFFE00  }
0x23a: {  	_ =	swait.ge [sflag:s0], $0x200  }
0x23b: {  	[sflag:s0] =	ssyncset.done $0x0  }
0x23c: {  	[sflag:s0] =	ssyncadd.s32 $0xFFFFFE00  }
0x23d: {  	_ =	swait.ge [sflag:s0], $0x200  }
0x23e: {  	[sflag:s0] =	ssyncset.done $0x0  }
0x23f: {  	[sflag:s0] =	ssyncadd.s32 $0xFFFFFE00  }
0x240: {  	_ =	swait.ge [sflag:s0], $0x200  }
0x241: {  	[sflag:s0] =	ssyncset.done $0x0  }
0x242: {  	[sflag:s0] =	ssyncadd.s32 $0xFFFFFE00  }
0x243: {  	_ =	swait.ge [sflag:s0], $0x200  }
0x244: {  	[sflag:s0] =	ssyncset.done $0x0  }
0x245: {  	[sflag:s0] =	ssyncadd.s32 $0xFFFFFE00  }
0x246: {  	_ =	swait.ge [sflag:s0], $0x200  }
0x247: {  	[sflag:s0] =	ssyncset.done $0x0  }
0x248: {  	[sflag:s0] =	ssyncadd.s32 $0xFFFFFE00  }
0x249: {  	_ =	swait.ge [sflag:s0], $0x200  }
0x24a: {  	[sflag:s0] =	ssyncset.done $0x0  }
0x24b: {  	[sflag:s0] =	ssyncadd.s32 $0xFFFFFE00  }
0x24c: {  	_ =	swait.ge [sflag:s0], $0x200  }
0x24d: {  	[sflag:s0] =	ssyncset.done $0x0  }
0x24e: {  	[sflag:s0] =	ssyncadd.s32 $0xFFFFFE00  }
0x24f: {  	_ =	swait.ge [sflag:s0], $0x200  }
0x250: {  	[sflag:s0] =	ssyncset.done $0x0  }
0x251: {  	[sflag:s0] =	ssyncadd.s32 $0xFFFFFE00  }
0x252: {  	_ =	swait.ge [sflag:s0], $0x200  }
0x253: {  	[sflag:s0] =	ssyncset.done $0x0  }
0x254: {  	[sflag:s0] =	ssyncadd.s32 $0xFFFFFE00  }
0x255: {  	_ =	swait.ge [sflag:s0], $0x200  }
0x256: {  	[sflag:s0] =	ssyncset.done $0x0  }
0x257: {  	[sflag:s0] =	ssyncadd.s32 $0xFFFFFE00  }
0x258: {  	_ =	swait.ge [sflag:s0], $0x200  }
0x259: {  	[sflag:s0] =	ssyncset.done $0x0  }
0x25a: {  	[sflag:s0] =	ssyncadd.s32 $0xFFFFFE00  }
0x25b: {  	_ =	swait.ge [sflag:s0], $0x200  }
0x25c: {  	[sflag:s0] =	ssyncset.done $0x0  }
0x25d: {  	[sflag:s0] =	ssyncadd.s32 $0xFFFFFE00  }
0x25e: {  	_ =	swait.ge [sflag:s0], $0x200  }
0x25f: {  	[sflag:s0] =	ssyncset.done $0x0  }
0x260: {  	[sflag:s0] =	ssyncadd.s32 $0xFFFFFE00  }
0x261: {  	_ =	swait.ge [sflag:s0], $0x200  }
0x262: {  	s1 =	rddreg [dreg:$0x4];
	[sflag:s0] =	ssyncset.done $0x0  }
0x263: {  	s13 =	simm.s32 $0x3400;
	s8 =	rddreg [dreg:$0x1f];
	[sflag:s0] =	ssyncadd.s32 $0xFFFFFE00  }
0x264: {  	[tilespmem:s13], [sflag:$0x2] =	stream.indirect.gather [hbm4b:s1+s3], $0x1, s30, s3, $0xb8;
	[tilespmem:$0x6800] =	vst v63  }
0x265: {  	s30 =	sld [smem:$0x7CC]  }
0x266: {  	[tilespmem:s21], [sflag:$0x2] =	stream.indirect.gather [hbm4b:s8+s3], $0x1, s3, s3, $0xb8;
	[tilespmem:$0x6800] =	vst v63  }
0x267: {  	s8 =	sld [smem:$0x7CD]  }
0x268: {  	[tilespmem:s20], [sflag:$0x2] =	stream.indirect.gather [hbm4b:s30+s3], $0x1, s5, s3, $0xb8;
	[tilespmem:$0x6800] =	vst v63  }
0x269: {  	s7 =	sld [smem:$0x7CE];
	s30 =	simm.s32 $0x3A00  }
0x26a: {  	[tilespmem:s30], [sflag:$0x2] =	stream.indirect.gather [hbm4b:s8+s3], $0x1, s9, s3, $0xb8;
	[tilespmem:$0x6800] =	vst v63  }
0x26b: {  	s8 =	sld [smem:$0x7CF]  }
0x26c: {  	[tilespmem:s14], [sflag:$0x2] =	stream.indirect.gather [hbm4b:s7+s3], $0x1, s11, s3, $0xb8;
	[tilespmem:$0x6800] =	vst v63  }
0x26d: {  	s9 =	sld [smem:$0x7D0];
	s11 =	simm.s32 $0x3E00  }
0x26e: {  	[tilespmem:s11], [sflag:$0x2] =	stream.indirect.gather [hbm4b:s8+s3], $0x1, s12, s3, $0xb8;
	[tilespmem:$0x6800] =	vst v63  }
0x26f: {  	s8 =	sld [smem:$0x7D1]  }
0x270: {  	[tilespmem:s16], [sflag:$0x2] =	stream.indirect.gather [hbm4b:s9+s3], $0x1, s10, s3, $0xb8;
	[tilespmem:$0x6800] =	vst v63  }
0x271: {  	s12 =	simm.s32 $0x4200;
	s9 =	sld [smem:$0x7D2]  }
0x272: {  	[tilespmem:s12], [sflag:$0x2] =	stream.indirect.gather [hbm4b:s8+s3], $0x1, s15, s3, $0xb8;
	[tilespmem:$0x6800] =	vst v63  }
0x273: {  	s10 =	sld [smem:$0x7D3]  }
0x274: {  	[tilespmem:s18], [sflag:$0x2] =	stream.indirect.gather [hbm4b:s9+s3], $0x1, s22, s3, $0xb8;
	[tilespmem:$0x6800] =	vst v63  }
0x275: {  	s15 =	simm.s32 $0x4600;
	s9 =	sld [smem:$0x7D4]  }
0x276: {  	[tilespmem:s15], [sflag:$0x2] =	stream.indirect.gather [hbm4b:s10+s3], $0x1, s23, s3, $0xb8;
	[tilespmem:$0x6800] =	vst v63  }
0x277: {  	s22 =	sld [smem:$0x7D5];
	s10 =	simm.s32 $0x4800  }
0x278: {  	[tilespmem:s10], [sflag:$0x2] =	stream.indirect.gather [hbm4b:s9+s3], $0x1, s25, s3, $0xb8;
	[tilespmem:$0x6800] =	vst v63  }
0x279: {  	s7 =	sld [smem:$0x7D6];
	s23 =	simm.s32 $0x4A00;
	s25 =	simm.s32 $0x1600  }
0x27a: {  	[tilespmem:s23], [sflag:$0x2] =	stream.indirect.gather [hbm4b:s22+s3], $0x1, s25, s3, $0xb8;
	[tilespmem:$0x6800] =	vst v63  }
0x27b: {  	s8 =	sld [smem:$0x7D7];
	s22 =	simm.s32 $0x4C00;
	s23 =	simm.s32 $0x1800  }
0x27c: {  	[tilespmem:s22], [sflag:$0x2] =	stream.indirect.gather [hbm4b:s7+s3], $0x1, s23, s3, $0xb8;
	[tilespmem:$0x6800] =	vst v63  }
0x27d: {  	s25 =	simm.s32 $0x4E00;
	s7 =	sld [smem:$0x7D8]  }
0x27e: {  	[tilespmem:s25], [sflag:$0x3] =	stream.indirect.gather [hbm4b:s8+s3], $0x1, s31, s3, $0xb8;
	[tilespmem:$0x6800] =	vst v63  }
0x27f: {  	s23 =	simm.s32 $0x5000;
	s8 =	sld [smem:$0x7D9];
	s31 =	simm.s32 $0x1C00  }
0x280: {  	[tilespmem:s23], [sflag:$0x3] =	stream.indirect.gather [hbm4b:s7+s3], $0x1, s31, s3, $0xb8;
	[tilespmem:$0x6800] =	vst v63  }
0x281: {  	s7 =	sld [smem:$0x7DA];
	s31 =	simm.s32 $0x5200  }
0x282: {  	[tilespmem:s31], [sflag:$0x3] =	stream.indirect.gather [hbm4b:s8+s3], $0x1, s29, s3, $0xb8;
	[tilespmem:$0x6800] =	vst v63  }
0x283: {  	s23 =	simm.s32 $0x5400;
	s8 =	sld [smem:$0x7DB];
	s31 =	simm.s32 $0x2000  }
0x284: {  	[tilespmem:s23], [sflag:$0x3] =	stream.indirect.gather [hbm4b:s7+s3], $0x1, s31, s3, $0xb8;
	[tilespmem:$0x6800] =	vst v63  }
0x285: {  	s7 =	sld [smem:$0x7DC];
	s31 =	simm.s32 $0x5600  }
0x286: {  	[tilespmem:s31], [sflag:$0x3] =	stream.indirect.gather [hbm4b:s8+s3], $0x1, s28, s3, $0xb8;
	[tilespmem:$0x6800] =	vst v63  }
0x287: {  	s23 =	simm.s32 $0x5800;
	s8 =	sld [smem:$0x7DD];
	s31 =	simm.s32 $0x2400  }
0x288: {  	[tilespmem:s23], [sflag:$0x3] =	stream.indirect.gather [hbm4b:s7+s3], $0x1, s31, s3, $0xb8;
	[tilespmem:$0x6800] =	vst v63  }
0x289: {  	s7 =	sld [smem:$0x7DE];
	s23 =	simm.s32 $0x5A00  }
0x28a: {  	[tilespmem:s23], [sflag:$0x3] =	stream.indirect.gather [hbm4b:s8+s3], $0x1, s26, s3, $0xb8;
	[tilespmem:$0x6800] =	vst v63  }
0x28b: {  	s31 =	simm.s32 $0x2800;
	s8 =	sld [smem:$0x7DF];
	s26 =	simm.s32 $0x5C00  }
0x28c: {  	[tilespmem:s26], [sflag:$0x3] =	stream.indirect.gather [hbm4b:s7+s3], $0x1, s31, s3, $0xb8;
	[tilespmem:$0x6800] =	vst v63  }
0x28d: {  	s1 =	simm.s32 $0x2A00;
	s23 =	simm.s32 $0x5E00;
	s7 =	sld [smem:$0x7E0]  }
0x28e: {  	[tilespmem:s23], [sflag:$0x3] =	stream.indirect.gather [hbm4b:s8+s3], $0x1, s1, s3, $0xb8;
	[tilespmem:$0x6800] =	vst v63  }
0x28f: {  	s8 =	sld [smem:$0x7E1];
	s1 =	simm.s32 $0x6000;
	s23 =	simm.s32 $0x2C00  }
0x290: {  	[tilespmem:s1], [sflag:$0x3] =	stream.indirect.gather [hbm4b:s7+s3], $0x1, s23, s3, $0xb8;
	[tilespmem:$0x6800] =	vst v63  }
0x291: {  	s7 =	sld [smem:$0x7E2];
	s1 =	simm.s32 $0x6200;
	s23 =	simm.s32 $0x2E00  }
0x292: {  	[tilespmem:s1], [sflag:$0x3] =	stream.indirect.gather [hbm4b:s8+s3], $0x1, s23, s3, $0xb8;
	[tilespmem:$0x6800] =	vst v63  }
0x293: {  	s9 =	simm.s32 $0x6400;
	s8 =	sld [smem:$0x7E3];
	s1 =	simm.s32 $0x3000  }
0x294: {  	[tilespmem:s9], [sflag:$0x3] =	stream.indirect.gather [hbm4b:s7+s3], $0x1, s1, s3, $0xb8;
	[tilespmem:$0x6800] =	vst v63  }
0x295: {  	s1 =	simm.s32 $0x6600  }
0x296: {  	[tilespmem:s1], [sflag:$0x3] =	stream.indirect.gather [hbm4b:s8+s3], $0x1, s24, s3, $0xb8;
	[tilespmem:$0x6800] =	vst v63  }
0x297: {  	_ =	swait.ge [sflag:s6], $0x200  }
0x298: {  	[sflag:s6] =	ssyncset.done $0x0  }
0x299: {  	[sflag:s6] =	ssyncadd.s32 $0xFFFFFE00  }
0x29a: {  	_ =	swait.ge [sflag:s6], $0x200  }
0x29b: {  	[sflag:s6] =	ssyncset.done $0x0  }
0x29c: {  	[sflag:s6] =	ssyncadd.s32 $0xFFFFFE00  }
0x29d: {  	_ =	swait.ge [sflag:s6], $0x200  }
0x29e: {  	[sflag:s6] =	ssyncset.done $0x0  }
0x29f: {  	[sflag:s6] =	ssyncadd.s32 $0xFFFFFE00  }
0x2a0: {  	_ =	swait.ge [sflag:s6], $0x200  }
0x2a1: {  	[sflag:s6] =	ssyncset.done $0x0  }
0x2a2: {  	[sflag:s6] =	ssyncadd.s32 $0xFFFFFE00  }
0x2a3: {  	_ =	swait.ge [sflag:s6], $0x200  }
0x2a4: {  	[sflag:s6] =	ssyncset.done $0x0  }
0x2a5: {  	[sflag:s6] =	ssyncadd.s32 $0xFFFFFE00  }
0x2a6: {  	_ =	swait.ge [sflag:s6], $0x200  }
0x2a7: {  	[sflag:s6] =	ssyncset.done $0x0  }
0x2a8: {  	[sflag:s6] =	ssyncadd.s32 $0xFFFFFE00  }
0x2a9: {  	_ =	swait.ge [sflag:s6], $0x200  }
0x2aa: {  	[sflag:s6] =	ssyncset.done $0x0  }
0x2ab: {  	[sflag:s6] =	ssyncadd.s32 $0xFFFFFE00  }
0x2ac: {  	_ =	swait.ge [sflag:s6], $0x200  }
0x2ad: {  	[sflag:s6] =	ssyncset.done $0x0  }
0x2ae: {  	[sflag:s6] =	ssyncadd.s32 $0xFFFFFE00  }
0x2af: {  	_ =	swait.ge [sflag:s6], $0x200  }
0x2b0: {  	[sflag:s6] =	ssyncset.done $0x0  }
0x2b1: {  	[sflag:s6] =	ssyncadd.s32 $0xFFFFFE00  }
0x2b2: {  	_ =	swait.ge [sflag:s6], $0x200  }
0x2b3: {  	[sflag:s6] =	ssyncset.done $0x0  }
0x2b4: {  	[sflag:s6] =	ssyncadd.s32 $0xFFFFFE00  }
0x2b5: {  	_ =	swait.ge [sflag:s6], $0x200  }
0x2b6: {  	[sflag:s6] =	ssyncset.done $0x0  }
0x2b7: {  	[sflag:s6] =	ssyncadd.s32 $0xFFFFFE00  }
0x2b8: {  	_ =	swait.ge [sflag:s6], $0x200  }
0x2b9: {  	[sflag:s6] =	ssyncset.done $0x0  }
0x2ba: {  	[sflag:s6] =	ssyncadd.s32 $0xFFFFFE00  }
0x2bb: {  	_ =	swait.ge [sflag:s6], $0x200  }
0x2bc: {  	s8 =	sld [smem:$0x7E4]  }
0x2bd: {  	[sflag:s6] =	ssyncset.done $0x0  }
0x2be: {  	s9 =	sld [smem:$0x7E5];
	[sflag:s6] =	ssyncadd.s32 $0xFFFFFE00  }
0x2bf: {  	[hbm4b:s8+s4] =	stream.strided.scatter [tilespmem:s13], [sflag:$0x4], $0x200, s5, s4, $0x38;
	[tilespmem:$0x6800] =	vst v63  }
0x2c0: {  	s1 =	sld [smem:$0x7E6]  }
0x2c1: {  	[hbm4b:s9+s4] =	stream.strided.scatter [tilespmem:s21], [sflag:$0x4], $0x200, s5, s4, $0x38;
	[tilespmem:$0x6800] =	vst v63  }
0x2c2: {  	s9 =	sld [smem:$0x7E7]  }
0x2c3: {  	[hbm4b:s1+s4] =	stream.strided.scatter [tilespmem:s20], [sflag:$0x4], $0x200, s5, s4, $0x38;
	[tilespmem:$0x6800] =	vst v63  }
0x2c4: {  	s13 =	sld [smem:$0x7E8]  }
0x2c5: {  	[hbm4b:s9+s4] =	stream.strided.scatter [tilespmem:s30], [sflag:$0x4], $0x200, s5, s4, $0x38;
	[tilespmem:$0x6800] =	vst v63  }
0x2c6: {  	s30 =	sld [smem:$0x7E9]  }
0x2c7: {  	[hbm4b:s13+s4] =	stream.strided.scatter [tilespmem:s14], [sflag:$0x4], $0x200, s5, s4, $0x38;
	[tilespmem:$0x6800] =	vst v63  }
0x2c8: {  	s1 =	sld [smem:$0x7EA]  }
0x2c9: {  	[hbm4b:s30+s4] =	stream.strided.scatter [tilespmem:s11], [sflag:$0x4], $0x200, s5, s4, $0x38;
	[tilespmem:$0x6800] =	vst v63  }
0x2ca: {  	s9 =	sld [smem:$0x7EB]  }
0x2cb: {  	[hbm4b:s1+s4] =	stream.strided.scatter [tilespmem:s16], [sflag:$0x4], $0x200, s5, s4, $0x38;
	[tilespmem:$0x6800] =	vst v63  }
0x2cc: {  	s11 =	sld [smem:$0x7EC]  }
0x2cd: {  	[hbm4b:s9+s4] =	stream.strided.scatter [tilespmem:s12], [sflag:$0x4], $0x200, s5, s4, $0x38;
	[tilespmem:$0x6800] =	vst v63  }
0x2ce: {  	s12 =	sld [smem:$0x7ED]  }
0x2cf: {  	[hbm4b:s11+s4] =	stream.strided.scatter [tilespmem:s18], [sflag:$0x4], $0x200, s5, s4, $0x38;
	[tilespmem:$0x6800] =	vst v63  }
0x2d0: {  	s13 =	sld [smem:$0x7EE]  }
0x2d1: {  	[hbm4b:s12+s4] =	stream.strided.scatter [tilespmem:s15], [sflag:$0x4], $0x200, s5, s4, $0x38;
	[tilespmem:$0x6800] =	vst v63  }
0x2d2: {  	s30 =	sld [smem:$0x7EF]  }
0x2d3: {  	[hbm4b:s13+s4] =	stream.strided.scatter [tilespmem:s10], [sflag:$0x4], $0x200, s5, s4, $0x38;
	[tilespmem:$0x6800] =	vst v63  }
0x2d4: {  	s25 =	simm.s32 $0x4A00;
	s1 =	sld [smem:$0x7F0]  }
0x2d5: {  	[hbm4b:s30+s4] =	stream.strided.scatter [tilespmem:s25], [sflag:$0x4], $0x200, s5, s4, $0x38;
	[tilespmem:$0x6800] =	vst v63  }
0x2d6: {  	_ = 	snop  }
0x2d7: {  	[hbm4b:s1+s4] =	stream.strided.scatter [tilespmem:s22], [sflag:$0x4], $0x200, s5, s4, $0x38;
	[tilespmem:$0x6800] =	vst v63  }
0x2d8: {  	_ =	swait.ge [sflag:s19], $0x200  }
0x2d9: {  	[sflag:s19] =	ssyncset.done $0x0  }
0x2da: {  	[sflag:s19] =	ssyncadd.s32 $0xFFFFFE00  }
0x2db: {  	_ =	swait.ge [sflag:s19], $0x200  }
0x2dc: {  	[sflag:s19] =	ssyncset.done $0x0  }
0x2dd: {  	[sflag:s19] =	ssyncadd.s32 $0xFFFFFE00  }
0x2de: {  	_ =	swait.ge [sflag:s19], $0x200  }
0x2df: {  	[sflag:s19] =	ssyncset.done $0x0  }
0x2e0: {  	[sflag:s19] =	ssyncadd.s32 $0xFFFFFE00  }
0x2e1: {  	_ =	swait.ge [sflag:s19], $0x200  }
0x2e2: {  	[sflag:s19] =	ssyncset.done $0x0  }
0x2e3: {  	[sflag:s19] =	ssyncadd.s32 $0xFFFFFE00  }
0x2e4: {  	_ =	swait.ge [sflag:s19], $0x200  }
0x2e5: {  	[sflag:s19] =	ssyncset.done $0x0  }
0x2e6: {  	[sflag:s19] =	ssyncadd.s32 $0xFFFFFE00  }
0x2e7: {  	_ =	swait.ge [sflag:s19], $0x200  }
0x2e8: {  	[sflag:s19] =	ssyncset.done $0x0  }
0x2e9: {  	[sflag:s19] =	ssyncadd.s32 $0xFFFFFE00  }
0x2ea: {  	_ =	swait.ge [sflag:s19], $0x200  }
0x2eb: {  	[sflag:s19] =	ssyncset.done $0x0  }
0x2ec: {  	[sflag:s19] =	ssyncadd.s32 $0xFFFFFE00  }
0x2ed: {  	_ =	swait.ge [sflag:s19], $0x200  }
0x2ee: {  	[sflag:s19] =	ssyncset.done $0x0  }
0x2ef: {  	[sflag:s19] =	ssyncadd.s32 $0xFFFFFE00  }
0x2f0: {  	_ =	swait.ge [sflag:s19], $0x200  }
0x2f1: {  	[sflag:s19] =	ssyncset.done $0x0  }
0x2f2: {  	[sflag:s19] =	ssyncadd.s32 $0xFFFFFE00  }
0x2f3: {  	_ =	swait.ge [sflag:s19], $0x200  }
0x2f4: {  	[sflag:s19] =	ssyncset.done $0x0  }
0x2f5: {  	[sflag:s19] =	ssyncadd.s32 $0xFFFFFE00  }
0x2f6: {  	_ =	swait.ge [sflag:s19], $0x200  }
0x2f7: {  	[sflag:s19] =	ssyncset.done $0x0  }
0x2f8: {  	[sflag:s19] =	ssyncadd.s32 $0xFFFFFE00  }
0x2f9: {  	_ =	swait.ge [sflag:s19], $0x200  }
0x2fa: {  	[sflag:s19] =	ssyncset.done $0x0  }
0x2fb: {  	[sflag:s19] =	ssyncadd.s32 $0xFFFFFE00  }
0x2fc: {  	_ =	swait.ge [sflag:s19], $0x200  }
0x2fd: {  	s9 =	sld [smem:$0x7F1]  }
0x2fe: {  	[sflag:s19] =	ssyncset.done $0x0  }
0x2ff: {  	s11 =	simm.s32 $0x4E00;
	s10 =	sld [smem:$0x7F2];
	[sflag:s19] =	ssyncadd.s32 $0xFFFFFE00  }
0x300: {  	[hbm4b:s9+s4] =	stream.strided.scatter [tilespmem:s11], [sflag:$0x4], $0x200, s5, s4, $0x38;
	[tilespmem:$0x6800] =	vst v63  }
0x301: {  	s29 =	simm.s32 $0x5000;
	s12 =	sld [smem:$0x7F3]  }
0x302: {  	[hbm4b:s10+s4] =	stream.strided.scatter [tilespmem:s29], [sflag:$0x4], $0x200, s5, s4, $0x38;
	[tilespmem:$0x6800] =	vst v63  }
0x303: {  	s15 =	simm.s32 $0x5200;
	s13 =	sld [smem:$0x7F4]  }
0x304: {  	[hbm4b:s12+s4] =	stream.strided.scatter [tilespmem:s15], [sflag:$0x4], $0x200, s5, s4, $0x38;
	[tilespmem:$0x6800] =	vst v63  }
0x305: {  	s28 =	simm.s32 $0x5400;
	s25 =	sld [smem:$0x7F5]  }
0x306: {  	[hbm4b:s13+s4] =	stream.strided.scatter [tilespmem:s28], [sflag:$0x4], $0x200, s5, s4, $0x38;
	[tilespmem:$0x6800] =	vst v63  }
0x307: {  	s29 =	simm.s32 $0x5600;
	s28 =	sld [smem:$0x7F6]  }
0x308: {  	[hbm4b:s25+s4] =	stream.strided.scatter [tilespmem:s29], [sflag:$0x4], $0x200, s5, s4, $0x38;
	[tilespmem:$0x6800] =	vst v63  }
0x309: {  	s30 =	sld [smem:$0x7F7];
	s9 =	simm.s32 $0x5800  }
0x30a: {  	[hbm4b:s28+s4] =	stream.strided.scatter [tilespmem:s9], [sflag:$0x4], $0x200, s5, s4, $0x38;
	[tilespmem:$0x6800] =	vst v63  }
0x30b: {  	s31 =	simm.s32 $0x5A00;
	s10 =	sld [smem:$0x7F8]  }
0x30c: {  	[hbm4b:s30+s4] =	stream.strided.scatter [tilespmem:s31], [sflag:$0x4], $0x200, s5, s4, $0x38;
	[tilespmem:$0x6800] =	vst v63  }
0x30d: {  	s11 =	sld [smem:$0x7F9];
	s12 =	simm.s32 $0x5C00  }
0x30e: {  	[hbm4b:s10+s4] =	stream.strided.scatter [tilespmem:s12], [sflag:$0x4], $0x200, s5, s4, $0x38;
	[tilespmem:$0x6800] =	vst v63  }
0x30f: {  	s15 =	simm.s32 $0x5E00;
	s13 =	sld [smem:$0x7FA]  }
0x310: {  	[hbm4b:s11+s4] =	stream.strided.scatter [tilespmem:s15], [sflag:$0x4], $0x200, s5, s4, $0x38;
	[tilespmem:$0x6800] =	vst v63  }
0x311: {  	s25 =	sld [smem:$0x7FB];
	s28 =	simm.s32 $0x6000  }
0x312: {  	[hbm4b:s13+s4] =	stream.strided.scatter [tilespmem:s28], [sflag:$0x4], $0x200, s5, s4, $0x38;
	[tilespmem:$0x6800] =	vst v63  }
0x313: {  	s24 =	simm.s32 $0x6200;
	s29 =	sld [smem:$0x7FC]  }
0x314: {  	[hbm4b:s25+s4] =	stream.strided.scatter [tilespmem:s24], [sflag:$0x4], $0x200, s5, s4, $0x38;
	[tilespmem:$0x6800] =	vst v63  }
0x315: {  	s30 =	sld [smem:$0x7FD];
	s31 =	simm.s32 $0x6400  }
0x316: {  	[hbm4b:s29+s4] =	stream.strided.scatter [tilespmem:s31], [sflag:$0x4], $0x200, s5, s4, $0x38;
	[tilespmem:$0x6800] =	vst v63  }
0x317: {  	s9 =	simm.s32 $0x6600  }
0x318: {  	[hbm4b:s30+s4] =	stream.strided.scatter [tilespmem:s9], [sflag:$0x4], $0x200, s5, s4, $0x38;
	[tilespmem:$0x6800] =	vst v63  }
0x319: {  	_ =	swait.ge [sflag:s2], $0x200  }
0x31a: {  	[sflag:s2] =	ssyncset.done $0x0  }
0x31b: {  	[sflag:s2] =	ssyncadd.s32 $0xFFFFFE00  }
0x31c: {  	_ =	swait.ge [sflag:s2], $0x200  }
0x31d: {  	[sflag:s2] =	ssyncset.done $0x0  }
0x31e: {  	[sflag:s2] =	ssyncadd.s32 $0xFFFFFE00  }
0x31f: {  	_ =	swait.ge [sflag:s2], $0x200  }
0x320: {  	[sflag:s2] =	ssyncset.done $0x0  }
0x321: {  	[sflag:s2] =	ssyncadd.s32 $0xFFFFFE00  }
0x322: {  	_ =	swait.ge [sflag:s2], $0x200  }
0x323: {  	[sflag:s2] =	ssyncset.done $0x0  }
0x324: {  	[sflag:s2] =	ssyncadd.s32 $0xFFFFFE00  }
0x325: {  	_ =	swait.ge [sflag:s2], $0x200  }
0x326: {  	[sflag:s2] =	ssyncset.done $0x0  }
0x327: {  	[sflag:s2] =	ssyncadd.s32 $0xFFFFFE00  }
0x328: {  	_ =	swait.ge [sflag:s2], $0x200  }
0x329: {  	[sflag:s2] =	ssyncset.done $0x0  }
0x32a: {  	[sflag:s2] =	ssyncadd.s32 $0xFFFFFE00  }
0x32b: {  	_ =	swait.ge [sflag:s2], $0x200  }
0x32c: {  	[sflag:s2] =	ssyncset.done $0x0  }
0x32d: {  	[sflag:s2] =	ssyncadd.s32 $0xFFFFFE00  }
0x32e: {  	_ =	swait.ge [sflag:s2], $0x200  }
0x32f: {  	[sflag:s2] =	ssyncset.done $0x0  }
0x330: {  	[sflag:s2] =	ssyncadd.s32 $0xFFFFFE00  }
0x331: {  	_ =	swait.ge [sflag:s2], $0x200  }
0x332: {  	[sflag:s2] =	ssyncset.done $0x0  }
0x333: {  	[sflag:s2] =	ssyncadd.s32 $0xFFFFFE00  }
0x334: {  	_ =	swait.ge [sflag:s2], $0x200  }
0x335: {  	[sflag:s2] =	ssyncset.done $0x0  }
0x336: {  	[sflag:s2] =	ssyncadd.s32 $0xFFFFFE00  }
0x337: {  	_ =	swait.ge [sflag:s2], $0x200  }
0x338: {  	[sflag:s2] =	ssyncset.done $0x0  }
0x339: {  	[sflag:s2] =	ssyncadd.s32 $0xFFFFFE00  }
0x33a: {  	_ =	swait.ge [sflag:s2], $0x200  }
0x33b: {  	[sflag:s2] =	ssyncset.done $0x0  }
0x33c: {  	[sflag:s2] =	ssyncadd.s32 $0xFFFFFE00  }
0x33d: {  	_ =	swait.ge [sflag:s2], $0x200  }
0x33e: {  	[sflag:s2] =	ssyncset.done $0x0  }
0x33f: {  	[sflag:s2] =	ssyncadd.s32 $0xFFFFFE00  }
0x340: {  	_ =	swait.ge [sflag:s2], $0x200  }
0x341: {  	[sflag:s2] =	ssyncset.done $0x0  }
0x342: {  	[sflag:s2] =	ssyncadd.s32 $0xFFFFFE00  }
0x343: {  	_ =	swait.ge [sflag:s2], $0x200  }
0x344: {  	[sflag:s2] =	ssyncset.done $0x0  }
0x345: {  	[sflag:s2] =	ssyncadd.s32 $0xFFFFFE00  }
0x346: {  	_ =	swait.ge [sflag:s2], $0x200  }
0x347: {  	[sflag:s2] =	ssyncset.done $0x0  }
0x348: {  	[sflag:s2] =	ssyncadd.s32 $0xFFFFFE00  }
0x349: {  	_ =	swait.ge [sflag:s2], $0x200  }
0x34a: {  	[sflag:s2] =	ssyncset.done $0x0  }
0x34b: {  	[sflag:s2] =	ssyncadd.s32 $0xFFFFFE00  }
0x34c: {  	_ =	swait.ge [sflag:s2], $0x200  }
0x34d: {  	[sflag:s2] =	ssyncset.done $0x0  }
0x34e: {  	[sflag:s2] =	ssyncadd.s32 $0xFFFFFE00  }
0x34f: {  	_ =	swait.ge [sflag:s2], $0x200  }
0x350: {  	[sflag:s2] =	ssyncset.done $0x0  }
0x351: {  	[sflag:s2] =	ssyncadd.s32 $0xFFFFFE00  }
0x352: {  	_ =	swait.ge [sflag:s2], $0x200  }
0x353: {  	[sflag:s2] =	ssyncset.done $0x0  }
0x354: {  	[sflag:s2] =	ssyncadd.s32 $0xFFFFFE00  }
0x355: {  	_ =	swait.ge [sflag:s2], $0x200  }
0x356: {  	[sflag:s2] =	ssyncset.done $0x0  }
0x357: {  	[sflag:s2] =	ssyncadd.s32 $0xFFFFFE00  }
0x358: {  	_ =	swait.ge [sflag:s2], $0x200  }
0x359: {  	[sflag:s2] =	ssyncset.done $0x0  }
0x35a: {  	[sflag:s2] =	ssyncadd.s32 $0xFFFFFE00  }
0x35b: {  	_ =	swait.ge [sflag:s2], $0x200  }
0x35c: {  	[sflag:s2] =	ssyncset.done $0x0  }
0x35d: {  	[sflag:s2] =	ssyncadd.s32 $0xFFFFFE00  }
0x35e: {  	_ =	swait.ge [sflag:s2], $0x200  }
0x35f: {  	[sflag:s2] =	ssyncset.done $0x0  }
0x360: {  	p1 =	sne.s32 s17, $0x1;
	[sflag:s2] =	ssyncadd.s32 $0xFFFFFE00  }
.Ltmp2:
0x361: {  	_ =	swait.ge [sflag:s2], $0x200;
	(pc) =	sbr.rel @p1 .LBB2_3-.Ltmp2, $4  }
0x362: {  	[sflag:s2] =	ssyncset.done $0x0  }
0x363: {  	[sflag:s2] =	ssyncadd.s32 $0xFFFFFE00  }
0x364: {  	s17 =	sadd.s32 $0xFFFFFFFF, s17;
	s26 =	simm.s32 $0x2A00;
	_ =	swait.ge [sflag:s2], $0x200  }
0x365: {  	s23 =	simm.s32 $0x3000;
	s7 =	rddreg [dreg:$0x5];
	[sflag:s2] =	ssyncset.done $0x0  }
.LBB2_4:
0x366: {  	[sflag:s2] =	ssyncadd.s32 @p0 $0xFFFFFE00;
	s12 =	simm.s32 $0x0  }
0x367: {  	[tilespmem:s12], [sflag:$0x1] =	stream.strided.gather [hbm4b:s7+s4], $0x200, s5, s4, $0x38;
	[tilespmem:$0x6800] =	vst v63  }
0x368: {  	s1 =	rddreg [dreg:$0x6]  }
0x369: {  	[tilespmem:s3], [sflag:$0x1] =	stream.strided.gather [hbm4b:s1+s4], $0x200, s5, s4, $0x38;
	[tilespmem:$0x6800] =	vst v63  }
0x36a: {  	s8 =	rddreg [dreg:$0x7]  }
0x36b: {  	[tilespmem:s5], [sflag:$0x1] =	stream.strided.gather [hbm4b:s8+s4], $0x200, s5, s4, $0x38;
	[tilespmem:$0x6800] =	vst v63  }
0x36c: {  	s10 =	rddreg [dreg:$0x8];
	s8 =	simm.s32 $0x600  }
0x36d: {  	[tilespmem:s8], [sflag:$0x1] =	stream.strided.gather [hbm4b:s10+s4], $0x200, s5, s4, $0x38;
	[tilespmem:$0x6800] =	vst v63  }
0x36e: {  	s11 =	rddreg [dreg:$0x9];
	s16 =	simm.s32 $0x800  }
0x36f: {  	[tilespmem:s16], [sflag:$0x1] =	stream.strided.gather [hbm4b:s11+s4], $0x200, s5, s4, $0x38;
	[tilespmem:$0x6800] =	vst v63  }
0x370: {  	s13 =	rddreg [dreg:$0xa];
	s17 =	simm.s32 $0xA00  }
0x371: {  	[tilespmem:s17], [sflag:$0x1] =	stream.strided.gather [hbm4b:s13+s4], $0x200, s5, s4, $0x38;
	[tilespmem:$0x6800] =	vst v63  }
0x372: {  	s14 =	rddreg [dreg:$0xb];
	s11 =	simm.s32 $0xC00  }
0x373: {  	[tilespmem:s11], [sflag:$0x1] =	stream.strided.gather [hbm4b:s14+s4], $0x200, s5, s4, $0x38;
	[tilespmem:$0x6800] =	vst v63  }
0x374: {  	s15 =	rddreg [dreg:$0xc];
	s10 =	simm.s32 $0xE00  }
0x375: {  	[tilespmem:s10], [sflag:$0x1] =	stream.strided.gather [hbm4b:s15+s4], $0x200, s5, s4, $0x38;
	[tilespmem:$0x6800] =	vst v63  }
0x376: {  	s18 =	rddreg [dreg:$0xd];
	s13 =	simm.s32 $0x1000  }
0x377: {  	[tilespmem:s13], [sflag:$0x1] =	stream.strided.gather [hbm4b:s18+s4], $0x200, s5, s4, $0x38;
	[tilespmem:$0x6800] =	vst v63  }
0x378: {  	s20 =	rddreg [dreg:$0xe];
	s25 =	simm.s32 $0x1200  }
0x379: {  	[tilespmem:s25], [sflag:$0x1] =	stream.strided.gather [hbm4b:s20+s4], $0x200, s5, s4, $0x38;
	[tilespmem:$0x6800] =	vst v63  }
0x37a: {  	s21 =	rddreg [dreg:$0xf];
	s29 =	simm.s32 $0x1400  }
0x37b: {  	[tilespmem:s29], [sflag:$0x1] =	stream.strided.gather [hbm4b:s21+s4], $0x200, s5, s4, $0x38;
	[tilespmem:$0x6800] =	vst v63  }
0x37c: {  	s28 =	rddreg [dreg:$0x10];
	s31 =	simm.s32 $0x1600  }
0x37d: {  	[tilespmem:s31], [sflag:$0x1] =	stream.strided.gather [hbm4b:s28+s4], $0x200, s5, s4, $0x38;
	[tilespmem:$0x6800] =	vst v63  }
0x37e: {  	s30 =	rddreg [dreg:$0x11];
	s15 =	simm.s32 $0x1800  }
0x37f: {  	[tilespmem:s15], [sflag:$0x1] =	stream.strided.gather [hbm4b:s30+s4], $0x200, s5, s4, $0x38;
	[tilespmem:$0x6800] =	vst v63  }
0x380: {  	s14 =	rddreg [dreg:$0x12];
	s20 =	simm.s32 $0x1A00  }
0x381: {  	[tilespmem:s20], [sflag:$0x1] =	stream.strided.gather [hbm4b:s14+s4], $0x200, s5, s4, $0x38;
	[tilespmem:$0x6800] =	vst v63  }
0x382: {  	s18 =	rddreg [dreg:$0x13];
	s25 =	simm.s32 $0x1C00  }
0x383: {  	[tilespmem:s25], [sflag:$0x1] =	stream.strided.gather [hbm4b:s18+s4], $0x200, s5, s4, $0x38;
	[tilespmem:$0x6800] =	vst v63  }
0x384: {  	s21 =	rddreg [dreg:$0x14];
	s29 =	simm.s32 $0x1E00  }
0x385: {  	[tilespmem:s29], [sflag:$0x1] =	stream.strided.gather [hbm4b:s21+s4], $0x200, s5, s4, $0x38;
	[tilespmem:$0x6800] =	vst v63  }
0x386: {  	s28 =	rddreg [dreg:$0x15];
	s14 =	simm.s32 $0x2000  }
0x387: {  	[tilespmem:s14], [sflag:$0x1] =	stream.strided.gather [hbm4b:s28+s4], $0x200, s5, s4, $0x38;
	[tilespmem:$0x6800] =	vst v63  }
0x388: {  	s30 =	rddreg [dreg:$0x16];
	s15 =	simm.s32 $0x2200  }
0x389: {  	[tilespmem:s15], [sflag:$0x1] =	stream.strided.gather [hbm4b:s30+s4], $0x200, s5, s4, $0x38;
	[tilespmem:$0x6800] =	vst v63  }
0x38a: {  	s31 =	rddreg [dreg:$0x17];
	s18 =	simm.s32 $0x2400  }
0x38b: {  	[tilespmem:s18], [sflag:$0x1] =	stream.strided.gather [hbm4b:s31+s4], $0x200, s5, s4, $0x38;
	[tilespmem:$0x6800] =	vst v63  }
0x38c: {  	s13 =	rddreg [dreg:$0x18];
	s28 =	simm.s32 $0x2600  }
0x38d: {  	[tilespmem:s28], [sflag:$0x1] =	stream.strided.gather [hbm4b:s13+s4], $0x200, s5, s4, $0x38;
	[tilespmem:$0x6800] =	vst v63  }
0x38e: {  	s21 =	rddreg [dreg:$0x19];
	s31 =	simm.s32 $0x2800  }
0x38f: {  	[tilespmem:s31], [sflag:$0x1] =	stream.strided.gather [hbm4b:s21+s4], $0x200, s5, s4, $0x38;
	[tilespmem:$0x6800] =	vst v63  }
0x390: {  	s25 =	rddreg [dreg:$0x1a]  }
0x391: {  	[tilespmem:s26], [sflag:$0x1] =	stream.strided.gather [hbm4b:s25+s4], $0x200, s5, s4, $0x38;
	[tilespmem:$0x6800] =	vst v63  }
0x392: {  	s29 =	rddreg [dreg:$0x1b];
	s21 =	simm.s32 $0x2C00  }
0x393: {  	[tilespmem:s21], [sflag:$0x1] =	stream.strided.gather [hbm4b:s29+s4], $0x200, s5, s4, $0x38;
	[tilespmem:$0x6800] =	vst v63  }
0x394: {  	s30 =	rddreg [dreg:$0x1c];
	s26 =	simm.s32 $0x2E00  }
0x395: {  	[tilespmem:s26], [sflag:$0x1] =	stream.strided.gather [hbm4b:s30+s4], $0x200, s5, s4, $0x38;
	[tilespmem:$0x6800] =	vst v63  }
0x396: {  	s25 =	rddreg [dreg:$0x1d]  }
0x397: {  	[tilespmem:s23], [sflag:$0x1] =	stream.strided.gather [hbm4b:s25+s4], $0x200, s5, s4, $0x38;
	[tilespmem:$0x6800] =	vst v63  }
0x398: {  	s29 =	rddreg [dreg:$0x1e];
	s30 =	simm.s32 $0x3200  }
0x399: {  	[tilespmem:s30], [sflag:$0x1] =	stream.strided.gather [hbm4b:s29+s4], $0x200, s5, s4, $0x38;
	[tilespmem:$0x6800] =	vst v63  }
0x39a: {  	_ =	swait.ge [sflag:s0], $0x200  }
0x39b: {  	[sflag:s0] =	ssyncset.done $0x0  }
0x39c: {  	[sflag:s0] =	ssyncadd.s32 $0xFFFFFE00  }
0x39d: {  	_ =	swait.ge [sflag:s0], $0x200  }
0x39e: {  	[sflag:s0] =	ssyncset.done $0x0  }
0x39f: {  	[sflag:s0] =	ssyncadd.s32 $0xFFFFFE00  }
0x3a0: {  	_ =	swait.ge [sflag:s0], $0x200  }
0x3a1: {  	[sflag:s0] =	ssyncset.done $0x0  }
0x3a2: {  	[sflag:s0] =	ssyncadd.s32 $0xFFFFFE00  }
0x3a3: {  	_ =	swait.ge [sflag:s0], $0x200  }
0x3a4: {  	[sflag:s0] =	ssyncset.done $0x0  }
0x3a5: {  	[sflag:s0] =	ssyncadd.s32 $0xFFFFFE00  }
0x3a6: {  	_ =	swait.ge [sflag:s0], $0x200  }
0x3a7: {  	[sflag:s0] =	ssyncset.done $0x0  }
0x3a8: {  	[sflag:s0] =	ssyncadd.s32 $0xFFFFFE00  }
0x3a9: {  	_ =	swait.ge [sflag:s0], $0x200  }
0x3aa: {  	[sflag:s0] =	ssyncset.done $0x0  }
0x3ab: {  	[sflag:s0] =	ssyncadd.s32 $0xFFFFFE00  }
0x3ac: {  	_ =	swait.ge [sflag:s0], $0x200  }
0x3ad: {  	[sflag:s0] =	ssyncset.done $0x0  }
0x3ae: {  	[sflag:s0] =	ssyncadd.s32 $0xFFFFFE00  }
0x3af: {  	_ =	swait.ge [sflag:s0], $0x200  }
0x3b0: {  	[sflag:s0] =	ssyncset.done $0x0  }
0x3b1: {  	[sflag:s0] =	ssyncadd.s32 $0xFFFFFE00  }
0x3b2: {  	_ =	swait.ge [sflag:s0], $0x200  }
0x3b3: {  	[sflag:s0] =	ssyncset.done $0x0  }
0x3b4: {  	[sflag:s0] =	ssyncadd.s32 $0xFFFFFE00  }
0x3b5: {  	_ =	swait.ge [sflag:s0], $0x200  }
0x3b6: {  	[sflag:s0] =	ssyncset.done $0x0  }
0x3b7: {  	[sflag:s0] =	ssyncadd.s32 $0xFFFFFE00  }
0x3b8: {  	_ =	swait.ge [sflag:s0], $0x200  }
0x3b9: {  	[sflag:s0] =	ssyncset.done $0x0  }
0x3ba: {  	[sflag:s0] =	ssyncadd.s32 $0xFFFFFE00  }
0x3bb: {  	_ =	swait.ge [sflag:s0], $0x200  }
0x3bc: {  	[sflag:s0] =	ssyncset.done $0x0  }
0x3bd: {  	[sflag:s0] =	ssyncadd.s32 $0xFFFFFE00  }
0x3be: {  	_ =	swait.ge [sflag:s0], $0x200  }
0x3bf: {  	[sflag:s0] =	ssyncset.done $0x0  }
0x3c0: {  	[sflag:s0] =	ssyncadd.s32 $0xFFFFFE00  }
0x3c1: {  	_ =	swait.ge [sflag:s0], $0x200  }
0x3c2: {  	[sflag:s0] =	ssyncset.done $0x0  }
0x3c3: {  	[sflag:s0] =	ssyncadd.s32 $0xFFFFFE00  }
0x3c4: {  	_ =	swait.ge [sflag:s0], $0x200  }
0x3c5: {  	[sflag:s0] =	ssyncset.done $0x0  }
0x3c6: {  	[sflag:s0] =	ssyncadd.s32 $0xFFFFFE00  }
0x3c7: {  	_ =	swait.ge [sflag:s0], $0x200  }
0x3c8: {  	[sflag:s0] =	ssyncset.done $0x0  }
0x3c9: {  	[sflag:s0] =	ssyncadd.s32 $0xFFFFFE00  }
0x3ca: {  	_ =	swait.ge [sflag:s0], $0x200  }
0x3cb: {  	[sflag:s0] =	ssyncset.done $0x0  }
0x3cc: {  	[sflag:s0] =	ssyncadd.s32 $0xFFFFFE00  }
0x3cd: {  	_ =	swait.ge [sflag:s0], $0x200  }
0x3ce: {  	[sflag:s0] =	ssyncset.done $0x0  }
0x3cf: {  	[sflag:s0] =	ssyncadd.s32 $0xFFFFFE00  }
0x3d0: {  	_ =	swait.ge [sflag:s0], $0x200  }
0x3d1: {  	[sflag:s0] =	ssyncset.done $0x0  }
0x3d2: {  	[sflag:s0] =	ssyncadd.s32 $0xFFFFFE00  }
0x3d3: {  	_ =	swait.ge [sflag:s0], $0x200  }
0x3d4: {  	[sflag:s0] =	ssyncset.done $0x0  }
0x3d5: {  	[sflag:s0] =	ssyncadd.s32 $0xFFFFFE00  }
0x3d6: {  	_ =	swait.ge [sflag:s0], $0x200  }
0x3d7: {  	[sflag:s0] =	ssyncset.done $0x0  }
0x3d8: {  	[sflag:s0] =	ssyncadd.s32 $0xFFFFFE00  }
0x3d9: {  	_ =	swait.ge [sflag:s0], $0x200  }
0x3da: {  	[sflag:s0] =	ssyncset.done $0x0  }
0x3db: {  	[sflag:s0] =	ssyncadd.s32 $0xFFFFFE00  }
0x3dc: {  	_ =	swait.ge [sflag:s0], $0x200  }
0x3dd: {  	[sflag:s0] =	ssyncset.done $0x0  }
0x3de: {  	[sflag:s0] =	ssyncadd.s32 $0xFFFFFE00  }
0x3df: {  	_ =	swait.ge [sflag:s0], $0x200  }
0x3e0: {  	[sflag:s0] =	ssyncset.done $0x0  }
0x3e1: {  	[sflag:s0] =	ssyncadd.s32 $0xFFFFFE00  }
0x3e2: {  	_ =	swait.ge [sflag:s0], $0x200  }
0x3e3: {  	[sflag:s0] =	ssyncset.done $0x0  }
0x3e4: {  	[sflag:s0] =	ssyncadd.s32 $0xFFFFFE00  }
0x3e5: {  	_ =	swait.ge [sflag:s0], $0x200  }
0x3e6: {  	s13 =	rddreg [dreg:$0x4];
	[sflag:s0] =	ssyncset.done $0x0  }
0x3e7: {  	s23 =	simm.s32 $0x3400;
	s21 =	rddreg [dreg:$0x1f];
	[sflag:s0] =	ssyncadd.s32 $0xFFFFFE00  }
0x3e8: {  	[tilespmem:s23], [sflag:$0x2] =	stream.indirect.gather [hbm4b:s13+s3], $0x1, s12, s3, $0xb8;
	[tilespmem:$0x6800] =	vst v63  }
0x3e9: {  	s26 =	simm.s32 $0x3600;
	s25 =	sld [smem:$0x7CC]  }
0x3ea: {  	[tilespmem:s26], [sflag:$0x2] =	stream.indirect.gather [hbm4b:s21+s3], $0x1, s3, s3, $0xb8;
	[tilespmem:$0x6800] =	vst v63  }
0x3eb: {  	s30 =	simm.s32 $0x3800;
	s29 =	sld [smem:$0x7CD]  }
0x3ec: {  	[tilespmem:s30], [sflag:$0x2] =	stream.indirect.gather [hbm4b:s25+s3], $0x1, s5, s3, $0xb8;
	[tilespmem:$0x6800] =	vst v63  }
0x3ed: {  	s7 =	sld [smem:$0x7CE];
	s21 =	simm.s32 $0x3A00  }
0x3ee: {  	[tilespmem:s21], [sflag:$0x2] =	stream.indirect.gather [hbm4b:s29+s3], $0x1, s8, s3, $0xb8;
	[tilespmem:$0x6800] =	vst v63  }
0x3ef: {  	s12 =	sld [smem:$0x7CF];
	s30 =	simm.s32 $0x3C00  }
0x3f0: {  	[tilespmem:s30], [sflag:$0x2] =	stream.indirect.gather [hbm4b:s7+s3], $0x1, s16, s3, $0xb8;
	[tilespmem:$0x6800] =	vst v63  }
0x3f1: {  	s13 =	sld [smem:$0x7D0];
	s16 =	simm.s32 $0x3E00  }
0x3f2: {  	[tilespmem:s16], [sflag:$0x2] =	stream.indirect.gather [hbm4b:s12+s3], $0x1, s17, s3, $0xb8;
	[tilespmem:$0x6800] =	vst v63  }
0x3f3: {  	s29 =	simm.s32 $0x4000;
	s17 =	sld [smem:$0x7D1]  }
0x3f4: {  	[tilespmem:s29], [sflag:$0x2] =	stream.indirect.gather [hbm4b:s13+s3], $0x1, s11, s3, $0xb8;
	[tilespmem:$0x6800] =	vst v63  }
0x3f5: {  	s23 =	sld [smem:$0x7D2];
	s11 =	simm.s32 $0x4200  }
0x3f6: {  	[tilespmem:s11], [sflag:$0x2] =	stream.indirect.gather [hbm4b:s17+s3], $0x1, s10, s3, $0xb8;
	[tilespmem:$0x6800] =	vst v63  }
0x3f7: {  	s26 =	sld [smem:$0x7D3];
	s25 =	simm.s32 $0x4400;
	s10 =	simm.s32 $0x1000  }
0x3f8: {  	[tilespmem:s25], [sflag:$0x2] =	stream.indirect.gather [hbm4b:s23+s3], $0x1, s10, s3, $0xb8;
	[tilespmem:$0x6800] =	vst v63  }
0x3f9: {  	s1 =	sld [smem:$0x7D4];
	s12 =	simm.s32 $0x1200;
	s23 =	simm.s32 $0x4600  }
0x3fa: {  	[tilespmem:s23], [sflag:$0x2] =	stream.indirect.gather [hbm4b:s26+s3], $0x1, s12, s3, $0xb8;
	[tilespmem:$0x6800] =	vst v63  }
0x3fb: {  	s13 =	sld [smem:$0x7D5];
	s17 =	simm.s32 $0x4800;
	s26 =	simm.s32 $0x1400  }
0x3fc: {  	[tilespmem:s17], [sflag:$0x2] =	stream.indirect.gather [hbm4b:s1+s3], $0x1, s26, s3, $0xb8;
	[tilespmem:$0x6800] =	vst v63  }
0x3fd: {  	s12 =	simm.s32 $0x1600;
	s1 =	sld [smem:$0x7D6];
	s26 =	simm.s32 $0x4A00  }
0x3fe: {  	[tilespmem:s26], [sflag:$0x2] =	stream.indirect.gather [hbm4b:s13+s3], $0x1, s12, s3, $0xb8;
	[tilespmem:$0x6800] =	vst v63  }
0x3ff: {  	s17 =	simm.s32 $0x1800;
	s13 =	sld [smem:$0x7D7]  }
0x400: {  	[tilespmem:s22], [sflag:$0x2] =	stream.indirect.gather [hbm4b:s1+s3], $0x1, s17, s3, $0xb8;
	[tilespmem:$0x6800] =	vst v63  }
0x401: {  	s10 =	sld [smem:$0x7D8];
	s17 =	simm.s32 $0x4E00  }
0x402: {  	[tilespmem:s17], [sflag:$0x3] =	stream.indirect.gather [hbm4b:s13+s3], $0x1, s20, s3, $0xb8;
	[tilespmem:$0x6800] =	vst v63  }
0x403: {  	s0 =	sld [smem:$0x7D9];
	s12 =	simm.s32 $0x1C00;
	s20 =	simm.s32 $0x5000  }
0x404: {  	[tilespmem:s20], [sflag:$0x3] =	stream.indirect.gather [hbm4b:s10+s3], $0x1, s12, s3, $0xb8;
	[tilespmem:$0x6800] =	vst v63  }
0x405: {  	s1 =	sld [smem:$0x7DA];
	s13 =	simm.s32 $0x1E00;
	s10 =	simm.s32 $0x5200  }
0x406: {  	[tilespmem:s10], [sflag:$0x3] =	stream.indirect.gather [hbm4b:s0+s3], $0x1, s13, s3, $0xb8;
	[tilespmem:$0x6800] =	vst v63  }
0x407: {  	s0 =	sld [smem:$0x7DB];
	s13 =	simm.s32 $0x5400  }
0x408: {  	[tilespmem:s13], [sflag:$0x3] =	stream.indirect.gather [hbm4b:s1+s3], $0x1, s14, s3, $0xb8;
	[tilespmem:$0x6800] =	vst v63  }
0x409: {  	s12 =	sld [smem:$0x7DC];
	s14 =	simm.s32 $0x5600  }
0x40a: {  	[tilespmem:s14], [sflag:$0x3] =	stream.indirect.gather [hbm4b:s0+s3], $0x1, s15, s3, $0xb8;
	[tilespmem:$0x6800] =	vst v63  }
0x40b: {  	s0 =	sld [smem:$0x7DD];
	s15 =	simm.s32 $0x5800  }
0x40c: {  	[tilespmem:s15], [sflag:$0x3] =	stream.indirect.gather [hbm4b:s12+s3], $0x1, s18, s3, $0xb8;
	[tilespmem:$0x6800] =	vst v63  }
0x40d: {  	s12 =	sld [smem:$0x7DE];
	s18 =	simm.s32 $0x5A00  }
0x40e: {  	[tilespmem:s18], [sflag:$0x3] =	stream.indirect.gather [hbm4b:s0+s3], $0x1, s28, s3, $0xb8;
	[tilespmem:$0x6800] =	vst v63  }
0x40f: {  	s0 =	sld [smem:$0x7DF];
	s28 =	simm.s32 $0x5C00  }
0x410: {  	[tilespmem:s28], [sflag:$0x3] =	stream.indirect.gather [hbm4b:s12+s3], $0x1, s31, s3, $0xb8;
	[tilespmem:$0x6800] =	vst v63  }
0x411: {  	s8 =	simm.s32 $0x2A00;
	s1 =	sld [smem:$0x7E0];
	s12 =	simm.s32 $0x5E00  }
0x412: {  	[tilespmem:s12], [sflag:$0x3] =	stream.indirect.gather [hbm4b:s0+s3], $0x1, s8, s3, $0xb8;
	[tilespmem:$0x6800] =	vst v63  }
0x413: {  	s31 =	simm.s32 $0x2C00;
	s0 =	sld [smem:$0x7E1];
	s8 =	simm.s32 $0x6000  }
0x414: {  	[tilespmem:s8], [sflag:$0x3] =	stream.indirect.gather [hbm4b:s1+s3], $0x1, s31, s3, $0xb8;
	[tilespmem:$0x6800] =	vst v63  }
0x415: {  	s1 =	sld [smem:$0x7E2];
	s31 =	simm.s32 $0x2E00  }
0x416: {  	[tilespmem:s24], [sflag:$0x3] =	stream.indirect.gather [hbm4b:s0+s3], $0x1, s31, s3, $0xb8;
	[tilespmem:$0x6800] =	vst v63  }
0x417: {  	s7 =	simm.s32 $0x3000;
	s0 =	sld [smem:$0x7E3];
	s31 =	simm.s32 $0x6400  }
0x418: {  	[tilespmem:s31], [sflag:$0x3] =	stream.indirect.gather [hbm4b:s1+s3], $0x1, s7, s3, $0xb8;
	[tilespmem:$0x6800] =	vst v63  }
0x419: {  	s7 =	simm.s32 $0x3200  }
0x41a: {  	[tilespmem:s9], [sflag:$0x3] =	stream.indirect.gather [hbm4b:s0+s3], $0x1, s7, s3, $0xb8;
	[tilespmem:$0x6800] =	vst v63  }
0x41b: {  	_ =	swait.ge [sflag:s6], $0x200  }
0x41c: {  	[sflag:s6] =	ssyncset.done $0x0  }
0x41d: {  	[sflag:s6] =	ssyncadd.s32 $0xFFFFFE00  }
0x41e: {  	_ =	swait.ge [sflag:s6], $0x200  }
0x41f: {  	[sflag:s6] =	ssyncset.done $0x0  }
0x420: {  	[sflag:s6] =	ssyncadd.s32 $0xFFFFFE00  }
0x421: {  	_ =	swait.ge [sflag:s6], $0x200  }
0x422: {  	[sflag:s6] =	ssyncset.done $0x0  }
0x423: {  	[sflag:s6] =	ssyncadd.s32 $0xFFFFFE00  }
0x424: {  	_ =	swait.ge [sflag:s6], $0x200  }
0x425: {  	[sflag:s6] =	ssyncset.done $0x0  }
0x426: {  	[sflag:s6] =	ssyncadd.s32 $0xFFFFFE00  }
0x427: {  	_ =	swait.ge [sflag:s6], $0x200  }
0x428: {  	[sflag:s6] =	ssyncset.done $0x0  }
0x429: {  	[sflag:s6] =	ssyncadd.s32 $0xFFFFFE00  }
0x42a: {  	_ =	swait.ge [sflag:s6], $0x200  }
0x42b: {  	[sflag:s6] =	ssyncset.done $0x0  }
0x42c: {  	[sflag:s6] =	ssyncadd.s32 $0xFFFFFE00  }
0x42d: {  	_ =	swait.ge [sflag:s6], $0x200  }
0x42e: {  	[sflag:s6] =	ssyncset.done $0x0  }
0x42f: {  	[sflag:s6] =	ssyncadd.s32 $0xFFFFFE00  }
0x430: {  	_ =	swait.ge [sflag:s6], $0x200  }
0x431: {  	[sflag:s6] =	ssyncset.done $0x0  }
0x432: {  	[sflag:s6] =	ssyncadd.s32 $0xFFFFFE00  }
0x433: {  	_ =	swait.ge [sflag:s6], $0x200  }
0x434: {  	[sflag:s6] =	ssyncset.done $0x0  }
0x435: {  	[sflag:s6] =	ssyncadd.s32 $0xFFFFFE00  }
0x436: {  	_ =	swait.ge [sflag:s6], $0x200  }
0x437: {  	[sflag:s6] =	ssyncset.done $0x0  }
0x438: {  	[sflag:s6] =	ssyncadd.s32 $0xFFFFFE00  }
0x439: {  	_ =	swait.ge [sflag:s6], $0x200  }
0x43a: {  	[sflag:s6] =	ssyncset.done $0x0  }
0x43b: {  	[sflag:s6] =	ssyncadd.s32 $0xFFFFFE00  }
0x43c: {  	_ =	swait.ge [sflag:s6], $0x200  }
0x43d: {  	[sflag:s6] =	ssyncset.done $0x0  }
0x43e: {  	[sflag:s6] =	ssyncadd.s32 $0xFFFFFE00  }
0x43f: {  	_ =	swait.ge [sflag:s6], $0x200  }
0x440: {  	s3 =	sld [smem:$0x7E4]  }
0x441: {  	[sflag:s6] =	ssyncset.done $0x0  }
0x442: {  	s1 =	sld [smem:$0x7E5];
	[sflag:s6] =	ssyncadd.s32 $0xFFFFFE00;
	s6 =	simm.s32 $0x3400  }
0x443: {  	[hbm4b:s3+s4] =	stream.strided.scatter [tilespmem:s6], [sflag:$0x4], $0x200, s5, s4, $0x38;
	[tilespmem:$0x6800] =	vst v63  }
0x444: {  	s7 =	simm.s32 $0x3600;
	s0 =	sld [smem:$0x7E6]  }
0x445: {  	[hbm4b:s1+s4] =	stream.strided.scatter [tilespmem:s7], [sflag:$0x4], $0x200, s5, s4, $0x38;
	[tilespmem:$0x6800] =	vst v63  }
0x446: {  	s6 =	simm.s32 $0x3800;
	s1 =	sld [smem:$0x7E7]  }
0x447: {  	[hbm4b:s0+s4] =	stream.strided.scatter [tilespmem:s6], [sflag:$0x4], $0x200, s5, s4, $0x38;
	[tilespmem:$0x6800] =	vst v63  }
0x448: {  	s7 =	sld [smem:$0x7E8]  }
0x449: {  	[hbm4b:s1+s4] =	stream.strided.scatter [tilespmem:s21], [sflag:$0x4], $0x200, s5, s4, $0x38;
	[tilespmem:$0x6800] =	vst v63  }
0x44a: {  	s3 =	sld [smem:$0x7E9]  }
0x44b: {  	[hbm4b:s7+s4] =	stream.strided.scatter [tilespmem:s30], [sflag:$0x4], $0x200, s5, s4, $0x38;
	[tilespmem:$0x6800] =	vst v63  }
0x44c: {  	s6 =	sld [smem:$0x7EA]  }
0x44d: {  	[hbm4b:s3+s4] =	stream.strided.scatter [tilespmem:s16], [sflag:$0x4], $0x200, s5, s4, $0x38;
	[tilespmem:$0x6800] =	vst v63  }
0x44e: {  	s7 =	sld [smem:$0x7EB]  }
0x44f: {  	[hbm4b:s6+s4] =	stream.strided.scatter [tilespmem:s29], [sflag:$0x4], $0x200, s5, s4, $0x38;
	[tilespmem:$0x6800] =	vst v63  }
0x450: {  	s16 =	sld [smem:$0x7EC]  }
0x451: {  	[hbm4b:s7+s4] =	stream.strided.scatter [tilespmem:s11], [sflag:$0x4], $0x200, s5, s4, $0x38;
	[tilespmem:$0x6800] =	vst v63  }
0x452: {  	s21 =	sld [smem:$0x7ED]  }
0x453: {  	[hbm4b:s16+s4] =	stream.strided.scatter [tilespmem:s25], [sflag:$0x4], $0x200, s5, s4, $0x38;
	[tilespmem:$0x6800] =	vst v63  }
0x454: {  	s29 =	sld [smem:$0x7EE]  }
0x455: {  	[hbm4b:s21+s4] =	stream.strided.scatter [tilespmem:s23], [sflag:$0x4], $0x200, s5, s4, $0x38;
	[tilespmem:$0x6800] =	vst v63  }
0x456: {  	s30 =	sld [smem:$0x7EF];
	s6 =	simm.s32 $0x4800  }
0x457: {  	[hbm4b:s29+s4] =	stream.strided.scatter [tilespmem:s6], [sflag:$0x4], $0x200, s5, s4, $0x38;
	[tilespmem:$0x6800] =	vst v63  }
0x458: {  	s7 =	sld [smem:$0x7F0]  }
0x459: {  	[hbm4b:s30+s4] =	stream.strided.scatter [tilespmem:s26], [sflag:$0x4], $0x200, s5, s4, $0x38;
	[tilespmem:$0x6800] =	vst v63  }
0x45a: {  	_ = 	snop  }
0x45b: {  	[hbm4b:s7+s4] =	stream.strided.scatter [tilespmem:s22], [sflag:$0x4], $0x200, s5, s4, $0x38;
	[tilespmem:$0x6800] =	vst v63  }
0x45c: {  	_ =	swait.ge [sflag:s19], $0x200  }
0x45d: {  	[sflag:s19] =	ssyncset.done $0x0  }
0x45e: {  	[sflag:s19] =	ssyncadd.s32 $0xFFFFFE00  }
0x45f: {  	_ =	swait.ge [sflag:s19], $0x200  }
0x460: {  	[sflag:s19] =	ssyncset.done $0x0  }
0x461: {  	[sflag:s19] =	ssyncadd.s32 $0xFFFFFE00  }
0x462: {  	_ =	swait.ge [sflag:s19], $0x200  }
0x463: {  	[sflag:s19] =	ssyncset.done $0x0  }
0x464: {  	[sflag:s19] =	ssyncadd.s32 $0xFFFFFE00  }
0x465: {  	_ =	swait.ge [sflag:s19], $0x200  }
0x466: {  	[sflag:s19] =	ssyncset.done $0x0  }
0x467: {  	[sflag:s19] =	ssyncadd.s32 $0xFFFFFE00  }
0x468: {  	_ =	swait.ge [sflag:s19], $0x200  }
0x469: {  	[sflag:s19] =	ssyncset.done $0x0  }
0x46a: {  	[sflag:s19] =	ssyncadd.s32 $0xFFFFFE00  }
0x46b: {  	_ =	swait.ge [sflag:s19], $0x200  }
0x46c: {  	[sflag:s19] =	ssyncset.done $0x0  }
0x46d: {  	[sflag:s19] =	ssyncadd.s32 $0xFFFFFE00  }
0x46e: {  	_ =	swait.ge [sflag:s19], $0x200  }
0x46f: {  	[sflag:s19] =	ssyncset.done $0x0  }
0x470: {  	[sflag:s19] =	ssyncadd.s32 $0xFFFFFE00  }
0x471: {  	_ =	swait.ge [sflag:s19], $0x200  }
0x472: {  	[sflag:s19] =	ssyncset.done $0x0  }
0x473: {  	[sflag:s19] =	ssyncadd.s32 $0xFFFFFE00  }
0x474: {  	_ =	swait.ge [sflag:s19], $0x200  }
0x475: {  	[sflag:s19] =	ssyncset.done $0x0  }
0x476: {  	[sflag:s19] =	ssyncadd.s32 $0xFFFFFE00  }
0x477: {  	_ =	swait.ge [sflag:s19], $0x200  }
0x478: {  	[sflag:s19] =	ssyncset.done $0x0  }
0x479: {  	[sflag:s19] =	ssyncadd.s32 $0xFFFFFE00  }
0x47a: {  	_ =	swait.ge [sflag:s19], $0x200  }
0x47b: {  	[sflag:s19] =	ssyncset.done $0x0  }
0x47c: {  	[sflag:s19] =	ssyncadd.s32 $0xFFFFFE00  }
0x47d: {  	_ =	swait.ge [sflag:s19], $0x200  }
0x47e: {  	[sflag:s19] =	ssyncset.done $0x0  }
0x47f: {  	[sflag:s19] =	ssyncadd.s32 $0xFFFFFE00  }
0x480: {  	_ =	swait.ge [sflag:s19], $0x200  }
0x481: {  	s11 =	sld [smem:$0x7F1]  }
0x482: {  	[sflag:s19] =	ssyncset.done $0x0  }
0x483: {  	s16 =	sld [smem:$0x7F2];
	[sflag:s19] =	ssyncadd.s32 $0xFFFFFE00  }
0x484: {  	[hbm4b:s11+s4] =	stream.strided.scatter [tilespmem:s17], [sflag:$0x4], $0x200, s5, s4, $0x38;
	[tilespmem:$0x6800] =	vst v63  }
0x485: {  	s17 =	sld [smem:$0x7F3]  }
0x486: {  	[hbm4b:s16+s4] =	stream.strided.scatter [tilespmem:s20], [sflag:$0x4], $0x200, s5, s4, $0x38;
	[tilespmem:$0x6800] =	vst v63  }
0x487: {  	s19 =	sld [smem:$0x7F4]  }
0x488: {  	[hbm4b:s17+s4] =	stream.strided.scatter [tilespmem:s10], [sflag:$0x4], $0x200, s5, s4, $0x38;
	[tilespmem:$0x6800] =	vst v63  }
0x489: {  	s20 =	sld [smem:$0x7F5]  }
0x48a: {  	[hbm4b:s19+s4] =	stream.strided.scatter [tilespmem:s13], [sflag:$0x4], $0x200, s5, s4, $0x38;
	[tilespmem:$0x6800] =	vst v63  }
0x48b: {  	s21 =	sld [smem:$0x7F6]  }
0x48c: {  	[hbm4b:s20+s4] =	stream.strided.scatter [tilespmem:s14], [sflag:$0x4], $0x200, s5, s4, $0x38;
	[tilespmem:$0x6800] =	vst v63  }
0x48d: {  	s22 =	sld [smem:$0x7F7]  }
0x48e: {  	[hbm4b:s21+s4] =	stream.strided.scatter [tilespmem:s15], [sflag:$0x4], $0x200, s5, s4, $0x38;
	[tilespmem:$0x6800] =	vst v63  }
0x48f: {  	s23 =	sld [smem:$0x7F8]  }
0x490: {  	[hbm4b:s22+s4] =	stream.strided.scatter [tilespmem:s18], [sflag:$0x4], $0x200, s5, s4, $0x38;
	[tilespmem:$0x6800] =	vst v63  }
0x491: {  	s25 =	sld [smem:$0x7F9]  }
0x492: {  	[hbm4b:s23+s4] =	stream.strided.scatter [tilespmem:s28], [sflag:$0x4], $0x200, s5, s4, $0x38;
	[tilespmem:$0x6800] =	vst v63  }
0x493: {  	s26 =	sld [smem:$0x7FA]  }
0x494: {  	[hbm4b:s25+s4] =	stream.strided.scatter [tilespmem:s12], [sflag:$0x4], $0x200, s5, s4, $0x38;
	[tilespmem:$0x6800] =	vst v63  }
0x495: {  	s28 =	sld [smem:$0x7FB]  }
0x496: {  	[hbm4b:s26+s4] =	stream.strided.scatter [tilespmem:s8], [sflag:$0x4], $0x200, s5, s4, $0x38;
	[tilespmem:$0x6800] =	vst v63  }
0x497: {  	s29 =	sld [smem:$0x7FC]  }
0x498: {  	[hbm4b:s28+s4] =	stream.strided.scatter [tilespmem:s24], [sflag:$0x4], $0x200, s5, s4, $0x38;
	[tilespmem:$0x6800] =	vst v63  }
0x499: {  	s30 =	sld [smem:$0x7FD]  }
0x49a: {  	[hbm4b:s29+s4] =	stream.strided.scatter [tilespmem:s31], [sflag:$0x4], $0x200, s5, s4, $0x38;
	[tilespmem:$0x6800] =	vst v63  }
0x49b: {  	_ = 	snop  }
0x49c: {  	[hbm4b:s30+s4] =	stream.strided.scatter [tilespmem:s9], [sflag:$0x4], $0x200, s5, s4, $0x38;
	[tilespmem:$0x6800] =	vst v63  }
0x49d: {  	_ =	swait.ge [sflag:s2], $0x200  }
0x49e: {  	[sflag:s2] =	ssyncset.done $0x0  }
0x49f: {  	[sflag:s2] =	ssyncadd.s32 $0xFFFFFE00  }
0x4a0: {  	_ =	swait.ge [sflag:s2], $0x200  }
0x4a1: {  	[sflag:s2] =	ssyncset.done $0x0  }
0x4a2: {  	[sflag:s2] =	ssyncadd.s32 $0xFFFFFE00  }
0x4a3: {  	_ =	swait.ge [sflag:s2], $0x200  }
0x4a4: {  	[sflag:s2] =	ssyncset.done $0x0  }
0x4a5: {  	[sflag:s2] =	ssyncadd.s32 $0xFFFFFE00  }
0x4a6: {  	_ =	swait.ge [sflag:s2], $0x200  }
0x4a7: {  	[sflag:s2] =	ssyncset.done $0x0  }
0x4a8: {  	[sflag:s2] =	ssyncadd.s32 $0xFFFFFE00  }
0x4a9: {  	_ =	swait.ge [sflag:s2], $0x200  }
0x4aa: {  	[sflag:s2] =	ssyncset.done $0x0  }
0x4ab: {  	[sflag:s2] =	ssyncadd.s32 $0xFFFFFE00  }
0x4ac: {  	_ =	swait.ge [sflag:s2], $0x200  }
0x4ad: {  	[sflag:s2] =	ssyncset.done $0x0  }
0x4ae: {  	[sflag:s2] =	ssyncadd.s32 $0xFFFFFE00  }
0x4af: {  	_ =	swait.ge [sflag:s2], $0x200  }
0x4b0: {  	[sflag:s2] =	ssyncset.done $0x0  }
0x4b1: {  	[sflag:s2] =	ssyncadd.s32 $0xFFFFFE00  }
0x4b2: {  	_ =	swait.ge [sflag:s2], $0x200  }
0x4b3: {  	[sflag:s2] =	ssyncset.done $0x0  }
0x4b4: {  	[sflag:s2] =	ssyncadd.s32 $0xFFFFFE00  }
0x4b5: {  	_ =	swait.ge [sflag:s2], $0x200  }
0x4b6: {  	[sflag:s2] =	ssyncset.done $0x0  }
0x4b7: {  	[sflag:s2] =	ssyncadd.s32 $0xFFFFFE00  }
0x4b8: {  	_ =	swait.ge [sflag:s2], $0x200  }
0x4b9: {  	[sflag:s2] =	ssyncset.done $0x0  }
0x4ba: {  	[sflag:s2] =	ssyncadd.s32 $0xFFFFFE00  }
0x4bb: {  	_ =	swait.ge [sflag:s2], $0x200  }
0x4bc: {  	[sflag:s2] =	ssyncset.done $0x0  }
0x4bd: {  	[sflag:s2] =	ssyncadd.s32 $0xFFFFFE00  }
0x4be: {  	_ =	swait.ge [sflag:s2], $0x200  }
0x4bf: {  	[sflag:s2] =	ssyncset.done $0x0  }
0x4c0: {  	[sflag:s2] =	ssyncadd.s32 $0xFFFFFE00  }
0x4c1: {  	_ =	swait.ge [sflag:s2], $0x200  }
0x4c2: {  	[sflag:s2] =	ssyncset.done $0x0  }
0x4c3: {  	[sflag:s2] =	ssyncadd.s32 $0xFFFFFE00  }
0x4c4: {  	_ =	swait.ge [sflag:s2], $0x200  }
0x4c5: {  	[sflag:s2] =	ssyncset.done $0x0  }
0x4c6: {  	[sflag:s2] =	ssyncadd.s32 $0xFFFFFE00  }
0x4c7: {  	_ =	swait.ge [sflag:s2], $0x200  }
0x4c8: {  	[sflag:s2] =	ssyncset.done $0x0  }
0x4c9: {  	[sflag:s2] =	ssyncadd.s32 $0xFFFFFE00  }
0x4ca: {  	_ =	swait.ge [sflag:s2], $0x200  }
0x4cb: {  	[sflag:s2] =	ssyncset.done $0x0  }
0x4cc: {  	[sflag:s2] =	ssyncadd.s32 $0xFFFFFE00  }
0x4cd: {  	_ =	swait.ge [sflag:s2], $0x200  }
0x4ce: {  	[sflag:s2] =	ssyncset.done $0x0  }
0x4cf: {  	[sflag:s2] =	ssyncadd.s32 $0xFFFFFE00  }
0x4d0: {  	_ =	swait.ge [sflag:s2], $0x200  }
0x4d1: {  	[sflag:s2] =	ssyncset.done $0x0  }
0x4d2: {  	[sflag:s2] =	ssyncadd.s32 $0xFFFFFE00  }
0x4d3: {  	_ =	swait.ge [sflag:s2], $0x200  }
0x4d4: {  	[sflag:s2] =	ssyncset.done $0x0  }
0x4d5: {  	[sflag:s2] =	ssyncadd.s32 $0xFFFFFE00  }
0x4d6: {  	_ =	swait.ge [sflag:s2], $0x200  }
0x4d7: {  	[sflag:s2] =	ssyncset.done $0x0  }
0x4d8: {  	[sflag:s2] =	ssyncadd.s32 $0xFFFFFE00  }
0x4d9: {  	_ =	swait.ge [sflag:s2], $0x200  }
0x4da: {  	[sflag:s2] =	ssyncset.done $0x0  }
0x4db: {  	[sflag:s2] =	ssyncadd.s32 $0xFFFFFE00  }
0x4dc: {  	_ =	swait.ge [sflag:s2], $0x200  }
0x4dd: {  	[sflag:s2] =	ssyncset.done $0x0  }
0x4de: {  	[sflag:s2] =	ssyncadd.s32 $0xFFFFFE00  }
0x4df: {  	_ =	swait.ge [sflag:s2], $0x200  }
0x4e0: {  	[sflag:s2] =	ssyncset.done $0x0  }
0x4e1: {  	[sflag:s2] =	ssyncadd.s32 $0xFFFFFE00  }
0x4e2: {  	_ =	swait.ge [sflag:s2], $0x200  }
0x4e3: {  	[sflag:s2] =	ssyncset.done $0x0  }
0x4e4: {  	[sflag:s2] =	ssyncadd.s32 $0xFFFFFE00  }
0x4e5: {  	_ =	swait.ge [sflag:s2], $0x200  }
0x4e6: {  	[sflag:s2] =	ssyncset.done $0x0  }
0x4e7: {  	[sflag:s2] =	ssyncadd.s32 $0xFFFFFE00  }
0x4e8: {  	_ =	swait.ge [sflag:s2], $0x200  }
0x4e9: {  	[sflag:s2] =	ssyncset.done $0x0  }
0x4ea: {  	[sflag:s2] =	ssyncadd.s32 $0xFFFFFE00  }
0x4eb: {  	_ =	sfence.sel $0x180000  }
0x4ec: {  	[bflag:$0x0] =	sbarrier.arrive $0xFFFF  }
0x4ed: {  	_ =	strace $0x90000047  }
0x4ee: {  	s31 =	stileid.u32;
	[bflag:$0x2] =	sbarrier.arrive $0xFFFF  }
0x4ef: {  	p0 =	sne.s32 s31, $0x0;
	s0 =	rddreg [dreg:$0x3]  }
0x4f0: {  	s0 =	sadd.s32 @!p0 $0x100000, s0  }
0x4f1: {  	[sflag:s0] =	ssyncadd.tile.s32 @!p0 $0x1;
	_ =	shalt  }
.Lfunc_end2:
_tile_overlayer_lowered:
.L_overlay_start_2:
0x4f2: {  	(tag) =	ssettag $0x2  }
0x4f3: {  	s0 =	rddreg [dreg:$0x0];
	s2 =	stileid.u32  }
0x4f4: {  	s1 =	rddreg [dreg:$0x1];
	p0 =	sne.s32 s2, $0x0  }
0x4f5: {  	s3 =	rddreg [dreg:$0x2];
	[bflag:$0x3] =	sbarrier.arrive $0xFFFF;
	s2 =	simm.s32 @!p0 $0x1C05  }
0x4f6: {  	[timem:s3], [sflag:s2] =	dma.local @!p0 [hbm:s0], s1  }
0x4f7: {  	s0 =	simm.s32 @!p0 $0x5  }
0x4f8: {  	_ =	swait.ge @!p0 [sflag:s0], s1  }
0x4f9: {  	s1 =	ssub.s32 @!p0 $0x0, s1;
	[sflag:s0] =	ssyncset.done @!p0 $0x0  }
0x4fa: {  	[sflag:s0] =	ssyncadd.s32 @!p0 s1  }
0x4fb: {  	[bflag:$0x3] =	sbarrier.arrive $0xFFFF  }
0x4fc: {  	_ =	shalt  }

</sc_bundles>
